<compile_context>
chip_gen: v7x
topology: tpu7x:2x2x1
jax: 0.10.2.dev20260603
libtpu: 0.0.44.dev20260713+nightly
codegen_flags: <defaults>
</compile_context>

<pallas_src>
import functools

import jax
import jax.numpy as jnp
from jax import lax
from jax.experimental import pallas as pl
from jax.experimental.pallas import tpu as pltpu
from jax.experimental.pallas import tpu_sc as plsc

B = 16384
D = 32
V = 1000000
NC = 2
NS = 16
NW = NC * NS
BPW = B // NW
CHUNK = 128
NCHUNK = BPW // CHUNK
WIN = 128
TAIL = V - (V // WIN) * WIN
TSTART = V - TAIL
RING = 8


def _win_start(r):
    return jnp.minimum((r // WIN) * WIN, TSTART - WIN)


def _gather_one(tab_t, tail_v, idx_v, uniq_s, rows_v, bufs, sems):
    d16a = lax.iota(jnp.int32, 16)
    d16b = d16a + 16

    def rd(i):
        return idx_v[pl.ds(i, 16)][0]

    def prepass(i, carry):
        prev_t, nu = carry
        t = _win_start(rd(i))
        new = t != prev_t

        @pl.when(new)
        def _():
            uniq_s[nu] = t

        return t, nu + new.astype(jnp.int32)

    _, n_u = lax.fori_loop(0, BPW, prepass, (jnp.int32(-1), jnp.int32(0)))

    def issue(f, p):
        t = uniq_s[f]
        pltpu.async_copy(
            tab_t.at[:, pl.ds(pl.multiple_of(t, WIN), WIN)],
            bufs.at[p], sems.at[p])

    for f in range(RING - 1):
        @pl.when(f < n_u)
        def _(f=f):
            issue(f, f)

    def step(i, carry):
        prev_t, f = carry
        r = rd(i)
        t = _win_start(r)
        new = t != prev_t
        f = f + new.astype(jnp.int32)
        p = lax.rem(f, RING)

        @pl.when(new)
        def _():
            pltpu.make_async_copy(
                tab_t.at[:, pl.ds(0, WIN)], bufs.at[p], sems.at[p]).wait()
            g = f + RING - 1

            @pl.when(g < n_u)
            def _():
                issue(g, lax.rem(g, RING))

        is_tail = r >= TSTART
        cn = jnp.minimum(r - t, WIN - 1)
        ct = jnp.minimum(jnp.maximum(r - TSTART, 0), TAIL - 1)
        cn16 = jnp.full((16,), cn, jnp.int32)
        ct16 = jnp.full((16,), ct, jnp.int32)
        top = plsc.load_gather(bufs.at[p], [d16a, cn16])
        bot = plsc.load_gather(bufs.at[p], [d16b, cn16])
        ttop = plsc.load_gather(tail_v, [d16a, ct16])
        tbot = plsc.load_gather(tail_v, [d16b, ct16])
        m16 = jnp.full((16,), is_tail, jnp.bool_)
        top = jnp.where(m16, ttop, top)
        bot = jnp.where(m16, tbot, bot)
        i16 = jnp.full((16,), i, jnp.int32)
        plsc.store_scatter(rows_v, [i16, d16a], top)
        plsc.store_scatter(rows_v, [i16, d16b], bot)
        return t, f

    lax.fori_loop(0, BPW, step, (jnp.int32(-1), jnp.int32(-1)))


def _gather_body(idx_hbm, perm_hbm, ta_t, tb_t, tatl, tbtl,
                 a_out, b_out,
                 idx_v, perm_v, uniq_s, rows_v, tail_v, bufs, sems, osem):
    c = lax.axis_index("c")
    s = lax.axis_index("s")
    wid = s * NC + c
    base = wid * BPW
    pltpu.sync_copy(idx_hbm.at[pl.ds(base, BPW)],
                    idx_v.at[pl.ds(0, BPW)])
    pltpu.sync_copy(perm_hbm.at[wid], perm_v)
    for tab_t, tl, out in ((ta_t, tatl, a_out), (tb_t, tbtl, b_out)):
        pltpu.sync_copy(tl, tail_v)
        _gather_one(tab_t, tail_v, idx_v, uniq_s, rows_v, bufs, sems)
        scats = []
        for j in range(NCHUNK):
            scats.append(pltpu.async_copy(
                rows_v.at[pl.ds(j * CHUNK, CHUNK)],
                out.at[perm_v.at[j]], osem))
        for sc in scats:
            sc.wait()


_f32 = jnp.float32
_padrow = jax.ShapeDtypeStruct((B, 128), _f32)


@functools.cache
def _make_gather():
  return pl.kernel(
    _gather_body,
    out_type=(_padrow, _padrow),
    mesh=plsc.VectorSubcoreMesh(core_axis_name="c", subcore_axis_name="s",
                                num_cores=NC, num_subcores=NS),
    scratch_types=[
        pltpu.VMEM((BPW + 16,), jnp.int32),
        pltpu.VMEM((NCHUNK, CHUNK), jnp.int32),
        pltpu.SMEM((BPW + 8,), jnp.int32),
        pltpu.VMEM((BPW, 128), _f32),
        pltpu.VMEM((D, TAIL), _f32),
        pltpu.VMEM((RING, D, WIN), _f32),
        pltpu.SemaphoreType.DMA((RING,)),
        pltpu.SemaphoreType.DMA,
    ],
    compiler_params=pltpu.CompilerParams(needs_layout_passes=False),
  )


TB = 2048


def _dense_body(ug4, ig4, um4, im4,
                W0, b0, W1, b1, W2, b2, W3, b3, Wf, bf, out):
    dot = lambda a, b: lax.dot_general(
        a, b, (((1,), (0,)), ((), ())),
        precision=lax.Precision.HIGHEST, preferred_element_type=_f32)
    ug = ug4[...][:, :D]
    ig = ig4[...][:, :D]
    um = um4[...][:, :D]
    im = im4[...][:, :D]
    gmf = ug * ig
    w0 = W0[...]
    h = jnp.maximum(dot(um, w0[:D]) + dot(im, w0[D:]) + b0[...][None, :], 0.0)
    h = jnp.maximum(dot(h, W1[...]) + b1[...][None, :], 0.0)
    h = jnp.maximum(dot(h, W2[...]) + b2[...][None, :], 0.0)
    h = jnp.maximum(dot(h, W3[...]) + b3[...][None, :], 0.0)
    wf = Wf[...]
    logit = dot(gmf, wf[:D]) + dot(h, wf[D:]) + bf[...][None, :]
    out[...] = jax.nn.sigmoid(logit)


def _full(shape):
    return pl.BlockSpec(shape, lambda i: (0,) * len(shape))


_dense = pl.pallas_call(
    _dense_body,
    grid=(B // TB,),
    in_specs=[
        pl.BlockSpec((TB, 128), lambda i: (i, 0)),
        pl.BlockSpec((TB, 128), lambda i: (i, 0)),
        pl.BlockSpec((TB, 128), lambda i: (i, 0)),
        pl.BlockSpec((TB, 128), lambda i: (i, 0)),
        _full((2 * D, 64)), _full((64,)),
        _full((64, 32)), _full((32,)),
        _full((32, 16)), _full((16,)),
        _full((16, 8)), _full((8,)),
        _full((D + 8, 1)), _full((1,)),
    ],
    out_specs=pl.BlockSpec((TB, 1), lambda i: (i, 0)),
    out_shape=jax.ShapeDtypeStruct((B, 1), _f32),
)


def kernel(user_indices, item_indices, user_gmf, item_gmf, user_mlp, item_mlp,
           W0, b0, W1, b1, W2, b2, W3, b3, Wf, bf):
    ui = user_indices.astype(jnp.int32)
    ii = item_indices.astype(jnp.int32)
    pos = lax.iota(jnp.int32, B)
    g2 = _make_gather()
    us, up = lax.sort_key_val(ui, pos)
    ug4, um4 = g2(us, up.reshape(NW, NCHUNK, CHUNK),
                  user_gmf.T, user_mlp.T,
                  user_gmf[TSTART:].T, user_mlp[TSTART:].T)
    its, ip = lax.sort_key_val(ii, pos)
    ig4, im4 = g2(its, ip.reshape(NW, NCHUNK, CHUNK),
                  item_gmf.T, item_mlp.T,
                  item_gmf[TSTART:].T, item_mlp[TSTART:].T)
    pred = _dense(ug4, ig4, um4, im4,
                  W0, b0, W1, b1, W2, b2, W3, b3, Wf, bf)
    return pred.reshape(-1)

# --- scband reference (transcript-rebuilt; emitter-appended) ---
"""Pipeline reference for scband-ncfmodel-2619930051135 (READ-ONLY COPY).

The authoritative reference and input builder live on the scoring server;
editing this copy changes nothing except your own understanding.
"""

import jax, jax.numpy as jnp
import numpy as np

N_USERS = 1000000
N_ITEMS = 1000000
D = 32
B = 16384
LAYERS = [64, 32, 16, 8]


def _xavier(k, shape):
    fan_in, fan_out = shape[0], shape[1]
    std = (2.0 / (fan_in + fan_out)) ** 0.5
    return jax.random.normal(k, shape, dtype=jnp.float32) * std


def setup_inputs(seed: int = 0) -> dict:
    key = jax.random.key(seed)
    ks = jax.random.split(key, 16)
    inp = {}
    inp["user_indices"] = jax.random.randint(ks[0], (B,), 0, N_USERS)
    inp["item_indices"] = jax.random.randint(ks[1], (B,), 0, N_ITEMS)
    # GMF embedding tables
    inp["user_gmf"] = _xavier(ks[2], (N_USERS, D))
    inp["item_gmf"] = _xavier(ks[3], (N_ITEMS, D))
    # MLP embedding tables
    inp["user_mlp"] = _xavier(ks[4], (N_USERS, D))
    inp["item_mlp"] = _xavier(ks[5], (N_ITEMS, D))
    # MLP layers: 64 -> 64 -> 32 -> 16 -> 8
    sizes = [2 * D] + LAYERS
    for i in range(len(LAYERS)):
        inp[f"W{i}"] = _xavier(ks[6 + 2 * i], (sizes[i], sizes[i + 1]))
        inp[f"b{i}"] = jnp.zeros((sizes[i + 1],), dtype=jnp.float32)
    # final layer: (D + LAYERS[-1]) -> 1
    inp["Wf"] = _xavier(ks[14], (D + LAYERS[-1], 1))
    inp["bf"] = jnp.zeros((1,), dtype=jnp.float32)
    return inp


def reference(user_indices, item_indices, user_gmf, item_gmf, user_mlp, item_mlp,
              W0, b0, W1, b1, W2, b2, W3, b3, Wf, bf):
    # GMF branch: elementwise product of gathered embeddings
    ug = jnp.take(user_gmf, user_indices, axis=0)
    ig = jnp.take(item_gmf, item_indices, axis=0)
    gmf_out = ug * ig
    # MLP branch (dropout is identity in eval mode)
    um = jnp.take(user_mlp, user_indices, axis=0)
    im = jnp.take(item_mlp, item_indices, axis=0)
    h = jnp.concatenate([um, im], axis=-1)
    for W, b in ((W0, b0), (W1, b1), (W2, b2), (W3, b3)):
        h = jax.nn.relu(h @ W + b)
    concat_out = jnp.concatenate([gmf_out, h], axis=-1)
    pred = jax.nn.sigmoid(concat_out @ Wf + bf)
    return pred.reshape(-1)

if __name__ == "__main__":
    import jax
    _d = setup_inputs()
    print(jax.jit(kernel)(*tuple(_d.values())))

</pallas_src>

<mosaic_0001>
#map = affine_map<(d0, d1) -> (0)>
#map1 = affine_map<(d0, d1) -> (0, 0, 0)>
#map2 = affine_map<(d0, d1) -> (0, 0)>
module attributes {stable_mosaic.version = 14 : i64} {
  func.func @_gather_body(%arg0: i32, %arg1: i32, %arg2: memref<16384xi32, #tpu.memory_space<hbm>>, %arg3: memref<32x4x128xi32, #tpu.memory_space<hbm>>, %arg4: memref<32x1000000xf32, #tpu.memory_space<hbm>>, %arg5: memref<32x1000000xf32, #tpu.memory_space<hbm>>, %arg6: memref<32x64xf32, #tpu.memory_space<hbm>>, %arg7: memref<32x64xf32, #tpu.memory_space<hbm>>, %arg8: memref<16384x128xf32, #tpu.memory_space<hbm>>, %arg9: memref<16384x128xf32, #tpu.memory_space<hbm>>, %arg10: memref<528xi32, #tpu.memory_space<vmem>>, %arg11: memref<4x128xi32, #tpu.memory_space<vmem>>, %arg12: memref<520xi32, #tpu.memory_space<smem>>, %arg13: memref<512x128xf32, #tpu.memory_space<vmem>>, %arg14: memref<32x64xf32, #tpu.memory_space<vmem>>, %arg15: memref<8x32x128xf32, #tpu.memory_space<vmem>>, %arg16: memref<8x!tpu.dma_semaphore, #tpu.memory_space<semaphore_mem>>, %arg17: memref<!tpu.dma_semaphore, #tpu.memory_space<semaphore_mem>>) attributes {dimension_semantics = [#tpu.dimension_semantics<core_parallel>, #tpu.dimension_semantics<subcore_parallel>], iteration_bounds = array<i64: 2, 16>, scalar_prefetch = 0 : i64, scratch_operands = 8 : i64, tpu.core_type = #tpu.core_type<sc_vector_subcore>, window_params = [{transform_indices = #map}, {transform_indices = #map1}, {transform_indices = #map2}, {transform_indices = #map2}, {transform_indices = #map2}, {transform_indices = #map2}, {transform_indices = #map2}, {transform_indices = #map2}]} {
    %mul3A = arith.constant 2 : i32
    %mul3A_0 = arith.muli %arg1, %mul3A : i32
    %add3A = arith.addi %mul3A_0, %arg0 : i32
    %mul3A_1 = arith.constant 512 : i32
    %mul3A_2 = arith.muli %add3A, %mul3A_1 : i32
    "tpu.region"() ({
      %run_scoped3A = tpu.sem_alloc : memref<!tpu.dma_semaphore, #tpu.memory_space<semaphore_mem>>
      %dma_start3A_266 = arith.constant 0 : i32
      %dma_start3A_267 = tpu.memref_slice %arg10[%dma_start3A_266] : memref<528xi32, #tpu.memory_space<vmem>> -> memref<512xi32, #tpu.memory_space<vmem>>
      %dma_start3A_268 = tpu.memref_slice %arg2[%mul3A_2] : memref<16384xi32, #tpu.memory_space<hbm>> -> memref<512xi32, #tpu.memory_space<hbm>>
      %dma_start3A_269 = arith.constant 0 : i32
      %dma_start3A_270 = tpu.memref_slice %arg10[%dma_start3A_269] : memref<528xi32, #tpu.memory_space<vmem>> -> memref<512xi32, #tpu.memory_space<vmem>>
      %dma_start3A_271 = tpu.memref_slice %arg2[%mul3A_2] : memref<16384xi32, #tpu.memory_space<hbm>> -> memref<512xi32, #tpu.memory_space<hbm>>
      tpu.enqueue_dma source(%dma_start3A_271 : memref<512xi32, #tpu.memory_space<hbm>>) target(%dma_start3A_270 : memref<512xi32, #tpu.memory_space<vmem>>) target_semaphore(%run_scoped3A : memref<!tpu.dma_semaphore, #tpu.memory_space<semaphore_mem>>)
      %dma_wait3A_272 = arith.constant 0 : i32
      %dma_wait3A_273 = tpu.memref_slice %arg10[%dma_wait3A_272] : memref<528xi32, #tpu.memory_space<vmem>> -> memref<512xi32, #tpu.memory_space<vmem>>
      %dma_wait3A_274 = tpu.memref_slice %arg2[%mul3A_2] : memref<16384xi32, #tpu.memory_space<hbm>> -> memref<512xi32, #tpu.memory_space<hbm>>
      %dma_wait3A_275 = arith.constant 0 : i32
      %dma_wait3A_276 = tpu.memref_slice %arg10[%dma_wait3A_275] : memref<528xi32, #tpu.memory_space<vmem>> -> memref<512xi32, #tpu.memory_space<vmem>>
      %dma_wait3A_277 = tpu.memref_slice %arg2[%mul3A_2] : memref<16384xi32, #tpu.memory_space<hbm>> -> memref<512xi32, #tpu.memory_space<hbm>>
      tpu.wait_dma2 semaphore(%run_scoped3A : memref<!tpu.dma_semaphore, #tpu.memory_space<semaphore_mem>>) src(%dma_wait3A_277 : memref<512xi32, #tpu.memory_space<hbm>>) dst(%dma_wait3A_276 : memref<512xi32, #tpu.memory_space<vmem>>)
      tpu.yield
    }) : () -> ()
    "tpu.region"() ({
      %run_scoped3A = tpu.sem_alloc : memref<!tpu.dma_semaphore, #tpu.memory_space<semaphore_mem>>
      %dma_start3A_266 = arith.constant 0 : i32
      %dma_start3A_267 = arith.constant 0 : i32
      %dma_start3A_268 = tpu.memref_slice %arg3[%add3A, %dma_start3A_266, %dma_start3A_267] : memref<32x4x128xi32, #tpu.memory_space<hbm>> -> memref<1x4x128xi32, #tpu.memory_space<hbm>>
      %dma_start3A_269 = tpu.memref_squeeze %dma_start3A_268 : memref<1x4x128xi32, #tpu.memory_space<hbm>> -> memref<4x128xi32, #tpu.memory_space<hbm>>
      %dma_start3A_270 = arith.constant 0 : i32
      %dma_start3A_271 = arith.constant 0 : i32
      %dma_start3A_272 = tpu.memref_slice %arg3[%add3A, %dma_start3A_270, %dma_start3A_271] : memref<32x4x128xi32, #tpu.memory_space<hbm>> -> memref<1x4x128xi32, #tpu.memory_space<hbm>>
      %dma_start3A_273 = tpu.memref_squeeze %dma_start3A_272 : memref<1x4x128xi32, #tpu.memory_space<hbm>> -> memref<4x128xi32, #tpu.memory_space<hbm>>
      tpu.enqueue_dma source(%dma_start3A_273 : memref<4x128xi32, #tpu.memory_space<hbm>>) target(%arg11 : memref<4x128xi32, #tpu.memory_space<vmem>>) target_semaphore(%run_scoped3A : memref<!tpu.dma_semaphore, #tpu.memory_space<semaphore_mem>>)
      %dma_wait3A_274 = arith.constant 0 : i32
      %dma_wait3A_275 = arith.constant 0 : i32
      %dma_wait3A_276 = tpu.memref_slice %arg3[%add3A, %dma_wait3A_274, %dma_wait3A_275] : memref<32x4x128xi32, #tpu.memory_space<hbm>> -> memref<1x4x128xi32, #tpu.memory_space<hbm>>
      %dma_wait3A_277 = tpu.memref_squeeze %dma_wait3A_276 : memref<1x4x128xi32, #tpu.memory_space<hbm>> -> memref<4x128xi32, #tpu.memory_space<hbm>>
      %dma_wait3A_278 = arith.constant 0 : i32
      %dma_wait3A_279 = arith.constant 0 : i32
      %dma_wait3A_280 = tpu.memref_slice %arg3[%add3A, %dma_wait3A_278, %dma_wait3A_279] : memref<32x4x128xi32, #tpu.memory_space<hbm>> -> memref<1x4x128xi32, #tpu.memory_space<hbm>>
      %dma_wait3A_281 = tpu.memref_squeeze %dma_wait3A_280 : memref<1x4x128xi32, #tpu.memory_space<hbm>> -> memref<4x128xi32, #tpu.memory_space<hbm>>
      tpu.wait_dma2 semaphore(%run_scoped3A : memref<!tpu.dma_semaphore, #tpu.memory_space<semaphore_mem>>) src(%dma_wait3A_281 : memref<4x128xi32, #tpu.memory_space<hbm>>) dst(%arg11 : memref<4x128xi32, #tpu.memory_space<vmem>>)
      tpu.yield
    }) : () -> ()
    "tpu.region"() ({
      %run_scoped3A = tpu.sem_alloc : memref<!tpu.dma_semaphore, #tpu.memory_space<semaphore_mem>>
      tpu.enqueue_dma source(%arg6 : memref<32x64xf32, #tpu.memory_space<hbm>>) target(%arg14 : memref<32x64xf32, #tpu.memory_space<vmem>>) target_semaphore(%run_scoped3A : memref<!tpu.dma_semaphore, #tpu.memory_space<semaphore_mem>>)
      tpu.wait_dma2 semaphore(%run_scoped3A : memref<!tpu.dma_semaphore, #tpu.memory_space<semaphore_mem>>) src(%arg6 : memref<32x64xf32, #tpu.memory_space<hbm>>) dst(%arg14 : memref<32x64xf32, #tpu.memory_space<vmem>>)
      tpu.yield
    }) : () -> ()
    %iota3A = tpu.iota {dimensions = array<i32: 0>} : vector<16xi32>
    %add3A_3 = arith.constant 16 : i32
    %add3A_4 = vector.broadcast %add3A_3 : i32 to vector<16xi32>
    %add3A_5 = arith.addi %iota3A, %add3A_4 : vector<16xi32>
    %scan3A = arith.constant -1 : i32
    %scan3A_6 = arith.constant 0 : i32
    %scan3A_7 = arith.constant 0 : i32
    %scan3A_8 = arith.constant 512 : i32
    %scan3A_9 = arith.addi %scan3A_7, %scan3A_8 : i32
    %scan3A_10 = arith.constant 1 : i32
    %scan3A_11:2 = scf.for %scan3A_266 = %scan3A_7 to %scan3A_9 step %scan3A_10 iter_args(%scan3A_267 = %scan3A, %scan3A_268 = %scan3A_6) -> (i32, i32)  : i32 {
      %get3A = arith.index_cast %scan3A_266 : i32 to index
      %get3A_269 = tpu.vector_load %arg10[%get3A] {strides = array<i32>} : memref<528xi32, #tpu.memory_space<vmem>>, vector<16xi32>,
      %slice3A = vector.extract_strided_slice %get3A_269 {offsets = [0], sizes = [1], strides = [1]} : vector<16xi32> to vector<1xi32>
      %squeeze3A = vector.extract %slice3A[0] : i32 from vector<1xi32>
      %jit3A = arith.constant 128 : i32
      %div3A = arith.divsi %squeeze3A, %jit3A : i32
      %sign3A = arith.constant 0 : i32
      %sign3A_270 = arith.cmpi sgt, %squeeze3A, %sign3A : i32
      %sign3A_271 = arith.extui %sign3A_270 : i1 to i32
      %sign3A_272 = arith.constant 0 : i32
      %sign3A_273 = arith.cmpi slt, %squeeze3A, %sign3A_272 : i32
      %sign3A_274 = arith.extui %sign3A_273 : i1 to i32
      %sign3A_275 = arith.subi %sign3A_271, %sign3A_274 : i32
      %sign3A_276 = arith.constant 0 : i32
      %sign3A_277 = arith.cmpi sgt, %jit3A, %sign3A_276 : i32
      %sign3A_278 = arith.extui %sign3A_277 : i1 to i32
      %sign3A_279 = arith.constant 0 : i32
      %sign3A_280 = arith.cmpi slt, %jit3A, %sign3A_279 : i32
      %sign3A_281 = arith.extui %sign3A_280 : i1 to i32
      %sign3A_282 = arith.subi %sign3A_278, %sign3A_281 : i32
      %ne3A = arith.cmpi ne, %sign3A_275, %sign3A_282 : i32
      %rem3A = arith.remsi %squeeze3A, %jit3A : i32
      %ne3A_283 = arith.constant 0 : i32
      %ne3A_284 = arith.cmpi ne, %rem3A, %ne3A_283 : i32
      %and3A = arith.andi %ne3A, %ne3A_284 : i1
      %sub3A = arith.constant 1 : i32
      %sub3A_285 = arith.subi %div3A, %sub3A : i32
      %select_n3A = arith.select %and3A, %sub3A_285, %div3A : i32
      %mul3A_286 = arith.constant 128 : i32
      %mul3A_287 = arith.muli %select_n3A, %mul3A_286 : i32
      %min3A = arith.constant 999808 : i32
      %min3A_288 = arith.minsi %mul3A_287, %min3A : i32
      %ne3A_289 = arith.cmpi ne, %min3A_288, %scan3A_267 : i32
      %convert_element_type3A_290 = arith.extui %ne3A_289 : i1 to i32
      %cond3A_291 = arith.constant 0 : i32
      %cond3A_292 = arith.cmpi ne, %convert_element_type3A_290, %cond3A_291 : i32
      scf.if %cond3A_292 {
        %swap3A = arith.index_cast %scan3A_268 : i32 to index
        %swap3A_295 = memref.load %arg12[%swap3A] : memref<520xi32, #tpu.memory_space<smem>>
        memref.store %min3A_288, %arg12[%swap3A] : memref<520xi32, #tpu.memory_space<smem>>
      } else {
      }
      %convert_element_type3A_293 = arith.extui %ne3A_289 : i1 to i32
      %add3A_294 = arith.addi %scan3A_268, %convert_element_type3A_293 : i32
      scf.yield %min3A_288, %add3A_294 : i32, i32
    }
    %scan3A_12 = arith.constant 512 : i32
    %gt3A = arith.constant 0 : i32
    %gt3A_13 = arith.cmpi sgt, %scan3A_11#1, %gt3A : i32
    %convert_element_type3A = arith.extui %gt3A_13 : i1 to i32
    %cond3A = arith.constant 0 : i32
    %cond3A_14 = arith.cmpi ne, %convert_element_type3A, %cond3A : i32
    scf.if %cond3A_14 {
      %get3A = arith.constant 0 : i32
      %get3A_266 = arith.index_cast %get3A : i32 to index
      %get3A_267 = memref.load %arg12[%get3A_266] : memref<520xi32, #tpu.memory_space<smem>>
      %multiple_of3A = tpu.assume_multiple %get3A_267, 128 : i32
      %dma_start3A_268 = arith.constant 0 : i32
      %dma_start3A_269 = arith.constant 0 : i32
      %dma_start3A_270 = arith.constant 0 : i32
      %dma_start3A_271 = arith.constant 0 : i32
      %dma_start3A_272 = tpu.memref_slice %arg15[%dma_start3A_268, %dma_start3A_270, %dma_start3A_271] : memref<8x32x128xf32, #tpu.memory_space<vmem>> -> memref<1x32x128xf32, #tpu.memory_space<vmem>>
      %dma_start3A_273 = tpu.memref_squeeze %dma_start3A_272 : memref<1x32x128xf32, #tpu.memory_space<vmem>> -> memref<32x128xf32, #tpu.memory_space<vmem>>
      %dma_start3A_274 = arith.constant 0 : i32
      %dma_start3A_275 = tpu.memref_slice %arg4[%dma_start3A_274, %multiple_of3A] : memref<32x1000000xf32, #tpu.memory_space<hbm>> -> memref<32x128xf32, #tpu.memory_space<hbm>>
      %dma_start3A_276 = tpu.memref_slice %arg16[%dma_start3A_269] : memref<8x!tpu.dma_semaphore, #tpu.memory_space<semaphore_mem>> -> memref<1x!tpu.dma_semaphore, #tpu.memory_space<semaphore_mem>>
      %dma_start3A_277 = tpu.memref_squeeze %dma_start3A_276 : memref<1x!tpu.dma_semaphore, #tpu.memory_space<semaphore_mem>> -> memref<!tpu.dma_semaphore, #tpu.memory_space<semaphore_mem>>
      %dma_start3A_278 = arith.constant 0 : i32
      %dma_start3A_279 = arith.constant 0 : i32
      %dma_start3A_280 = tpu.memref_slice %arg15[%dma_start3A_268, %dma_start3A_278, %dma_start3A_279] : memref<8x32x128xf32, #tpu.memory_space<vmem>> -> memref<1x32x128xf32, #tpu.memory_space<vmem>>
      %dma_start3A_281 = tpu.memref_squeeze %dma_start3A_280 : memref<1x32x128xf32, #tpu.memory_space<vmem>> -> memref<32x128xf32, #tpu.memory_space<vmem>>
      %dma_start3A_282 = arith.constant 0 : i32
      %dma_start3A_283 = tpu.memref_slice %arg4[%dma_start3A_282, %multiple_of3A] : memref<32x1000000xf32, #tpu.memory_space<hbm>> -> memref<32x128xf32, #tpu.memory_space<hbm>>
      tpu.enqueue_dma source(%dma_start3A_283 : memref<32x128xf32, #tpu.memory_space<hbm>>) target(%dma_start3A_281 : memref<32x128xf32, #tpu.memory_space<vmem>>) target_semaphore(%dma_start3A_277 : memref<!tpu.dma_semaphore, #tpu.memory_space<semaphore_mem>>)
    } else {
    }
    %gt3A_15 = arith.constant 1 : i32
    %gt3A_16 = arith.cmpi sgt, %scan3A_11#1, %gt3A_15 : i32
    %convert_element_type3A_17 = arith.extui %gt3A_16 : i1 to i32
    %cond3A_18 = arith.constant 0 : i32
    %cond3A_19 = arith.cmpi ne, %convert_element_type3A_17, %cond3A_18 : i32
    scf.if %cond3A_19 {
      %get3A = arith.constant 1 : i32
      %get3A_266 = arith.index_cast %get3A : i32 to index
      %get3A_267 = memref.load %arg12[%get3A_266] : memref<520xi32, #tpu.memory_space<smem>>
      %multiple_of3A = tpu.assume_multiple %get3A_267, 128 : i32
      %dma_start3A_268 = arith.constant 1 : i32
      %dma_start3A_269 = arith.constant 1 : i32
      %dma_start3A_270 = arith.constant 0 : i32
      %dma_start3A_271 = arith.constant 0 : i32
      %dma_start3A_272 = tpu.memref_slice %arg15[%dma_start3A_268, %dma_start3A_270, %dma_start3A_271] : memref<8x32x128xf32, #tpu.memory_space<vmem>> -> memref<1x32x128xf32, #tpu.memory_space<vmem>>
      %dma_start3A_273 = tpu.memref_squeeze %dma_start3A_272 : memref<1x32x128xf32, #tpu.memory_space<vmem>> -> memref<32x128xf32, #tpu.memory_space<vmem>>
      %dma_start3A_274 = arith.constant 0 : i32
      %dma_start3A_275 = tpu.memref_slice %arg4[%dma_start3A_274, %multiple_of3A] : memref<32x1000000xf32, #tpu.memory_space<hbm>> -> memref<32x128xf32, #tpu.memory_space<hbm>>
      %dma_start3A_276 = tpu.memref_slice %arg16[%dma_start3A_269] : memref<8x!tpu.dma_semaphore, #tpu.memory_space<semaphore_mem>> -> memref<1x!tpu.dma_semaphore, #tpu.memory_space<semaphore_mem>>
      %dma_start3A_277 = tpu.memref_squeeze %dma_start3A_276 : memref<1x!tpu.dma_semaphore, #tpu.memory_space<semaphore_mem>> -> memref<!tpu.dma_semaphore, #tpu.memory_space<semaphore_mem>>
      %dma_start3A_278 = arith.constant 0 : i32
      %dma_start3A_279 = arith.constant 0 : i32
      %dma_start3A_280 = tpu.memref_slice %arg15[%dma_start3A_268, %dma_start3A_278, %dma_start3A_279] : memref<8x32x128xf32, #tpu.memory_space<vmem>> -> memref<1x32x128xf32, #tpu.memory_space<vmem>>
      %dma_start3A_281 = tpu.memref_squeeze %dma_start3A_280 : memref<1x32x128xf32, #tpu.memory_space<vmem>> -> memref<32x128xf32, #tpu.memory_space<vmem>>
      %dma_start3A_282 = arith.constant 0 : i32
      %dma_start3A_283 = tpu.memref_slice %arg4[%dma_start3A_282, %multiple_of3A] : memref<32x1000000xf32, #tpu.memory_space<hbm>> -> memref<32x128xf32, #tpu.memory_space<hbm>>
      tpu.enqueue_dma source(%dma_start3A_283 : memref<32x128xf32, #tpu.memory_space<hbm>>) target(%dma_start3A_281 : memref<32x128xf32, #tpu.memory_space<vmem>>) target_semaphore(%dma_start3A_277 : memref<!tpu.dma_semaphore, #tpu.memory_space<semaphore_mem>>)
    } else {
    }
    %gt3A_20 = arith.constant 2 : i32
    %gt3A_21 = arith.cmpi sgt, %scan3A_11#1, %gt3A_20 : i32
    %convert_element_type3A_22 = arith.extui %gt3A_21 : i1 to i32
    %cond3A_23 = arith.constant 0 : i32
    %cond3A_24 = arith.cmpi ne, %convert_element_type3A_22, %cond3A_23 : i32
    scf.if %cond3A_24 {
      %get3A = arith.constant 2 : i32
      %get3A_266 = arith.index_cast %get3A : i32 to index
      %get3A_267 = memref.load %arg12[%get3A_266] : memref<520xi32, #tpu.memory_space<smem>>
      %multiple_of3A = tpu.assume_multiple %get3A_267, 128 : i32
      %dma_start3A_268 = arith.constant 2 : i32
      %dma_start3A_269 = arith.constant 2 : i32
      %dma_start3A_270 = arith.constant 0 : i32
      %dma_start3A_271 = arith.constant 0 : i32
      %dma_start3A_272 = tpu.memref_slice %arg15[%dma_start3A_268, %dma_start3A_270, %dma_start3A_271] : memref<8x32x128xf32, #tpu.memory_space<vmem>> -> memref<1x32x128xf32, #tpu.memory_space<vmem>>
      %dma_start3A_273 = tpu.memref_squeeze %dma_start3A_272 : memref<1x32x128xf32, #tpu.memory_space<vmem>> -> memref<32x128xf32, #tpu.memory_space<vmem>>
      %dma_start3A_274 = arith.constant 0 : i32
      %dma_start3A_275 = tpu.memref_slice %arg4[%dma_start3A_274, %multiple_of3A] : memref<32x1000000xf32, #tpu.memory_space<hbm>> -> memref<32x128xf32, #tpu.memory_space<hbm>>
      %dma_start3A_276 = tpu.memref_slice %arg16[%dma_start3A_269] : memref<8x!tpu.dma_semaphore, #tpu.memory_space<semaphore_mem>> -> memref<1x!tpu.dma_semaphore, #tpu.memory_space<semaphore_mem>>
      %dma_start3A_277 = tpu.memref_squeeze %dma_start3A_276 : memref<1x!tpu.dma_semaphore, #tpu.memory_space<semaphore_mem>> -> memref<!tpu.dma_semaphore, #tpu.memory_space<semaphore_mem>>
      %dma_start3A_278 = arith.constant 0 : i32
      %dma_start3A_279 = arith.constant 0 : i32
      %dma_start3A_280 = tpu.memref_slice %arg15[%dma_start3A_268, %dma_start3A_278, %dma_start3A_279] : memref<8x32x128xf32, #tpu.memory_space<vmem>> -> memref<1x32x128xf32, #tpu.memory_space<vmem>>
      %dma_start3A_281 = tpu.memref_squeeze %dma_start3A_280 : memref<1x32x128xf32, #tpu.memory_space<vmem>> -> memref<32x128xf32, #tpu.memory_space<vmem>>
      %dma_start3A_282 = arith.constant 0 : i32
      %dma_start3A_283 = tpu.memref_slice %arg4[%dma_start3A_282, %multiple_of3A] : memref<32x1000000xf32, #tpu.memory_space<hbm>> -> memref<32x128xf32, #tpu.memory_space<hbm>>
      tpu.enqueue_dma source(%dma_start3A_283 : memref<32x128xf32, #tpu.memory_space<hbm>>) target(%dma_start3A_281 : memref<32x128xf32, #tpu.memory_space<vmem>>) target_semaphore(%dma_start3A_277 : memref<!tpu.dma_semaphore, #tpu.memory_space<semaphore_mem>>)
    } else {
    }
    %gt3A_25 = arith.constant 3 : i32
    %gt3A_26 = arith.cmpi sgt, %scan3A_11#1, %gt3A_25 : i32
    %convert_element_type3A_27 = arith.extui %gt3A_26 : i1 to i32
    %cond3A_28 = arith.constant 0 : i32
    %cond3A_29 = arith.cmpi ne, %convert_element_type3A_27, %cond3A_28 : i32
    scf.if %cond3A_29 {
      %get3A = arith.constant 3 : i32
      %get3A_266 = arith.index_cast %get3A : i32 to index
      %get3A_267 = memref.load %arg12[%get3A_266] : memref<520xi32, #tpu.memory_space<smem>>
      %multiple_of3A = tpu.assume_multiple %get3A_267, 128 : i32
      %dma_start3A_268 = arith.constant 3 : i32
      %dma_start3A_269 = arith.constant 3 : i32
      %dma_start3A_270 = arith.constant 0 : i32
      %dma_start3A_271 = arith.constant 0 : i32
      %dma_start3A_272 = tpu.memref_slice %arg15[%dma_start3A_268, %dma_start3A_270, %dma_start3A_271] : memref<8x32x128xf32, #tpu.memory_space<vmem>> -> memref<1x32x128xf32, #tpu.memory_space<vmem>>
      %dma_start3A_273 = tpu.memref_squeeze %dma_start3A_272 : memref<1x32x128xf32, #tpu.memory_space<vmem>> -> memref<32x128xf32, #tpu.memory_space<vmem>>
      %dma_start3A_274 = arith.constant 0 : i32
      %dma_start3A_275 = tpu.memref_slice %arg4[%dma_start3A_274, %multiple_of3A] : memref<32x1000000xf32, #tpu.memory_space<hbm>> -> memref<32x128xf32, #tpu.memory_space<hbm>>
      %dma_start3A_276 = tpu.memref_slice %arg16[%dma_start3A_269] : memref<8x!tpu.dma_semaphore, #tpu.memory_space<semaphore_mem>> -> memref<1x!tpu.dma_semaphore, #tpu.memory_space<semaphore_mem>>
      %dma_start3A_277 = tpu.memref_squeeze %dma_start3A_276 : memref<1x!tpu.dma_semaphore, #tpu.memory_space<semaphore_mem>> -> memref<!tpu.dma_semaphore, #tpu.memory_space<semaphore_mem>>
      %dma_start3A_278 = arith.constant 0 : i32
      %dma_start3A_279 = arith.constant 0 : i32
      %dma_start3A_280 = tpu.memref_slice %arg15[%dma_start3A_268, %dma_start3A_278, %dma_start3A_279] : memref<8x32x128xf32, #tpu.memory_space<vmem>> -> memref<1x32x128xf32, #tpu.memory_space<vmem>>
      %dma_start3A_281 = tpu.memref_squeeze %dma_start3A_280 : memref<1x32x128xf32, #tpu.memory_space<vmem>> -> memref<32x128xf32, #tpu.memory_space<vmem>>
      %dma_start3A_282 = arith.constant 0 : i32
      %dma_start3A_283 = tpu.memref_slice %arg4[%dma_start3A_282, %multiple_of3A] : memref<32x1000000xf32, #tpu.memory_space<hbm>> -> memref<32x128xf32, #tpu.memory_space<hbm>>
      tpu.enqueue_dma source(%dma_start3A_283 : memref<32x128xf32, #tpu.memory_space<hbm>>) target(%dma_start3A_281 : memref<32x128xf32, #tpu.memory_space<vmem>>) target_semaphore(%dma_start3A_277 : memref<!tpu.dma_semaphore, #tpu.memory_space<semaphore_mem>>)
    } else {
    }
    %gt3A_30 = arith.constant 4 : i32
    %gt3A_31 = arith.cmpi sgt, %scan3A_11#1, %gt3A_30 : i32
    %convert_element_type3A_32 = arith.extui %gt3A_31 : i1 to i32
    %cond3A_33 = arith.constant 0 : i32
    %cond3A_34 = arith.cmpi ne, %convert_element_type3A_32, %cond3A_33 : i32
    scf.if %cond3A_34 {
      %get3A = arith.constant 4 : i32
      %get3A_266 = arith.index_cast %get3A : i32 to index
      %get3A_267 = memref.load %arg12[%get3A_266] : memref<520xi32, #tpu.memory_space<smem>>
      %multiple_of3A = tpu.assume_multiple %get3A_267, 128 : i32
      %dma_start3A_268 = arith.constant 4 : i32
      %dma_start3A_269 = arith.constant 4 : i32
      %dma_start3A_270 = arith.constant 0 : i32
      %dma_start3A_271 = arith.constant 0 : i32
      %dma_start3A_272 = tpu.memref_slice %arg15[%dma_start3A_268, %dma_start3A_270, %dma_start3A_271] : memref<8x32x128xf32, #tpu.memory_space<vmem>> -> memref<1x32x128xf32, #tpu.memory_space<vmem>>
      %dma_start3A_273 = tpu.memref_squeeze %dma_start3A_272 : memref<1x32x128xf32, #tpu.memory_space<vmem>> -> memref<32x128xf32, #tpu.memory_space<vmem>>
      %dma_start3A_274 = arith.constant 0 : i32
      %dma_start3A_275 = tpu.memref_slice %arg4[%dma_start3A_274, %multiple_of3A] : memref<32x1000000xf32, #tpu.memory_space<hbm>> -> memref<32x128xf32, #tpu.memory_space<hbm>>
      %dma_start3A_276 = tpu.memref_slice %arg16[%dma_start3A_269] : memref<8x!tpu.dma_semaphore, #tpu.memory_space<semaphore_mem>> -> memref<1x!tpu.dma_semaphore, #tpu.memory_space<semaphore_mem>>
      %dma_start3A_277 = tpu.memref_squeeze %dma_start3A_276 : memref<1x!tpu.dma_semaphore, #tpu.memory_space<semaphore_mem>> -> memref<!tpu.dma_semaphore, #tpu.memory_space<semaphore_mem>>
      %dma_start3A_278 = arith.constant 0 : i32
      %dma_start3A_279 = arith.constant 0 : i32
      %dma_start3A_280 = tpu.memref_slice %arg15[%dma_start3A_268, %dma_start3A_278, %dma_start3A_279] : memref<8x32x128xf32, #tpu.memory_space<vmem>> -> memref<1x32x128xf32, #tpu.memory_space<vmem>>
      %dma_start3A_281 = tpu.memref_squeeze %dma_start3A_280 : memref<1x32x128xf32, #tpu.memory_space<vmem>> -> memref<32x128xf32, #tpu.memory_space<vmem>>
      %dma_start3A_282 = arith.constant 0 : i32
      %dma_start3A_283 = tpu.memref_slice %arg4[%dma_start3A_282, %multiple_of3A] : memref<32x1000000xf32, #tpu.memory_space<hbm>> -> memref<32x128xf32, #tpu.memory_space<hbm>>
      tpu.enqueue_dma source(%dma_start3A_283 : memref<32x128xf32, #tpu.memory_space<hbm>>) target(%dma_start3A_281 : memref<32x128xf32, #tpu.memory_space<vmem>>) target_semaphore(%dma_start3A_277 : memref<!tpu.dma_semaphore, #tpu.memory_space<semaphore_mem>>)
    } else {
    }
    %gt3A_35 = arith.constant 5 : i32
    %gt3A_36 = arith.cmpi sgt, %scan3A_11#1, %gt3A_35 : i32
    %convert_element_type3A_37 = arith.extui %gt3A_36 : i1 to i32
    %cond3A_38 = arith.constant 0 : i32
    %cond3A_39 = arith.cmpi ne, %convert_element_type3A_37, %cond3A_38 : i32
    scf.if %cond3A_39 {
      %get3A = arith.constant 5 : i32
      %get3A_266 = arith.index_cast %get3A : i32 to index
      %get3A_267 = memref.load %arg12[%get3A_266] : memref<520xi32, #tpu.memory_space<smem>>
      %multiple_of3A = tpu.assume_multiple %get3A_267, 128 : i32
      %dma_start3A_268 = arith.constant 5 : i32
      %dma_start3A_269 = arith.constant 5 : i32
      %dma_start3A_270 = arith.constant 0 : i32
      %dma_start3A_271 = arith.constant 0 : i32
      %dma_start3A_272 = tpu.memref_slice %arg15[%dma_start3A_268, %dma_start3A_270, %dma_start3A_271] : memref<8x32x128xf32, #tpu.memory_space<vmem>> -> memref<1x32x128xf32, #tpu.memory_space<vmem>>
      %dma_start3A_273 = tpu.memref_squeeze %dma_start3A_272 : memref<1x32x128xf32, #tpu.memory_space<vmem>> -> memref<32x128xf32, #tpu.memory_space<vmem>>
      %dma_start3A_274 = arith.constant 0 : i32
      %dma_start3A_275 = tpu.memref_slice %arg4[%dma_start3A_274, %multiple_of3A] : memref<32x1000000xf32, #tpu.memory_space<hbm>> -> memref<32x128xf32, #tpu.memory_space<hbm>>
      %dma_start3A_276 = tpu.memref_slice %arg16[%dma_start3A_269] : memref<8x!tpu.dma_semaphore, #tpu.memory_space<semaphore_mem>> -> memref<1x!tpu.dma_semaphore, #tpu.memory_space<semaphore_mem>>
      %dma_start3A_277 = tpu.memref_squeeze %dma_start3A_276 : memref<1x!tpu.dma_semaphore, #tpu.memory_space<semaphore_mem>> -> memref<!tpu.dma_semaphore, #tpu.memory_space<semaphore_mem>>
      %dma_start3A_278 = arith.constant 0 : i32
      %dma_start3A_279 = arith.constant 0 : i32
      %dma_start3A_280 = tpu.memref_slice %arg15[%dma_start3A_268, %dma_start3A_278, %dma_start3A_279] : memref<8x32x128xf32, #tpu.memory_space<vmem>> -> memref<1x32x128xf32, #tpu.memory_space<vmem>>
      %dma_start3A_281 = tpu.memref_squeeze %dma_start3A_280 : memref<1x32x128xf32, #tpu.memory_space<vmem>> -> memref<32x128xf32, #tpu.memory_space<vmem>>
      %dma_start3A_282 = arith.constant 0 : i32
      %dma_start3A_283 = tpu.memref_slice %arg4[%dma_start3A_282, %multiple_of3A] : memref<32x1000000xf32, #tpu.memory_space<hbm>> -> memref<32x128xf32, #tpu.memory_space<hbm>>
      tpu.enqueue_dma source(%dma_start3A_283 : memref<32x128xf32, #tpu.memory_space<hbm>>) target(%dma_start3A_281 : memref<32x128xf32, #tpu.memory_space<vmem>>) target_semaphore(%dma_start3A_277 : memref<!tpu.dma_semaphore, #tpu.memory_space<semaphore_mem>>)
    } else {
    }
    %gt3A_40 = arith.constant 6 : i32
    %gt3A_41 = arith.cmpi sgt, %scan3A_11#1, %gt3A_40 : i32
    %convert_element_type3A_42 = arith.extui %gt3A_41 : i1 to i32
    %cond3A_43 = arith.constant 0 : i32
    %cond3A_44 = arith.cmpi ne, %convert_element_type3A_42, %cond3A_43 : i32
    scf.if %cond3A_44 {
      %get3A = arith.constant 6 : i32
      %get3A_266 = arith.index_cast %get3A : i32 to index
      %get3A_267 = memref.load %arg12[%get3A_266] : memref<520xi32, #tpu.memory_space<smem>>
      %multiple_of3A = tpu.assume_multiple %get3A_267, 128 : i32
      %dma_start3A_268 = arith.constant 6 : i32
      %dma_start3A_269 = arith.constant 6 : i32
      %dma_start3A_270 = arith.constant 0 : i32
      %dma_start3A_271 = arith.constant 0 : i32
      %dma_start3A_272 = tpu.memref_slice %arg15[%dma_start3A_268, %dma_start3A_270, %dma_start3A_271] : memref<8x32x128xf32, #tpu.memory_space<vmem>> -> memref<1x32x128xf32, #tpu.memory_space<vmem>>
      %dma_start3A_273 = tpu.memref_squeeze %dma_start3A_272 : memref<1x32x128xf32, #tpu.memory_space<vmem>> -> memref<32x128xf32, #tpu.memory_space<vmem>>
      %dma_start3A_274 = arith.constant 0 : i32
      %dma_start3A_275 = tpu.memref_slice %arg4[%dma_start3A_274, %multiple_of3A] : memref<32x1000000xf32, #tpu.memory_space<hbm>> -> memref<32x128xf32, #tpu.memory_space<hbm>>
      %dma_start3A_276 = tpu.memref_slice %arg16[%dma_start3A_269] : memref<8x!tpu.dma_semaphore, #tpu.memory_space<semaphore_mem>> -> memref<1x!tpu.dma_semaphore, #tpu.memory_space<semaphore_mem>>
      %dma_start3A_277 = tpu.memref_squeeze %dma_start3A_276 : memref<1x!tpu.dma_semaphore, #tpu.memory_space<semaphore_mem>> -> memref<!tpu.dma_semaphore, #tpu.memory_space<semaphore_mem>>
      %dma_start3A_278 = arith.constant 0 : i32
      %dma_start3A_279 = arith.constant 0 : i32
      %dma_start3A_280 = tpu.memref_slice %arg15[%dma_start3A_268, %dma_start3A_278, %dma_start3A_279] : memref<8x32x128xf32, #tpu.memory_space<vmem>> -> memref<1x32x128xf32, #tpu.memory_space<vmem>>
      %dma_start3A_281 = tpu.memref_squeeze %dma_start3A_280 : memref<1x32x128xf32, #tpu.memory_space<vmem>> -> memref<32x128xf32, #tpu.memory_space<vmem>>
      %dma_start3A_282 = arith.constant 0 : i32
      %dma_start3A_283 = tpu.memref_slice %arg4[%dma_start3A_282, %multiple_of3A] : memref<32x1000000xf32, #tpu.memory_space<hbm>> -> memref<32x128xf32, #tpu.memory_space<hbm>>
      tpu.enqueue_dma source(%dma_start3A_283 : memref<32x128xf32, #tpu.memory_space<hbm>>) target(%dma_start3A_281 : memref<32x128xf32, #tpu.memory_space<vmem>>) target_semaphore(%dma_start3A_277 : memref<!tpu.dma_semaphore, #tpu.memory_space<semaphore_mem>>)
    } else {
    }
    %scan3A_45 = arith.constant -1 : i32
    %scan3A_46 = arith.constant -1 : i32
    %scan3A_47 = arith.constant 0 : i32
    %scan3A_48 = arith.constant 512 : i32
    %scan3A_49 = arith.addi %scan3A_47, %scan3A_48 : i32
    %scan3A_50 = arith.constant 1 : i32
    %scan3A_51:2 = scf.for %scan3A_266 = %scan3A_47 to %scan3A_49 step %scan3A_50 iter_args(%scan3A_267 = %scan3A_45, %scan3A_268 = %scan3A_46) -> (i32, i32)  : i32 {
      %get3A = arith.index_cast %scan3A_266 : i32 to index
      %get3A_269 = tpu.vector_load %arg10[%get3A] {strides = array<i32>} : memref<528xi32, #tpu.memory_space<vmem>>, vector<16xi32>,
      %slice3A = vector.extract_strided_slice %get3A_269 {offsets = [0], sizes = [1], strides = [1]} : vector<16xi32> to vector<1xi32>
      %squeeze3A = vector.extract %slice3A[0] : i32 from vector<1xi32>
      %jit3A = arith.constant 128 : i32
      %div3A = arith.divsi %squeeze3A, %jit3A : i32
      %sign3A = arith.constant 0 : i32
      %sign3A_270 = arith.cmpi sgt, %squeeze3A, %sign3A : i32
      %sign3A_271 = arith.extui %sign3A_270 : i1 to i32
      %sign3A_272 = arith.constant 0 : i32
      %sign3A_273 = arith.cmpi slt, %squeeze3A, %sign3A_272 : i32
      %sign3A_274 = arith.extui %sign3A_273 : i1 to i32
      %sign3A_275 = arith.subi %sign3A_271, %sign3A_274 : i32
      %sign3A_276 = arith.constant 0 : i32
      %sign3A_277 = arith.cmpi sgt, %jit3A, %sign3A_276 : i32
      %sign3A_278 = arith.extui %sign3A_277 : i1 to i32
      %sign3A_279 = arith.constant 0 : i32
      %sign3A_280 = arith.cmpi slt, %jit3A, %sign3A_279 : i32
      %sign3A_281 = arith.extui %sign3A_280 : i1 to i32
      %sign3A_282 = arith.subi %sign3A_278, %sign3A_281 : i32
      %ne3A = arith.cmpi ne, %sign3A_275, %sign3A_282 : i32
      %rem3A = arith.remsi %squeeze3A, %jit3A : i32
      %ne3A_283 = arith.constant 0 : i32
      %ne3A_284 = arith.cmpi ne, %rem3A, %ne3A_283 : i32
      %and3A = arith.andi %ne3A, %ne3A_284 : i1
      %sub3A = arith.constant 1 : i32
      %sub3A_285 = arith.subi %div3A, %sub3A : i32
      %select_n3A = arith.select %and3A, %sub3A_285, %div3A : i32
      %mul3A_286 = arith.constant 128 : i32
      %mul3A_287 = arith.muli %select_n3A, %mul3A_286 : i32
      %min3A = arith.constant 999808 : i32
      %min3A_288 = arith.minsi %mul3A_287, %min3A : i32
      %ne3A_289 = arith.cmpi ne, %min3A_288, %scan3A_267 : i32
      %convert_element_type3A_290 = arith.extui %ne3A_289 : i1 to i32
      %add3A_291 = arith.addi %scan3A_268, %convert_element_type3A_290 : i32
      %rem3A_292 = arith.constant 8 : i32
      %rem3A_293 = arith.remsi %add3A_291, %rem3A_292 : i32
      %convert_element_type3A_294 = arith.extui %ne3A_289 : i1 to i32
      %cond3A_295 = arith.constant 0 : i32
      %cond3A_296 = arith.cmpi ne, %convert_element_type3A_294, %cond3A_295 : i32
      scf.if %cond3A_296 {
        %dma_wait3A_322 = arith.constant 0 : i32
        %dma_wait3A_323 = arith.constant 0 : i32
        %dma_wait3A_324 = tpu.memref_slice %arg15[%rem3A_293, %dma_wait3A_322, %dma_wait3A_323] : memref<8x32x128xf32, #tpu.memory_space<vmem>> -> memref<1x32x128xf32, #tpu.memory_space<vmem>>
        %dma_wait3A_325 = tpu.memref_squeeze %dma_wait3A_324 : memref<1x32x128xf32, #tpu.memory_space<vmem>> -> memref<32x128xf32, #tpu.memory_space<vmem>>
        %dma_wait3A_326 = arith.constant 0 : i32
        %dma_wait3A_327 = arith.constant 0 : i32
        %dma_wait3A_328 = tpu.memref_slice %arg4[%dma_wait3A_326, %dma_wait3A_327] : memref<32x1000000xf32, #tpu.memory_space<hbm>> -> memref<32x128xf32, #tpu.memory_space<hbm>>
        %dma_wait3A_329 = tpu.memref_slice %arg16[%rem3A_293] : memref<8x!tpu.dma_semaphore, #tpu.memory_space<semaphore_mem>> -> memref<1x!tpu.dma_semaphore, #tpu.memory_space<semaphore_mem>>
        %dma_wait3A_330 = tpu.memref_squeeze %dma_wait3A_329 : memref<1x!tpu.dma_semaphore, #tpu.memory_space<semaphore_mem>> -> memref<!tpu.dma_semaphore, #tpu.memory_space<semaphore_mem>>
        %dma_wait3A_331 = arith.constant 0 : i32
        %dma_wait3A_332 = arith.constant 0 : i32
        %dma_wait3A_333 = tpu.memref_slice %arg15[%rem3A_293, %dma_wait3A_331, %dma_wait3A_332] : memref<8x32x128xf32, #tpu.memory_space<vmem>> -> memref<1x32x128xf32, #tpu.memory_space<vmem>>
        %dma_wait3A_334 = tpu.memref_squeeze %dma_wait3A_333 : memref<1x32x128xf32, #tpu.memory_space<vmem>> -> memref<32x128xf32, #tpu.memory_space<vmem>>
        %dma_wait3A_335 = arith.constant 0 : i32
        %dma_wait3A_336 = arith.constant 0 : i32
        %dma_wait3A_337 = tpu.memref_slice %arg4[%dma_wait3A_335, %dma_wait3A_336] : memref<32x1000000xf32, #tpu.memory_space<hbm>> -> memref<32x128xf32, #tpu.memory_space<hbm>>
        tpu.wait_dma2 semaphore(%dma_wait3A_330 : memref<!tpu.dma_semaphore, #tpu.memory_space<semaphore_mem>>) src(%dma_wait3A_337 : memref<32x128xf32, #tpu.memory_space<hbm>>) dst(%dma_wait3A_334 : memref<32x128xf32, #tpu.memory_space<vmem>>)
        %add3A_338 = arith.constant 8 : i32
        %add3A_339 = arith.addi %add3A_291, %add3A_338 : i32
        %sub3A_340 = arith.constant 1 : i32
        %sub3A_341 = arith.subi %add3A_339, %sub3A_340 : i32
        %lt3A = arith.cmpi slt, %sub3A_341, %scan3A_11#1 : i32
        %convert_element_type3A_342 = arith.extui %lt3A : i1 to i32
        %cond3A_343 = arith.constant 0 : i32
        %cond3A_344 = arith.cmpi ne, %convert_element_type3A_342, %cond3A_343 : i32
        scf.if %cond3A_344 {
          %rem3A_345 = arith.constant 8 : i32
          %rem3A_346 = arith.remsi %sub3A_341, %rem3A_345 : i32
          %get3A_347 = arith.index_cast %sub3A_341 : i32 to index
          %get3A_348 = memref.load %arg12[%get3A_347] : memref<520xi32, #tpu.memory_space<smem>>
          %multiple_of3A = tpu.assume_multiple %get3A_348, 128 : i32
          %dma_start3A_349 = arith.constant 0 : i32
          %dma_start3A_350 = arith.constant 0 : i32
          %dma_start3A_351 = tpu.memref_slice %arg15[%rem3A_346, %dma_start3A_349, %dma_start3A_350] : memref<8x32x128xf32, #tpu.memory_space<vmem>> -> memref<1x32x128xf32, #tpu.memory_space<vmem>>
          %dma_start3A_352 = tpu.memref_squeeze %dma_start3A_351 : memref<1x32x128xf32, #tpu.memory_space<vmem>> -> memref<32x128xf32, #tpu.memory_space<vmem>>
          %dma_start3A_353 = arith.constant 0 : i32
          %dma_start3A_354 = tpu.memref_slice %arg4[%dma_start3A_353, %multiple_of3A] : memref<32x1000000xf32, #tpu.memory_space<hbm>> -> memref<32x128xf32, #tpu.memory_space<hbm>>
          %dma_start3A_355 = tpu.memref_slice %arg16[%rem3A_346] : memref<8x!tpu.dma_semaphore, #tpu.memory_space<semaphore_mem>> -> memref<1x!tpu.dma_semaphore, #tpu.memory_space<semaphore_mem>>
          %dma_start3A_356 = tpu.memref_squeeze %dma_start3A_355 : memref<1x!tpu.dma_semaphore, #tpu.memory_space<semaphore_mem>> -> memref<!tpu.dma_semaphore, #tpu.memory_space<semaphore_mem>>
          %dma_start3A_357 = arith.constant 0 : i32
          %dma_start3A_358 = arith.constant 0 : i32
          %dma_start3A_359 = tpu.memref_slice %arg15[%rem3A_346, %dma_start3A_357, %dma_start3A_358] : memref<8x32x128xf32, #tpu.memory_space<vmem>> -> memref<1x32x128xf32, #tpu.memory_space<vmem>>
          %dma_start3A_360 = tpu.memref_squeeze %dma_start3A_359 : memref<1x32x128xf32, #tpu.memory_space<vmem>> -> memref<32x128xf32, #tpu.memory_space<vmem>>
          %dma_start3A_361 = arith.constant 0 : i32
          %dma_start3A_362 = tpu.memref_slice %arg4[%dma_start3A_361, %multiple_of3A] : memref<32x1000000xf32, #tpu.memory_space<hbm>> -> memref<32x128xf32, #tpu.memory_space<hbm>>
          tpu.enqueue_dma source(%dma_start3A_362 : memref<32x128xf32, #tpu.memory_space<hbm>>) target(%dma_start3A_360 : memref<32x128xf32, #tpu.memory_space<vmem>>) target_semaphore(%dma_start3A_356 : memref<!tpu.dma_semaphore, #tpu.memory_space<semaphore_mem>>)
        } else {
        }
      } else {
      }
      %ge3A = arith.constant 999936 : i32
      %ge3A_297 = arith.cmpi sge, %squeeze3A, %ge3A : i32
      %sub3A_298 = arith.subi %squeeze3A, %min3A_288 : i32
      %min3A_299 = arith.constant 127 : i32
      %min3A_300 = arith.minsi %sub3A_298, %min3A_299 : i32
      %sub3A_301 = arith.constant 999936 : i32
      %sub3A_302 = arith.subi %squeeze3A, %sub3A_301 : i32
      %max3A = arith.constant 0 : i32
      %max3A_303 = arith.maxsi %sub3A_302, %max3A : i32
      %min3A_304 = arith.constant 63 : i32
      %min3A_305 = arith.minsi %max3A_303, %min3A_304 : i32
      %broadcast_in_dim3A = vector.broadcast %min3A_300 : i32 to vector<16xi32>
      %broadcast_in_dim3A_306 = vector.broadcast %min3A_305 : i32 to vector<16xi32>
      %gather3A = arith.constant 0 : i32
      %gather3A_307 = arith.constant 0 : i32
      %gather3A_308 = tpu.memref_slice %arg15[%rem3A_293, %gather3A, %gather3A_307] : memref<8x32x128xf32, #tpu.memory_space<vmem>> -> memref<1x32x128xf32, #tpu.memory_space<vmem>>
      %gather3A_309 = tpu.memref_squeeze %gather3A_308 : memref<1x32x128xf32, #tpu.memory_space<vmem>> -> memref<32x128xf32, #tpu.memory_space<vmem>>
      %gather3A_310 = tpu.vector_load_idx %gather3A_309[%iota3A, %broadcast_in_dim3A] : memref<32x128xf32, #tpu.memory_space<vmem>>[vector<16xi32>, vector<16xi32>], vector<16xf32>,
      %gather3A_311 = arith.constant 0 : i32
      %gather3A_312 = arith.constant 0 : i32
      %gather3A_313 = tpu.memref_slice %arg15[%rem3A_293, %gather3A_311, %gather3A_312] : memref<8x32x128xf32, #tpu.memory_space<vmem>> -> memref<1x32x128xf32, #tpu.memory_space<vmem>>
      %gather3A_314 = tpu.memref_squeeze %gather3A_313 : memref<1x32x128xf32, #tpu.memory_space<vmem>> -> memref<32x128xf32, #tpu.memory_space<vmem>>
      %gather3A_315 = tpu.vector_load_idx %gather3A_314[%add3A_5, %broadcast_in_dim3A] : memref<32x128xf32, #tpu.memory_space<vmem>>[vector<16xi32>, vector<16xi32>], vector<16xf32>,
      %gather3A_316 = tpu.vector_load_idx %arg14[%iota3A, %broadcast_in_dim3A_306] : memref<32x64xf32, #tpu.memory_space<vmem>>[vector<16xi32>, vector<16xi32>], vector<16xf32>,
      %gather3A_317 = tpu.vector_load_idx %arg14[%add3A_5, %broadcast_in_dim3A_306] : memref<32x64xf32, #tpu.memory_space<vmem>>[vector<16xi32>, vector<16xi32>], vector<16xf32>,
      %broadcast_in_dim3A_318 = vector.broadcast %ge3A_297 : i1 to vector<16xi1>
      %select_n3A_319 = arith.select %broadcast_in_dim3A_318, %gather3A_316, %gather3A_310 : vector<16xi1>, vector<16xf32>
      %select_n3A_320 = arith.select %broadcast_in_dim3A_318, %gather3A_317, %gather3A_315 : vector<16xi1>, vector<16xf32>
      %broadcast_in_dim3A_321 = vector.broadcast %scan3A_266 : i32 to vector<16xi32>
      tpu.vector_store_idx %arg13[%broadcast_in_dim3A_321, %iota3A], %select_n3A_319 : memref<512x128xf32, #tpu.memory_space<vmem>>[vector<16xi32>, vector<16xi32>], vector<16xf32>,
      tpu.vector_store_idx %arg13[%broadcast_in_dim3A_321, %add3A_5], %select_n3A_320 : memref<512x128xf32, #tpu.memory_space<vmem>>[vector<16xi32>, vector<16xi32>], vector<16xf32>,
      scf.yield %min3A_288, %add3A_291 : i32, i32
    }
    %scan3A_52 = arith.constant 512 : i32
    %dma_start3A = arith.constant 0 : i32
    %dma_start3A_53 = arith.constant 0 : i32
    %dma_start3A_54 = arith.constant 0 : i32
    %dma_start3A_55 = tpu.memref_slice %arg13[%dma_start3A_53, %dma_start3A_54] : memref<512x128xf32, #tpu.memory_space<vmem>> -> memref<128x128xf32, #tpu.memory_space<vmem>>
    %dma_start3A_56 = arith.constant 0 : i32
    %dma_start3A_57 = tpu.memref_slice %arg11[%dma_start3A, %dma_start3A_56] : memref<4x128xi32, #tpu.memory_space<vmem>> -> memref<1x128xi32, #tpu.memory_space<vmem>>
    %dma_start3A_58 = tpu.memref_squeeze %dma_start3A_57 : memref<1x128xi32, #tpu.memory_space<vmem>> -> memref<128xi32, #tpu.memory_space<vmem>>
    %dma_start3A_59 = arith.constant 0 : i32
    %dma_start3A_60 = arith.constant 0 : i32
    %dma_start3A_61 = tpu.memref_slice %arg8[%dma_start3A_59, %dma_start3A_60] : memref<16384x128xf32, #tpu.memory_space<hbm>> -> memref<16384x128xf32, #tpu.memory_space<hbm>>
    tpu.enqueue_indirect_dma source(%dma_start3A_55 : memref<128x128xf32, #tpu.memory_space<vmem>>) target(%dma_start3A_61 : memref<16384x128xf32, #tpu.memory_space<hbm>>) offsets(%dma_start3A_58 : memref<128xi32, #tpu.memory_space<vmem>>) semaphore(%arg17 : memref<!tpu.dma_semaphore, #tpu.memory_space<semaphore_mem>>)
    %dma_start3A_62 = arith.constant 1 : i32
    %dma_start3A_63 = arith.constant 128 : i32
    %dma_start3A_64 = arith.constant 0 : i32
    %dma_start3A_65 = tpu.memref_slice %arg13[%dma_start3A_63, %dma_start3A_64] : memref<512x128xf32, #tpu.memory_space<vmem>> -> memref<128x128xf32, #tpu.memory_space<vmem>>
    %dma_start3A_66 = arith.constant 0 : i32
    %dma_start3A_67 = tpu.memref_slice %arg11[%dma_start3A_62, %dma_start3A_66] : memref<4x128xi32, #tpu.memory_space<vmem>> -> memref<1x128xi32, #tpu.memory_space<vmem>>
    %dma_start3A_68 = tpu.memref_squeeze %dma_start3A_67 : memref<1x128xi32, #tpu.memory_space<vmem>> -> memref<128xi32, #tpu.memory_space<vmem>>
    %dma_start3A_69 = arith.constant 0 : i32
    %dma_start3A_70 = arith.constant 0 : i32
    %dma_start3A_71 = tpu.memref_slice %arg8[%dma_start3A_69, %dma_start3A_70] : memref<16384x128xf32, #tpu.memory_space<hbm>> -> memref<16384x128xf32, #tpu.memory_space<hbm>>
    tpu.enqueue_indirect_dma source(%dma_start3A_65 : memref<128x128xf32, #tpu.memory_space<vmem>>) target(%dma_start3A_71 : memref<16384x128xf32, #tpu.memory_space<hbm>>) offsets(%dma_start3A_68 : memref<128xi32, #tpu.memory_space<vmem>>) semaphore(%arg17 : memref<!tpu.dma_semaphore, #tpu.memory_space<semaphore_mem>>)
    %dma_start3A_72 = arith.constant 2 : i32
    %dma_start3A_73 = arith.constant 256 : i32
    %dma_start3A_74 = arith.constant 0 : i32
    %dma_start3A_75 = tpu.memref_slice %arg13[%dma_start3A_73, %dma_start3A_74] : memref<512x128xf32, #tpu.memory_space<vmem>> -> memref<128x128xf32, #tpu.memory_space<vmem>>
    %dma_start3A_76 = arith.constant 0 : i32
    %dma_start3A_77 = tpu.memref_slice %arg11[%dma_start3A_72, %dma_start3A_76] : memref<4x128xi32, #tpu.memory_space<vmem>> -> memref<1x128xi32, #tpu.memory_space<vmem>>
    %dma_start3A_78 = tpu.memref_squeeze %dma_start3A_77 : memref<1x128xi32, #tpu.memory_space<vmem>> -> memref<128xi32, #tpu.memory_space<vmem>>
    %dma_start3A_79 = arith.constant 0 : i32
    %dma_start3A_80 = arith.constant 0 : i32
    %dma_start3A_81 = tpu.memref_slice %arg8[%dma_start3A_79, %dma_start3A_80] : memref<16384x128xf32, #tpu.memory_space<hbm>> -> memref<16384x128xf32, #tpu.memory_space<hbm>>
    tpu.enqueue_indirect_dma source(%dma_start3A_75 : memref<128x128xf32, #tpu.memory_space<vmem>>) target(%dma_start3A_81 : memref<16384x128xf32, #tpu.memory_space<hbm>>) offsets(%dma_start3A_78 : memref<128xi32, #tpu.memory_space<vmem>>) semaphore(%arg17 : memref<!tpu.dma_semaphore, #tpu.memory_space<semaphore_mem>>)
    %dma_start3A_82 = arith.constant 3 : i32
    %dma_start3A_83 = arith.constant 384 : i32
    %dma_start3A_84 = arith.constant 0 : i32
    %dma_start3A_85 = tpu.memref_slice %arg13[%dma_start3A_83, %dma_start3A_84] : memref<512x128xf32, #tpu.memory_space<vmem>> -> memref<128x128xf32, #tpu.memory_space<vmem>>
    %dma_start3A_86 = arith.constant 0 : i32
    %dma_start3A_87 = tpu.memref_slice %arg11[%dma_start3A_82, %dma_start3A_86] : memref<4x128xi32, #tpu.memory_space<vmem>> -> memref<1x128xi32, #tpu.memory_space<vmem>>
    %dma_start3A_88 = tpu.memref_squeeze %dma_start3A_87 : memref<1x128xi32, #tpu.memory_space<vmem>> -> memref<128xi32, #tpu.memory_space<vmem>>
    %dma_start3A_89 = arith.constant 0 : i32
    %dma_start3A_90 = arith.constant 0 : i32
    %dma_start3A_91 = tpu.memref_slice %arg8[%dma_start3A_89, %dma_start3A_90] : memref<16384x128xf32, #tpu.memory_space<hbm>> -> memref<16384x128xf32, #tpu.memory_space<hbm>>
    tpu.enqueue_indirect_dma source(%dma_start3A_85 : memref<128x128xf32, #tpu.memory_space<vmem>>) target(%dma_start3A_91 : memref<16384x128xf32, #tpu.memory_space<hbm>>) offsets(%dma_start3A_88 : memref<128xi32, #tpu.memory_space<vmem>>) semaphore(%arg17 : memref<!tpu.dma_semaphore, #tpu.memory_space<semaphore_mem>>)
    %dma_wait3A = arith.constant 0 : i32
    %dma_wait3A_92 = arith.constant 0 : i32
    %dma_wait3A_93 = arith.constant 0 : i32
    %dma_wait3A_94 = tpu.memref_slice %arg13[%dma_wait3A_92, %dma_wait3A_93] : memref<512x128xf32, #tpu.memory_space<vmem>> -> memref<128x128xf32, #tpu.memory_space<vmem>>
    %dma_wait3A_95 = arith.constant 0 : i32
    %dma_wait3A_96 = tpu.memref_slice %arg11[%dma_wait3A, %dma_wait3A_95] : memref<4x128xi32, #tpu.memory_space<vmem>> -> memref<1x128xi32, #tpu.memory_space<vmem>>
    %dma_wait3A_97 = tpu.memref_squeeze %dma_wait3A_96 : memref<1x128xi32, #tpu.memory_space<vmem>> -> memref<128xi32, #tpu.memory_space<vmem>>
    %dma_wait3A_98 = arith.constant 0 : i32
    %dma_wait3A_99 = arith.constant 0 : i32
    %dma_wait3A_100 = tpu.memref_slice %arg8[%dma_wait3A_98, %dma_wait3A_99] : memref<16384x128xf32, #tpu.memory_space<hbm>> -> memref<16384x128xf32, #tpu.memory_space<hbm>>
    tpu.wait_indirect_dma semaphore(%arg17 : memref<!tpu.dma_semaphore, #tpu.memory_space<semaphore_mem>>) src(%dma_wait3A_94 : memref<128x128xf32, #tpu.memory_space<vmem>>) dst(%dma_wait3A_100 : memref<16384x128xf32, #tpu.memory_space<hbm>>)
    %dma_wait3A_101 = arith.constant 1 : i32
    %dma_wait3A_102 = arith.constant 128 : i32
    %dma_wait3A_103 = arith.constant 0 : i32
    %dma_wait3A_104 = tpu.memref_slice %arg13[%dma_wait3A_102, %dma_wait3A_103] : memref<512x128xf32, #tpu.memory_space<vmem>> -> memref<128x128xf32, #tpu.memory_space<vmem>>
    %dma_wait3A_105 = arith.constant 0 : i32
    %dma_wait3A_106 = tpu.memref_slice %arg11[%dma_wait3A_101, %dma_wait3A_105] : memref<4x128xi32, #tpu.memory_space<vmem>> -> memref<1x128xi32, #tpu.memory_space<vmem>>
    %dma_wait3A_107 = tpu.memref_squeeze %dma_wait3A_106 : memref<1x128xi32, #tpu.memory_space<vmem>> -> memref<128xi32, #tpu.memory_space<vmem>>
    %dma_wait3A_108 = arith.constant 0 : i32
    %dma_wait3A_109 = arith.constant 0 : i32
    %dma_wait3A_110 = tpu.memref_slice %arg8[%dma_wait3A_108, %dma_wait3A_109] : memref<16384x128xf32, #tpu.memory_space<hbm>> -> memref<16384x128xf32, #tpu.memory_space<hbm>>
    tpu.wait_indirect_dma semaphore(%arg17 : memref<!tpu.dma_semaphore, #tpu.memory_space<semaphore_mem>>) src(%dma_wait3A_104 : memref<128x128xf32, #tpu.memory_space<vmem>>) dst(%dma_wait3A_110 : memref<16384x128xf32, #tpu.memory_space<hbm>>)
    %dma_wait3A_111 = arith.constant 2 : i32
    %dma_wait3A_112 = arith.constant 256 : i32
    %dma_wait3A_113 = arith.constant 0 : i32
    %dma_wait3A_114 = tpu.memref_slice %arg13[%dma_wait3A_112, %dma_wait3A_113] : memref<512x128xf32, #tpu.memory_space<vmem>> -> memref<128x128xf32, #tpu.memory_space<vmem>>
    %dma_wait3A_115 = arith.constant 0 : i32
    %dma_wait3A_116 = tpu.memref_slice %arg11[%dma_wait3A_111, %dma_wait3A_115] : memref<4x128xi32, #tpu.memory_space<vmem>> -> memref<1x128xi32, #tpu.memory_space<vmem>>
    %dma_wait3A_117 = tpu.memref_squeeze %dma_wait3A_116 : memref<1x128xi32, #tpu.memory_space<vmem>> -> memref<128xi32, #tpu.memory_space<vmem>>
    %dma_wait3A_118 = arith.constant 0 : i32
    %dma_wait3A_119 = arith.constant 0 : i32
    %dma_wait3A_120 = tpu.memref_slice %arg8[%dma_wait3A_118, %dma_wait3A_119] : memref<16384x128xf32, #tpu.memory_space<hbm>> -> memref<16384x128xf32, #tpu.memory_space<hbm>>
    tpu.wait_indirect_dma semaphore(%arg17 : memref<!tpu.dma_semaphore, #tpu.memory_space<semaphore_mem>>) src(%dma_wait3A_114 : memref<128x128xf32, #tpu.memory_space<vmem>>) dst(%dma_wait3A_120 : memref<16384x128xf32, #tpu.memory_space<hbm>>)
    %dma_wait3A_121 = arith.constant 3 : i32
    %dma_wait3A_122 = arith.constant 384 : i32
    %dma_wait3A_123 = arith.constant 0 : i32
    %dma_wait3A_124 = tpu.memref_slice %arg13[%dma_wait3A_122, %dma_wait3A_123] : memref<512x128xf32, #tpu.memory_space<vmem>> -> memref<128x128xf32, #tpu.memory_space<vmem>>
    %dma_wait3A_125 = arith.constant 0 : i32
    %dma_wait3A_126 = tpu.memref_slice %arg11[%dma_wait3A_121, %dma_wait3A_125] : memref<4x128xi32, #tpu.memory_space<vmem>> -> memref<1x128xi32, #tpu.memory_space<vmem>>
    %dma_wait3A_127 = tpu.memref_squeeze %dma_wait3A_126 : memref<1x128xi32, #tpu.memory_space<vmem>> -> memref<128xi32, #tpu.memory_space<vmem>>
    %dma_wait3A_128 = arith.constant 0 : i32
    %dma_wait3A_129 = arith.constant 0 : i32
    %dma_wait3A_130 = tpu.memref_slice %arg8[%dma_wait3A_128, %dma_wait3A_129] : memref<16384x128xf32, #tpu.memory_space<hbm>> -> memref<16384x128xf32, #tpu.memory_space<hbm>>
    tpu.wait_indirect_dma semaphore(%arg17 : memref<!tpu.dma_semaphore, #tpu.memory_space<semaphore_mem>>) src(%dma_wait3A_124 : memref<128x128xf32, #tpu.memory_space<vmem>>) dst(%dma_wait3A_130 : memref<16384x128xf32, #tpu.memory_space<hbm>>)
    "tpu.region"() ({
      %run_scoped3A = tpu.sem_alloc : memref<!tpu.dma_semaphore, #tpu.memory_space<semaphore_mem>>
      tpu.enqueue_dma source(%arg7 : memref<32x64xf32, #tpu.memory_space<hbm>>) target(%arg14 : memref<32x64xf32, #tpu.memory_space<vmem>>) target_semaphore(%run_scoped3A : memref<!tpu.dma_semaphore, #tpu.memory_space<semaphore_mem>>)
      tpu.wait_dma2 semaphore(%run_scoped3A : memref<!tpu.dma_semaphore, #tpu.memory_space<semaphore_mem>>) src(%arg7 : memref<32x64xf32, #tpu.memory_space<hbm>>) dst(%arg14 : memref<32x64xf32, #tpu.memory_space<vmem>>)
      tpu.yield
    }) : () -> ()
    %iota3A_131 = tpu.iota {dimensions = array<i32: 0>} : vector<16xi32>
    %add3A_132 = arith.constant 16 : i32
    %add3A_133 = vector.broadcast %add3A_132 : i32 to vector<16xi32>
    %add3A_134 = arith.addi %iota3A_131, %add3A_133 : vector<16xi32>
    %scan3A_135 = arith.constant -1 : i32
    %scan3A_136 = arith.constant 0 : i32
    %scan3A_137 = arith.constant 0 : i32
    %scan3A_138 = arith.constant 512 : i32
    %scan3A_139 = arith.addi %scan3A_137, %scan3A_138 : i32
    %scan3A_140 = arith.constant 1 : i32
    %scan3A_141:2 = scf.for %scan3A_266 = %scan3A_137 to %scan3A_139 step %scan3A_140 iter_args(%scan3A_267 = %scan3A_135, %scan3A_268 = %scan3A_136) -> (i32, i32)  : i32 {
      %get3A = arith.index_cast %scan3A_266 : i32 to index
      %get3A_269 = tpu.vector_load %arg10[%get3A] {strides = array<i32>} : memref<528xi32, #tpu.memory_space<vmem>>, vector<16xi32>,
      %slice3A = vector.extract_strided_slice %get3A_269 {offsets = [0], sizes = [1], strides = [1]} : vector<16xi32> to vector<1xi32>
      %squeeze3A = vector.extract %slice3A[0] : i32 from vector<1xi32>
      %jit3A = arith.constant 128 : i32
      %div3A = arith.divsi %squeeze3A, %jit3A : i32
      %sign3A = arith.constant 0 : i32
      %sign3A_270 = arith.cmpi sgt, %squeeze3A, %sign3A : i32
      %sign3A_271 = arith.extui %sign3A_270 : i1 to i32
      %sign3A_272 = arith.constant 0 : i32
      %sign3A_273 = arith.cmpi slt, %squeeze3A, %sign3A_272 : i32
      %sign3A_274 = arith.extui %sign3A_273 : i1 to i32
      %sign3A_275 = arith.subi %sign3A_271, %sign3A_274 : i32
      %sign3A_276 = arith.constant 0 : i32
      %sign3A_277 = arith.cmpi sgt, %jit3A, %sign3A_276 : i32
      %sign3A_278 = arith.extui %sign3A_277 : i1 to i32
      %sign3A_279 = arith.constant 0 : i32
      %sign3A_280 = arith.cmpi slt, %jit3A, %sign3A_279 : i32
      %sign3A_281 = arith.extui %sign3A_280 : i1 to i32
      %sign3A_282 = arith.subi %sign3A_278, %sign3A_281 : i32
      %ne3A = arith.cmpi ne, %sign3A_275, %sign3A_282 : i32
      %rem3A = arith.remsi %squeeze3A, %jit3A : i32
      %ne3A_283 = arith.constant 0 : i32
      %ne3A_284 = arith.cmpi ne, %rem3A, %ne3A_283 : i32
      %and3A = arith.andi %ne3A, %ne3A_284 : i1
      %sub3A = arith.constant 1 : i32
      %sub3A_285 = arith.subi %div3A, %sub3A : i32
      %select_n3A = arith.select %and3A, %sub3A_285, %div3A : i32
      %mul3A_286 = arith.constant 128 : i32
      %mul3A_287 = arith.muli %select_n3A, %mul3A_286 : i32
      %min3A = arith.constant 999808 : i32
      %min3A_288 = arith.minsi %mul3A_287, %min3A : i32
      %ne3A_289 = arith.cmpi ne, %min3A_288, %scan3A_267 : i32
      %convert_element_type3A_290 = arith.extui %ne3A_289 : i1 to i32
      %cond3A_291 = arith.constant 0 : i32
      %cond3A_292 = arith.cmpi ne, %convert_element_type3A_290, %cond3A_291 : i32
      scf.if %cond3A_292 {
        %swap3A = arith.index_cast %scan3A_268 : i32 to index
        %swap3A_295 = memref.load %arg12[%swap3A] : memref<520xi32, #tpu.memory_space<smem>>
        memref.store %min3A_288, %arg12[%swap3A] : memref<520xi32, #tpu.memory_space<smem>>
      } else {
      }
      %convert_element_type3A_293 = arith.extui %ne3A_289 : i1 to i32
      %add3A_294 = arith.addi %scan3A_268, %convert_element_type3A_293 : i32
      scf.yield %min3A_288, %add3A_294 : i32, i32
    }
    %scan3A_142 = arith.constant 512 : i32
    %gt3A_143 = arith.constant 0 : i32
    %gt3A_144 = arith.cmpi sgt, %scan3A_141#1, %gt3A_143 : i32
    %convert_element_type3A_145 = arith.extui %gt3A_144 : i1 to i32
    %cond3A_146 = arith.constant 0 : i32
    %cond3A_147 = arith.cmpi ne, %convert_element_type3A_145, %cond3A_146 : i32
    scf.if %cond3A_147 {
      %get3A = arith.constant 0 : i32
      %get3A_266 = arith.index_cast %get3A : i32 to index
      %get3A_267 = memref.load %arg12[%get3A_266] : memref<520xi32, #tpu.memory_space<smem>>
      %multiple_of3A = tpu.assume_multiple %get3A_267, 128 : i32
      %dma_start3A_268 = arith.constant 0 : i32
      %dma_start3A_269 = arith.constant 0 : i32
      %dma_start3A_270 = arith.constant 0 : i32
      %dma_start3A_271 = arith.constant 0 : i32
      %dma_start3A_272 = tpu.memref_slice %arg15[%dma_start3A_268, %dma_start3A_270, %dma_start3A_271] : memref<8x32x128xf32, #tpu.memory_space<vmem>> -> memref<1x32x128xf32, #tpu.memory_space<vmem>>
      %dma_start3A_273 = tpu.memref_squeeze %dma_start3A_272 : memref<1x32x128xf32, #tpu.memory_space<vmem>> -> memref<32x128xf32, #tpu.memory_space<vmem>>
      %dma_start3A_274 = arith.constant 0 : i32
      %dma_start3A_275 = tpu.memref_slice %arg5[%dma_start3A_274, %multiple_of3A] : memref<32x1000000xf32, #tpu.memory_space<hbm>> -> memref<32x128xf32, #tpu.memory_space<hbm>>
      %dma_start3A_276 = tpu.memref_slice %arg16[%dma_start3A_269] : memref<8x!tpu.dma_semaphore, #tpu.memory_space<semaphore_mem>> -> memref<1x!tpu.dma_semaphore, #tpu.memory_space<semaphore_mem>>
      %dma_start3A_277 = tpu.memref_squeeze %dma_start3A_276 : memref<1x!tpu.dma_semaphore, #tpu.memory_space<semaphore_mem>> -> memref<!tpu.dma_semaphore, #tpu.memory_space<semaphore_mem>>
      %dma_start3A_278 = arith.constant 0 : i32
      %dma_start3A_279 = arith.constant 0 : i32
      %dma_start3A_280 = tpu.memref_slice %arg15[%dma_start3A_268, %dma_start3A_278, %dma_start3A_279] : memref<8x32x128xf32, #tpu.memory_space<vmem>> -> memref<1x32x128xf32, #tpu.memory_space<vmem>>
      %dma_start3A_281 = tpu.memref_squeeze %dma_start3A_280 : memref<1x32x128xf32, #tpu.memory_space<vmem>> -> memref<32x128xf32, #tpu.memory_space<vmem>>
      %dma_start3A_282 = arith.constant 0 : i32
      %dma_start3A_283 = tpu.memref_slice %arg5[%dma_start3A_282, %multiple_of3A] : memref<32x1000000xf32, #tpu.memory_space<hbm>> -> memref<32x128xf32, #tpu.memory_space<hbm>>
      tpu.enqueue_dma source(%dma_start3A_283 : memref<32x128xf32, #tpu.memory_space<hbm>>) target(%dma_start3A_281 : memref<32x128xf32, #tpu.memory_space<vmem>>) target_semaphore(%dma_start3A_277 : memref<!tpu.dma_semaphore, #tpu.memory_space<semaphore_mem>>)
    } else {
    }
    %gt3A_148 = arith.constant 1 : i32
    %gt3A_149 = arith.cmpi sgt, %scan3A_141#1, %gt3A_148 : i32
    %convert_element_type3A_150 = arith.extui %gt3A_149 : i1 to i32
    %cond3A_151 = arith.constant 0 : i32
    %cond3A_152 = arith.cmpi ne, %convert_element_type3A_150, %cond3A_151 : i32
    scf.if %cond3A_152 {
      %get3A = arith.constant 1 : i32
      %get3A_266 = arith.index_cast %get3A : i32 to index
      %get3A_267 = memref.load %arg12[%get3A_266] : memref<520xi32, #tpu.memory_space<smem>>
      %multiple_of3A = tpu.assume_multiple %get3A_267, 128 : i32
      %dma_start3A_268 = arith.constant 1 : i32
      %dma_start3A_269 = arith.constant 1 : i32
      %dma_start3A_270 = arith.constant 0 : i32
      %dma_start3A_271 = arith.constant 0 : i32
      %dma_start3A_272 = tpu.memref_slice %arg15[%dma_start3A_268, %dma_start3A_270, %dma_start3A_271] : memref<8x32x128xf32, #tpu.memory_space<vmem>> -> memref<1x32x128xf32, #tpu.memory_space<vmem>>
      %dma_start3A_273 = tpu.memref_squeeze %dma_start3A_272 : memref<1x32x128xf32, #tpu.memory_space<vmem>> -> memref<32x128xf32, #tpu.memory_space<vmem>>
      %dma_start3A_274 = arith.constant 0 : i32
      %dma_start3A_275 = tpu.memref_slice %arg5[%dma_start3A_274, %multiple_of3A] : memref<32x1000000xf32, #tpu.memory_space<hbm>> -> memref<32x128xf32, #tpu.memory_space<hbm>>
      %dma_start3A_276 = tpu.memref_slice %arg16[%dma_start3A_269] : memref<8x!tpu.dma_semaphore, #tpu.memory_space<semaphore_mem>> -> memref<1x!tpu.dma_semaphore, #tpu.memory_space<semaphore_mem>>
      %dma_start3A_277 = tpu.memref_squeeze %dma_start3A_276 : memref<1x!tpu.dma_semaphore, #tpu.memory_space<semaphore_mem>> -> memref<!tpu.dma_semaphore, #tpu.memory_space<semaphore_mem>>
      %dma_start3A_278 = arith.constant 0 : i32
      %dma_start3A_279 = arith.constant 0 : i32
      %dma_start3A_280 = tpu.memref_slice %arg15[%dma_start3A_268, %dma_start3A_278, %dma_start3A_279] : memref<8x32x128xf32, #tpu.memory_space<vmem>> -> memref<1x32x128xf32, #tpu.memory_space<vmem>>
      %dma_start3A_281 = tpu.memref_squeeze %dma_start3A_280 : memref<1x32x128xf32, #tpu.memory_space<vmem>> -> memref<32x128xf32, #tpu.memory_space<vmem>>
      %dma_start3A_282 = arith.constant 0 : i32
      %dma_start3A_283 = tpu.memref_slice %arg5[%dma_start3A_282, %multiple_of3A] : memref<32x1000000xf32, #tpu.memory_space<hbm>> -> memref<32x128xf32, #tpu.memory_space<hbm>>
      tpu.enqueue_dma source(%dma_start3A_283 : memref<32x128xf32, #tpu.memory_space<hbm>>) target(%dma_start3A_281 : memref<32x128xf32, #tpu.memory_space<vmem>>) target_semaphore(%dma_start3A_277 : memref<!tpu.dma_semaphore, #tpu.memory_space<semaphore_mem>>)
    } else {
    }
    %gt3A_153 = arith.constant 2 : i32
    %gt3A_154 = arith.cmpi sgt, %scan3A_141#1, %gt3A_153 : i32
    %convert_element_type3A_155 = arith.extui %gt3A_154 : i1 to i32
    %cond3A_156 = arith.constant 0 : i32
    %cond3A_157 = arith.cmpi ne, %convert_element_type3A_155, %cond3A_156 : i32
    scf.if %cond3A_157 {
      %get3A = arith.constant 2 : i32
      %get3A_266 = arith.index_cast %get3A : i32 to index
      %get3A_267 = memref.load %arg12[%get3A_266] : memref<520xi32, #tpu.memory_space<smem>>
      %multiple_of3A = tpu.assume_multiple %get3A_267, 128 : i32
      %dma_start3A_268 = arith.constant 2 : i32
      %dma_start3A_269 = arith.constant 2 : i32
      %dma_start3A_270 = arith.constant 0 : i32
      %dma_start3A_271 = arith.constant 0 : i32
      %dma_start3A_272 = tpu.memref_slice %arg15[%dma_start3A_268, %dma_start3A_270, %dma_start3A_271] : memref<8x32x128xf32, #tpu.memory_space<vmem>> -> memref<1x32x128xf32, #tpu.memory_space<vmem>>
      %dma_start3A_273 = tpu.memref_squeeze %dma_start3A_272 : memref<1x32x128xf32, #tpu.memory_space<vmem>> -> memref<32x128xf32, #tpu.memory_space<vmem>>
      %dma_start3A_274 = arith.constant 0 : i32
      %dma_start3A_275 = tpu.memref_slice %arg5[%dma_start3A_274, %multiple_of3A] : memref<32x1000000xf32, #tpu.memory_space<hbm>> -> memref<32x128xf32, #tpu.memory_space<hbm>>
      %dma_start3A_276 = tpu.memref_slice %arg16[%dma_start3A_269] : memref<8x!tpu.dma_semaphore, #tpu.memory_space<semaphore_mem>> -> memref<1x!tpu.dma_semaphore, #tpu.memory_space<semaphore_mem>>
      %dma_start3A_277 = tpu.memref_squeeze %dma_start3A_276 : memref<1x!tpu.dma_semaphore, #tpu.memory_space<semaphore_mem>> -> memref<!tpu.dma_semaphore, #tpu.memory_space<semaphore_mem>>
      %dma_start3A_278 = arith.constant 0 : i32
      %dma_start3A_279 = arith.constant 0 : i32
      %dma_start3A_280 = tpu.memref_slice %arg15[%dma_start3A_268, %dma_start3A_278, %dma_start3A_279] : memref<8x32x128xf32, #tpu.memory_space<vmem>> -> memref<1x32x128xf32, #tpu.memory_space<vmem>>
      %dma_start3A_281 = tpu.memref_squeeze %dma_start3A_280 : memref<1x32x128xf32, #tpu.memory_space<vmem>> -> memref<32x128xf32, #tpu.memory_space<vmem>>
      %dma_start3A_282 = arith.constant 0 : i32
      %dma_start3A_283 = tpu.memref_slice %arg5[%dma_start3A_282, %multiple_of3A] : memref<32x1000000xf32, #tpu.memory_space<hbm>> -> memref<32x128xf32, #tpu.memory_space<hbm>>
      tpu.enqueue_dma source(%dma_start3A_283 : memref<32x128xf32, #tpu.memory_space<hbm>>) target(%dma_start3A_281 : memref<32x128xf32, #tpu.memory_space<vmem>>) target_semaphore(%dma_start3A_277 : memref<!tpu.dma_semaphore, #tpu.memory_space<semaphore_mem>>)
    } else {
    }
    %gt3A_158 = arith.constant 3 : i32
    %gt3A_159 = arith.cmpi sgt, %scan3A_141#1, %gt3A_158 : i32
    %convert_element_type3A_160 = arith.extui %gt3A_159 : i1 to i32
    %cond3A_161 = arith.constant 0 : i32
    %cond3A_162 = arith.cmpi ne, %convert_element_type3A_160, %cond3A_161 : i32
    scf.if %cond3A_162 {
      %get3A = arith.constant 3 : i32
      %get3A_266 = arith.index_cast %get3A : i32 to index
      %get3A_267 = memref.load %arg12[%get3A_266] : memref<520xi32, #tpu.memory_space<smem>>
      %multiple_of3A = tpu.assume_multiple %get3A_267, 128 : i32
      %dma_start3A_268 = arith.constant 3 : i32
      %dma_start3A_269 = arith.constant 3 : i32
      %dma_start3A_270 = arith.constant 0 : i32
      %dma_start3A_271 = arith.constant 0 : i32
      %dma_start3A_272 = tpu.memref_slice %arg15[%dma_start3A_268, %dma_start3A_270, %dma_start3A_271] : memref<8x32x128xf32, #tpu.memory_space<vmem>> -> memref<1x32x128xf32, #tpu.memory_space<vmem>>
      %dma_start3A_273 = tpu.memref_squeeze %dma_start3A_272 : memref<1x32x128xf32, #tpu.memory_space<vmem>> -> memref<32x128xf32, #tpu.memory_space<vmem>>
      %dma_start3A_274 = arith.constant 0 : i32
      %dma_start3A_275 = tpu.memref_slice %arg5[%dma_start3A_274, %multiple_of3A] : memref<32x1000000xf32, #tpu.memory_space<hbm>> -> memref<32x128xf32, #tpu.memory_space<hbm>>
      %dma_start3A_276 = tpu.memref_slice %arg16[%dma_start3A_269] : memref<8x!tpu.dma_semaphore, #tpu.memory_space<semaphore_mem>> -> memref<1x!tpu.dma_semaphore, #tpu.memory_space<semaphore_mem>>
      %dma_start3A_277 = tpu.memref_squeeze %dma_start3A_276 : memref<1x!tpu.dma_semaphore, #tpu.memory_space<semaphore_mem>> -> memref<!tpu.dma_semaphore, #tpu.memory_space<semaphore_mem>>
      %dma_start3A_278 = arith.constant 0 : i32
      %dma_start3A_279 = arith.constant 0 : i32
      %dma_start3A_280 = tpu.memref_slice %arg15[%dma_start3A_268, %dma_start3A_278, %dma_start3A_279] : memref<8x32x128xf32, #tpu.memory_space<vmem>> -> memref<1x32x128xf32, #tpu.memory_space<vmem>>
      %dma_start3A_281 = tpu.memref_squeeze %dma_start3A_280 : memref<1x32x128xf32, #tpu.memory_space<vmem>> -> memref<32x128xf32, #tpu.memory_space<vmem>>
      %dma_start3A_282 = arith.constant 0 : i32
      %dma_start3A_283 = tpu.memref_slice %arg5[%dma_start3A_282, %multiple_of3A] : memref<32x1000000xf32, #tpu.memory_space<hbm>> -> memref<32x128xf32, #tpu.memory_space<hbm>>
      tpu.enqueue_dma source(%dma_start3A_283 : memref<32x128xf32, #tpu.memory_space<hbm>>) target(%dma_start3A_281 : memref<32x128xf32, #tpu.memory_space<vmem>>) target_semaphore(%dma_start3A_277 : memref<!tpu.dma_semaphore, #tpu.memory_space<semaphore_mem>>)
    } else {
    }
    %gt3A_163 = arith.constant 4 : i32
    %gt3A_164 = arith.cmpi sgt, %scan3A_141#1, %gt3A_163 : i32
    %convert_element_type3A_165 = arith.extui %gt3A_164 : i1 to i32
    %cond3A_166 = arith.constant 0 : i32
    %cond3A_167 = arith.cmpi ne, %convert_element_type3A_165, %cond3A_166 : i32
    scf.if %cond3A_167 {
      %get3A = arith.constant 4 : i32
      %get3A_266 = arith.index_cast %get3A : i32 to index
      %get3A_267 = memref.load %arg12[%get3A_266] : memref<520xi32, #tpu.memory_space<smem>>
      %multiple_of3A = tpu.assume_multiple %get3A_267, 128 : i32
      %dma_start3A_268 = arith.constant 4 : i32
      %dma_start3A_269 = arith.constant 4 : i32
      %dma_start3A_270 = arith.constant 0 : i32
      %dma_start3A_271 = arith.constant 0 : i32
      %dma_start3A_272 = tpu.memref_slice %arg15[%dma_start3A_268, %dma_start3A_270, %dma_start3A_271] : memref<8x32x128xf32, #tpu.memory_space<vmem>> -> memref<1x32x128xf32, #tpu.memory_space<vmem>>
      %dma_start3A_273 = tpu.memref_squeeze %dma_start3A_272 : memref<1x32x128xf32, #tpu.memory_space<vmem>> -> memref<32x128xf32, #tpu.memory_space<vmem>>
      %dma_start3A_274 = arith.constant 0 : i32
      %dma_start3A_275 = tpu.memref_slice %arg5[%dma_start3A_274, %multiple_of3A] : memref<32x1000000xf32, #tpu.memory_space<hbm>> -> memref<32x128xf32, #tpu.memory_space<hbm>>
      %dma_start3A_276 = tpu.memref_slice %arg16[%dma_start3A_269] : memref<8x!tpu.dma_semaphore, #tpu.memory_space<semaphore_mem>> -> memref<1x!tpu.dma_semaphore, #tpu.memory_space<semaphore_mem>>
      %dma_start3A_277 = tpu.memref_squeeze %dma_start3A_276 : memref<1x!tpu.dma_semaphore, #tpu.memory_space<semaphore_mem>> -> memref<!tpu.dma_semaphore, #tpu.memory_space<semaphore_mem>>
      %dma_start3A_278 = arith.constant 0 : i32
      %dma_start3A_279 = arith.constant 0 : i32
      %dma_start3A_280 = tpu.memref_slice %arg15[%dma_start3A_268, %dma_start3A_278, %dma_start3A_279] : memref<8x32x128xf32, #tpu.memory_space<vmem>> -> memref<1x32x128xf32, #tpu.memory_space<vmem>>
      %dma_start3A_281 = tpu.memref_squeeze %dma_start3A_280 : memref<1x32x128xf32, #tpu.memory_space<vmem>> -> memref<32x128xf32, #tpu.memory_space<vmem>>
      %dma_start3A_282 = arith.constant 0 : i32
      %dma_start3A_283 = tpu.memref_slice %arg5[%dma_start3A_282, %multiple_of3A] : memref<32x1000000xf32, #tpu.memory_space<hbm>> -> memref<32x128xf32, #tpu.memory_space<hbm>>
      tpu.enqueue_dma source(%dma_start3A_283 : memref<32x128xf32, #tpu.memory_space<hbm>>) target(%dma_start3A_281 : memref<32x128xf32, #tpu.memory_space<vmem>>) target_semaphore(%dma_start3A_277 : memref<!tpu.dma_semaphore, #tpu.memory_space<semaphore_mem>>)
    } else {
    }
    %gt3A_168 = arith.constant 5 : i32
    %gt3A_169 = arith.cmpi sgt, %scan3A_141#1, %gt3A_168 : i32
    %convert_element_type3A_170 = arith.extui %gt3A_169 : i1 to i32
    %cond3A_171 = arith.constant 0 : i32
    %cond3A_172 = arith.cmpi ne, %convert_element_type3A_170, %cond3A_171 : i32
    scf.if %cond3A_172 {
      %get3A = arith.constant 5 : i32
      %get3A_266 = arith.index_cast %get3A : i32 to index
      %get3A_267 = memref.load %arg12[%get3A_266] : memref<520xi32, #tpu.memory_space<smem>>
      %multiple_of3A = tpu.assume_multiple %get3A_267, 128 : i32
      %dma_start3A_268 = arith.constant 5 : i32
      %dma_start3A_269 = arith.constant 5 : i32
      %dma_start3A_270 = arith.constant 0 : i32
      %dma_start3A_271 = arith.constant 0 : i32
      %dma_start3A_272 = tpu.memref_slice %arg15[%dma_start3A_268, %dma_start3A_270, %dma_start3A_271] : memref<8x32x128xf32, #tpu.memory_space<vmem>> -> memref<1x32x128xf32, #tpu.memory_space<vmem>>
      %dma_start3A_273 = tpu.memref_squeeze %dma_start3A_272 : memref<1x32x128xf32, #tpu.memory_space<vmem>> -> memref<32x128xf32, #tpu.memory_space<vmem>>
      %dma_start3A_274 = arith.constant 0 : i32
      %dma_start3A_275 = tpu.memref_slice %arg5[%dma_start3A_274, %multiple_of3A] : memref<32x1000000xf32, #tpu.memory_space<hbm>> -> memref<32x128xf32, #tpu.memory_space<hbm>>
      %dma_start3A_276 = tpu.memref_slice %arg16[%dma_start3A_269] : memref<8x!tpu.dma_semaphore, #tpu.memory_space<semaphore_mem>> -> memref<1x!tpu.dma_semaphore, #tpu.memory_space<semaphore_mem>>
      %dma_start3A_277 = tpu.memref_squeeze %dma_start3A_276 : memref<1x!tpu.dma_semaphore, #tpu.memory_space<semaphore_mem>> -> memref<!tpu.dma_semaphore, #tpu.memory_space<semaphore_mem>>
      %dma_start3A_278 = arith.constant 0 : i32
      %dma_start3A_279 = arith.constant 0 : i32
      %dma_start3A_280 = tpu.memref_slice %arg15[%dma_start3A_268, %dma_start3A_278, %dma_start3A_279] : memref<8x32x128xf32, #tpu.memory_space<vmem>> -> memref<1x32x128xf32, #tpu.memory_space<vmem>>
      %dma_start3A_281 = tpu.memref_squeeze %dma_start3A_280 : memref<1x32x128xf32, #tpu.memory_space<vmem>> -> memref<32x128xf32, #tpu.memory_space<vmem>>
      %dma_start3A_282 = arith.constant 0 : i32
      %dma_start3A_283 = tpu.memref_slice %arg5[%dma_start3A_282, %multiple_of3A] : memref<32x1000000xf32, #tpu.memory_space<hbm>> -> memref<32x128xf32, #tpu.memory_space<hbm>>
      tpu.enqueue_dma source(%dma_start3A_283 : memref<32x128xf32, #tpu.memory_space<hbm>>) target(%dma_start3A_281 : memref<32x128xf32, #tpu.memory_space<vmem>>) target_semaphore(%dma_start3A_277 : memref<!tpu.dma_semaphore, #tpu.memory_space<semaphore_mem>>)
    } else {
    }
    %gt3A_173 = arith.constant 6 : i32
    %gt3A_174 = arith.cmpi sgt, %scan3A_141#1, %gt3A_173 : i32
    %convert_element_type3A_175 = arith.extui %gt3A_174 : i1 to i32
    %cond3A_176 = arith.constant 0 : i32
    %cond3A_177 = arith.cmpi ne, %convert_element_type3A_175, %cond3A_176 : i32
    scf.if %cond3A_177 {
      %get3A = arith.constant 6 : i32
      %get3A_266 = arith.index_cast %get3A : i32 to index
      %get3A_267 = memref.load %arg12[%get3A_266] : memref<520xi32, #tpu.memory_space<smem>>
      %multiple_of3A = tpu.assume_multiple %get3A_267, 128 : i32
      %dma_start3A_268 = arith.constant 6 : i32
      %dma_start3A_269 = arith.constant 6 : i32
      %dma_start3A_270 = arith.constant 0 : i32
      %dma_start3A_271 = arith.constant 0 : i32
      %dma_start3A_272 = tpu.memref_slice %arg15[%dma_start3A_268, %dma_start3A_270, %dma_start3A_271] : memref<8x32x128xf32, #tpu.memory_space<vmem>> -> memref<1x32x128xf32, #tpu.memory_space<vmem>>
      %dma_start3A_273 = tpu.memref_squeeze %dma_start3A_272 : memref<1x32x128xf32, #tpu.memory_space<vmem>> -> memref<32x128xf32, #tpu.memory_space<vmem>>
      %dma_start3A_274 = arith.constant 0 : i32
      %dma_start3A_275 = tpu.memref_slice %arg5[%dma_start3A_274, %multiple_of3A] : memref<32x1000000xf32, #tpu.memory_space<hbm>> -> memref<32x128xf32, #tpu.memory_space<hbm>>
      %dma_start3A_276 = tpu.memref_slice %arg16[%dma_start3A_269] : memref<8x!tpu.dma_semaphore, #tpu.memory_space<semaphore_mem>> -> memref<1x!tpu.dma_semaphore, #tpu.memory_space<semaphore_mem>>
      %dma_start3A_277 = tpu.memref_squeeze %dma_start3A_276 : memref<1x!tpu.dma_semaphore, #tpu.memory_space<semaphore_mem>> -> memref<!tpu.dma_semaphore, #tpu.memory_space<semaphore_mem>>
      %dma_start3A_278 = arith.constant 0 : i32
      %dma_start3A_279 = arith.constant 0 : i32
      %dma_start3A_280 = tpu.memref_slice %arg15[%dma_start3A_268, %dma_start3A_278, %dma_start3A_279] : memref<8x32x128xf32, #tpu.memory_space<vmem>> -> memref<1x32x128xf32, #tpu.memory_space<vmem>>
      %dma_start3A_281 = tpu.memref_squeeze %dma_start3A_280 : memref<1x32x128xf32, #tpu.memory_space<vmem>> -> memref<32x128xf32, #tpu.memory_space<vmem>>
      %dma_start3A_282 = arith.constant 0 : i32
      %dma_start3A_283 = tpu.memref_slice %arg5[%dma_start3A_282, %multiple_of3A] : memref<32x1000000xf32, #tpu.memory_space<hbm>> -> memref<32x128xf32, #tpu.memory_space<hbm>>
      tpu.enqueue_dma source(%dma_start3A_283 : memref<32x128xf32, #tpu.memory_space<hbm>>) target(%dma_start3A_281 : memref<32x128xf32, #tpu.memory_space<vmem>>) target_semaphore(%dma_start3A_277 : memref<!tpu.dma_semaphore, #tpu.memory_space<semaphore_mem>>)
    } else {
    }
    %scan3A_178 = arith.constant -1 : i32
    %scan3A_179 = arith.constant -1 : i32
    %scan3A_180 = arith.constant 0 : i32
    %scan3A_181 = arith.constant 512 : i32
    %scan3A_182 = arith.addi %scan3A_180, %scan3A_181 : i32
    %scan3A_183 = arith.constant 1 : i32
    %scan3A_184:2 = scf.for %scan3A_266 = %scan3A_180 to %scan3A_182 step %scan3A_183 iter_args(%scan3A_267 = %scan3A_178, %scan3A_268 = %scan3A_179) -> (i32, i32)  : i32 {
      %get3A = arith.index_cast %scan3A_266 : i32 to index
      %get3A_269 = tpu.vector_load %arg10[%get3A] {strides = array<i32>} : memref<528xi32, #tpu.memory_space<vmem>>, vector<16xi32>,
      %slice3A = vector.extract_strided_slice %get3A_269 {offsets = [0], sizes = [1], strides = [1]} : vector<16xi32> to vector<1xi32>
      %squeeze3A = vector.extract %slice3A[0] : i32 from vector<1xi32>
      %jit3A = arith.constant 128 : i32
      %div3A = arith.divsi %squeeze3A, %jit3A : i32
      %sign3A = arith.constant 0 : i32
      %sign3A_270 = arith.cmpi sgt, %squeeze3A, %sign3A : i32
      %sign3A_271 = arith.extui %sign3A_270 : i1 to i32
      %sign3A_272 = arith.constant 0 : i32
      %sign3A_273 = arith.cmpi slt, %squeeze3A, %sign3A_272 : i32
      %sign3A_274 = arith.extui %sign3A_273 : i1 to i32
      %sign3A_275 = arith.subi %sign3A_271, %sign3A_274 : i32
      %sign3A_276 = arith.constant 0 : i32
      %sign3A_277 = arith.cmpi sgt, %jit3A, %sign3A_276 : i32
      %sign3A_278 = arith.extui %sign3A_277 : i1 to i32
      %sign3A_279 = arith.constant 0 : i32
      %sign3A_280 = arith.cmpi slt, %jit3A, %sign3A_279 : i32
      %sign3A_281 = arith.extui %sign3A_280 : i1 to i32
      %sign3A_282 = arith.subi %sign3A_278, %sign3A_281 : i32
      %ne3A = arith.cmpi ne, %sign3A_275, %sign3A_282 : i32
      %rem3A = arith.remsi %squeeze3A, %jit3A : i32
      %ne3A_283 = arith.constant 0 : i32
      %ne3A_284 = arith.cmpi ne, %rem3A, %ne3A_283 : i32
      %and3A = arith.andi %ne3A, %ne3A_284 : i1
      %sub3A = arith.constant 1 : i32
      %sub3A_285 = arith.subi %div3A, %sub3A : i32
      %select_n3A = arith.select %and3A, %sub3A_285, %div3A : i32
      %mul3A_286 = arith.constant 128 : i32
      %mul3A_287 = arith.muli %select_n3A, %mul3A_286 : i32
      %min3A = arith.constant 999808 : i32
      %min3A_288 = arith.minsi %mul3A_287, %min3A : i32
      %ne3A_289 = arith.cmpi ne, %min3A_288, %scan3A_267 : i32
      %convert_element_type3A_290 = arith.extui %ne3A_289 : i1 to i32
      %add3A_291 = arith.addi %scan3A_268, %convert_element_type3A_290 : i32
      %rem3A_292 = arith.constant 8 : i32
      %rem3A_293 = arith.remsi %add3A_291, %rem3A_292 : i32
      %convert_element_type3A_294 = arith.extui %ne3A_289 : i1 to i32
      %cond3A_295 = arith.constant 0 : i32
      %cond3A_296 = arith.cmpi ne, %convert_element_type3A_294, %cond3A_295 : i32
      scf.if %cond3A_296 {
        %dma_wait3A_322 = arith.constant 0 : i32
        %dma_wait3A_323 = arith.constant 0 : i32
        %dma_wait3A_324 = tpu.memref_slice %arg15[%rem3A_293, %dma_wait3A_322, %dma_wait3A_323] : memref<8x32x128xf32, #tpu.memory_space<vmem>> -> memref<1x32x128xf32, #tpu.memory_space<vmem>>
        %dma_wait3A_325 = tpu.memref_squeeze %dma_wait3A_324 : memref<1x32x128xf32, #tpu.memory_space<vmem>> -> memref<32x128xf32, #tpu.memory_space<vmem>>
        %dma_wait3A_326 = arith.constant 0 : i32
        %dma_wait3A_327 = arith.constant 0 : i32
        %dma_wait3A_328 = tpu.memref_slice %arg5[%dma_wait3A_326, %dma_wait3A_327] : memref<32x1000000xf32, #tpu.memory_space<hbm>> -> memref<32x128xf32, #tpu.memory_space<hbm>>
        %dma_wait3A_329 = tpu.memref_slice %arg16[%rem3A_293] : memref<8x!tpu.dma_semaphore, #tpu.memory_space<semaphore_mem>> -> memref<1x!tpu.dma_semaphore, #tpu.memory_space<semaphore_mem>>
        %dma_wait3A_330 = tpu.memref_squeeze %dma_wait3A_329 : memref<1x!tpu.dma_semaphore, #tpu.memory_space<semaphore_mem>> -> memref<!tpu.dma_semaphore, #tpu.memory_space<semaphore_mem>>
        %dma_wait3A_331 = arith.constant 0 : i32
        %dma_wait3A_332 = arith.constant 0 : i32
        %dma_wait3A_333 = tpu.memref_slice %arg15[%rem3A_293, %dma_wait3A_331, %dma_wait3A_332] : memref<8x32x128xf32, #tpu.memory_space<vmem>> -> memref<1x32x128xf32, #tpu.memory_space<vmem>>
        %dma_wait3A_334 = tpu.memref_squeeze %dma_wait3A_333 : memref<1x32x128xf32, #tpu.memory_space<vmem>> -> memref<32x128xf32, #tpu.memory_space<vmem>>
        %dma_wait3A_335 = arith.constant 0 : i32
        %dma_wait3A_336 = arith.constant 0 : i32
        %dma_wait3A_337 = tpu.memref_slice %arg5[%dma_wait3A_335, %dma_wait3A_336] : memref<32x1000000xf32, #tpu.memory_space<hbm>> -> memref<32x128xf32, #tpu.memory_space<hbm>>
        tpu.wait_dma2 semaphore(%dma_wait3A_330 : memref<!tpu.dma_semaphore, #tpu.memory_space<semaphore_mem>>) src(%dma_wait3A_337 : memref<32x128xf32, #tpu.memory_space<hbm>>) dst(%dma_wait3A_334 : memref<32x128xf32, #tpu.memory_space<vmem>>)
        %add3A_338 = arith.constant 8 : i32
        %add3A_339 = arith.addi %add3A_291, %add3A_338 : i32
        %sub3A_340 = arith.constant 1 : i32
        %sub3A_341 = arith.subi %add3A_339, %sub3A_340 : i32
        %lt3A = arith.cmpi slt, %sub3A_341, %scan3A_141#1 : i32
        %convert_element_type3A_342 = arith.extui %lt3A : i1 to i32
        %cond3A_343 = arith.constant 0 : i32
        %cond3A_344 = arith.cmpi ne, %convert_element_type3A_342, %cond3A_343 : i32
        scf.if %cond3A_344 {
          %rem3A_345 = arith.constant 8 : i32
          %rem3A_346 = arith.remsi %sub3A_341, %rem3A_345 : i32
          %get3A_347 = arith.index_cast %sub3A_341 : i32 to index
          %get3A_348 = memref.load %arg12[%get3A_347] : memref<520xi32, #tpu.memory_space<smem>>
          %multiple_of3A = tpu.assume_multiple %get3A_348, 128 : i32
          %dma_start3A_349 = arith.constant 0 : i32
          %dma_start3A_350 = arith.constant 0 : i32
          %dma_start3A_351 = tpu.memref_slice %arg15[%rem3A_346, %dma_start3A_349, %dma_start3A_350] : memref<8x32x128xf32, #tpu.memory_space<vmem>> -> memref<1x32x128xf32, #tpu.memory_space<vmem>>
          %dma_start3A_352 = tpu.memref_squeeze %dma_start3A_351 : memref<1x32x128xf32, #tpu.memory_space<vmem>> -> memref<32x128xf32, #tpu.memory_space<vmem>>
          %dma_start3A_353 = arith.constant 0 : i32
          %dma_start3A_354 = tpu.memref_slice %arg5[%dma_start3A_353, %multiple_of3A] : memref<32x1000000xf32, #tpu.memory_space<hbm>> -> memref<32x128xf32, #tpu.memory_space<hbm>>
          %dma_start3A_355 = tpu.memref_slice %arg16[%rem3A_346] : memref<8x!tpu.dma_semaphore, #tpu.memory_space<semaphore_mem>> -> memref<1x!tpu.dma_semaphore, #tpu.memory_space<semaphore_mem>>
          %dma_start3A_356 = tpu.memref_squeeze %dma_start3A_355 : memref<1x!tpu.dma_semaphore, #tpu.memory_space<semaphore_mem>> -> memref<!tpu.dma_semaphore, #tpu.memory_space<semaphore_mem>>
          %dma_start3A_357 = arith.constant 0 : i32
          %dma_start3A_358 = arith.constant 0 : i32
          %dma_start3A_359 = tpu.memref_slice %arg15[%rem3A_346, %dma_start3A_357, %dma_start3A_358] : memref<8x32x128xf32, #tpu.memory_space<vmem>> -> memref<1x32x128xf32, #tpu.memory_space<vmem>>
          %dma_start3A_360 = tpu.memref_squeeze %dma_start3A_359 : memref<1x32x128xf32, #tpu.memory_space<vmem>> -> memref<32x128xf32, #tpu.memory_space<vmem>>
          %dma_start3A_361 = arith.constant 0 : i32
          %dma_start3A_362 = tpu.memref_slice %arg5[%dma_start3A_361, %multiple_of3A] : memref<32x1000000xf32, #tpu.memory_space<hbm>> -> memref<32x128xf32, #tpu.memory_space<hbm>>
          tpu.enqueue_dma source(%dma_start3A_362 : memref<32x128xf32, #tpu.memory_space<hbm>>) target(%dma_start3A_360 : memref<32x128xf32, #tpu.memory_space<vmem>>) target_semaphore(%dma_start3A_356 : memref<!tpu.dma_semaphore, #tpu.memory_space<semaphore_mem>>)
        } else {
        }
      } else {
      }
      %ge3A = arith.constant 999936 : i32
      %ge3A_297 = arith.cmpi sge, %squeeze3A, %ge3A : i32
      %sub3A_298 = arith.subi %squeeze3A, %min3A_288 : i32
      %min3A_299 = arith.constant 127 : i32
      %min3A_300 = arith.minsi %sub3A_298, %min3A_299 : i32
      %sub3A_301 = arith.constant 999936 : i32
      %sub3A_302 = arith.subi %squeeze3A, %sub3A_301 : i32
      %max3A = arith.constant 0 : i32
      %max3A_303 = arith.maxsi %sub3A_302, %max3A : i32
      %min3A_304 = arith.constant 63 : i32
      %min3A_305 = arith.minsi %max3A_303, %min3A_304 : i32
      %broadcast_in_dim3A = vector.broadcast %min3A_300 : i32 to vector<16xi32>
      %broadcast_in_dim3A_306 = vector.broadcast %min3A_305 : i32 to vector<16xi32>
      %gather3A = arith.constant 0 : i32
      %gather3A_307 = arith.constant 0 : i32
      %gather3A_308 = tpu.memref_slice %arg15[%rem3A_293, %gather3A, %gather3A_307] : memref<8x32x128xf32, #tpu.memory_space<vmem>> -> memref<1x32x128xf32, #tpu.memory_space<vmem>>
      %gather3A_309 = tpu.memref_squeeze %gather3A_308 : memref<1x32x128xf32, #tpu.memory_space<vmem>> -> memref<32x128xf32, #tpu.memory_space<vmem>>
      %gather3A_310 = tpu.vector_load_idx %gather3A_309[%iota3A_131, %broadcast_in_dim3A] : memref<32x128xf32, #tpu.memory_space<vmem>>[vector<16xi32>, vector<16xi32>], vector<16xf32>,
      %gather3A_311 = arith.constant 0 : i32
      %gather3A_312 = arith.constant 0 : i32
      %gather3A_313 = tpu.memref_slice %arg15[%rem3A_293, %gather3A_311, %gather3A_312] : memref<8x32x128xf32, #tpu.memory_space<vmem>> -> memref<1x32x128xf32, #tpu.memory_space<vmem>>
      %gather3A_314 = tpu.memref_squeeze %gather3A_313 : memref<1x32x128xf32, #tpu.memory_space<vmem>> -> memref<32x128xf32, #tpu.memory_space<vmem>>
      %gather3A_315 = tpu.vector_load_idx %gather3A_314[%add3A_134, %broadcast_in_dim3A] : memref<32x128xf32, #tpu.memory_space<vmem>>[vector<16xi32>, vector<16xi32>], vector<16xf32>,
      %gather3A_316 = tpu.vector_load_idx %arg14[%iota3A_131, %broadcast_in_dim3A_306] : memref<32x64xf32, #tpu.memory_space<vmem>>[vector<16xi32>, vector<16xi32>], vector<16xf32>,
      %gather3A_317 = tpu.vector_load_idx %arg14[%add3A_134, %broadcast_in_dim3A_306] : memref<32x64xf32, #tpu.memory_space<vmem>>[vector<16xi32>, vector<16xi32>], vector<16xf32>,
      %broadcast_in_dim3A_318 = vector.broadcast %ge3A_297 : i1 to vector<16xi1>
      %select_n3A_319 = arith.select %broadcast_in_dim3A_318, %gather3A_316, %gather3A_310 : vector<16xi1>, vector<16xf32>
      %select_n3A_320 = arith.select %broadcast_in_dim3A_318, %gather3A_317, %gather3A_315 : vector<16xi1>, vector<16xf32>
      %broadcast_in_dim3A_321 = vector.broadcast %scan3A_266 : i32 to vector<16xi32>
      tpu.vector_store_idx %arg13[%broadcast_in_dim3A_321, %iota3A_131], %select_n3A_319 : memref<512x128xf32, #tpu.memory_space<vmem>>[vector<16xi32>, vector<16xi32>], vector<16xf32>,
      tpu.vector_store_idx %arg13[%broadcast_in_dim3A_321, %add3A_134], %select_n3A_320 : memref<512x128xf32, #tpu.memory_space<vmem>>[vector<16xi32>, vector<16xi32>], vector<16xf32>,
      scf.yield %min3A_288, %add3A_291 : i32, i32
    }
    %scan3A_185 = arith.constant 512 : i32
    %dma_start3A_186 = arith.constant 0 : i32
    %dma_start3A_187 = arith.constant 0 : i32
    %dma_start3A_188 = arith.constant 0 : i32
    %dma_start3A_189 = tpu.memref_slice %arg13[%dma_start3A_187, %dma_start3A_188] : memref<512x128xf32, #tpu.memory_space<vmem>> -> memref<128x128xf32, #tpu.memory_space<vmem>>
    %dma_start3A_190 = arith.constant 0 : i32
    %dma_start3A_191 = tpu.memref_slice %arg11[%dma_start3A_186, %dma_start3A_190] : memref<4x128xi32, #tpu.memory_space<vmem>> -> memref<1x128xi32, #tpu.memory_space<vmem>>
    %dma_start3A_192 = tpu.memref_squeeze %dma_start3A_191 : memref<1x128xi32, #tpu.memory_space<vmem>> -> memref<128xi32, #tpu.memory_space<vmem>>
    %dma_start3A_193 = arith.constant 0 : i32
    %dma_start3A_194 = arith.constant 0 : i32
    %dma_start3A_195 = tpu.memref_slice %arg9[%dma_start3A_193, %dma_start3A_194] : memref<16384x128xf32, #tpu.memory_space<hbm>> -> memref<16384x128xf32, #tpu.memory_space<hbm>>
    tpu.enqueue_indirect_dma source(%dma_start3A_189 : memref<128x128xf32, #tpu.memory_space<vmem>>) target(%dma_start3A_195 : memref<16384x128xf32, #tpu.memory_space<hbm>>) offsets(%dma_start3A_192 : memref<128xi32, #tpu.memory_space<vmem>>) semaphore(%arg17 : memref<!tpu.dma_semaphore, #tpu.memory_space<semaphore_mem>>)
    %dma_start3A_196 = arith.constant 1 : i32
    %dma_start3A_197 = arith.constant 128 : i32
    %dma_start3A_198 = arith.constant 0 : i32
    %dma_start3A_199 = tpu.memref_slice %arg13[%dma_start3A_197, %dma_start3A_198] : memref<512x128xf32, #tpu.memory_space<vmem>> -> memref<128x128xf32, #tpu.memory_space<vmem>>
    %dma_start3A_200 = arith.constant 0 : i32
    %dma_start3A_201 = tpu.memref_slice %arg11[%dma_start3A_196, %dma_start3A_200] : memref<4x128xi32, #tpu.memory_space<vmem>> -> memref<1x128xi32, #tpu.memory_space<vmem>>
    %dma_start3A_202 = tpu.memref_squeeze %dma_start3A_201 : memref<1x128xi32, #tpu.memory_space<vmem>> -> memref<128xi32, #tpu.memory_space<vmem>>
    %dma_start3A_203 = arith.constant 0 : i32
    %dma_start3A_204 = arith.constant 0 : i32
    %dma_start3A_205 = tpu.memref_slice %arg9[%dma_start3A_203, %dma_start3A_204] : memref<16384x128xf32, #tpu.memory_space<hbm>> -> memref<16384x128xf32, #tpu.memory_space<hbm>>
    tpu.enqueue_indirect_dma source(%dma_start3A_199 : memref<128x128xf32, #tpu.memory_space<vmem>>) target(%dma_start3A_205 : memref<16384x128xf32, #tpu.memory_space<hbm>>) offsets(%dma_start3A_202 : memref<128xi32, #tpu.memory_space<vmem>>) semaphore(%arg17 : memref<!tpu.dma_semaphore, #tpu.memory_space<semaphore_mem>>)
    %dma_start3A_206 = arith.constant 2 : i32
    %dma_start3A_207 = arith.constant 256 : i32
    %dma_start3A_208 = arith.constant 0 : i32
    %dma_start3A_209 = tpu.memref_slice %arg13[%dma_start3A_207, %dma_start3A_208] : memref<512x128xf32, #tpu.memory_space<vmem>> -> memref<128x128xf32, #tpu.memory_space<vmem>>
    %dma_start3A_210 = arith.constant 0 : i32
    %dma_start3A_211 = tpu.memref_slice %arg11[%dma_start3A_206, %dma_start3A_210] : memref<4x128xi32, #tpu.memory_space<vmem>> -> memref<1x128xi32, #tpu.memory_space<vmem>>
    %dma_start3A_212 = tpu.memref_squeeze %dma_start3A_211 : memref<1x128xi32, #tpu.memory_space<vmem>> -> memref<128xi32, #tpu.memory_space<vmem>>
    %dma_start3A_213 = arith.constant 0 : i32
    %dma_start3A_214 = arith.constant 0 : i32
    %dma_start3A_215 = tpu.memref_slice %arg9[%dma_start3A_213, %dma_start3A_214] : memref<16384x128xf32, #tpu.memory_space<hbm>> -> memref<16384x128xf32, #tpu.memory_space<hbm>>
    tpu.enqueue_indirect_dma source(%dma_start3A_209 : memref<128x128xf32, #tpu.memory_space<vmem>>) target(%dma_start3A_215 : memref<16384x128xf32, #tpu.memory_space<hbm>>) offsets(%dma_start3A_212 : memref<128xi32, #tpu.memory_space<vmem>>) semaphore(%arg17 : memref<!tpu.dma_semaphore, #tpu.memory_space<semaphore_mem>>)
    %dma_start3A_216 = arith.constant 3 : i32
    %dma_start3A_217 = arith.constant 384 : i32
    %dma_start3A_218 = arith.constant 0 : i32
    %dma_start3A_219 = tpu.memref_slice %arg13[%dma_start3A_217, %dma_start3A_218] : memref<512x128xf32, #tpu.memory_space<vmem>> -> memref<128x128xf32, #tpu.memory_space<vmem>>
    %dma_start3A_220 = arith.constant 0 : i32
    %dma_start3A_221 = tpu.memref_slice %arg11[%dma_start3A_216, %dma_start3A_220] : memref<4x128xi32, #tpu.memory_space<vmem>> -> memref<1x128xi32, #tpu.memory_space<vmem>>
    %dma_start3A_222 = tpu.memref_squeeze %dma_start3A_221 : memref<1x128xi32, #tpu.memory_space<vmem>> -> memref<128xi32, #tpu.memory_space<vmem>>
    %dma_start3A_223 = arith.constant 0 : i32
    %dma_start3A_224 = arith.constant 0 : i32
    %dma_start3A_225 = tpu.memref_slice %arg9[%dma_start3A_223, %dma_start3A_224] : memref<16384x128xf32, #tpu.memory_space<hbm>> -> memref<16384x128xf32, #tpu.memory_space<hbm>>
    tpu.enqueue_indirect_dma source(%dma_start3A_219 : memref<128x128xf32, #tpu.memory_space<vmem>>) target(%dma_start3A_225 : memref<16384x128xf32, #tpu.memory_space<hbm>>) offsets(%dma_start3A_222 : memref<128xi32, #tpu.memory_space<vmem>>) semaphore(%arg17 : memref<!tpu.dma_semaphore, #tpu.memory_space<semaphore_mem>>)
    %dma_wait3A_226 = arith.constant 0 : i32
    %dma_wait3A_227 = arith.constant 0 : i32
    %dma_wait3A_228 = arith.constant 0 : i32
    %dma_wait3A_229 = tpu.memref_slice %arg13[%dma_wait3A_227, %dma_wait3A_228] : memref<512x128xf32, #tpu.memory_space<vmem>> -> memref<128x128xf32, #tpu.memory_space<vmem>>
    %dma_wait3A_230 = arith.constant 0 : i32
    %dma_wait3A_231 = tpu.memref_slice %arg11[%dma_wait3A_226, %dma_wait3A_230] : memref<4x128xi32, #tpu.memory_space<vmem>> -> memref<1x128xi32, #tpu.memory_space<vmem>>
    %dma_wait3A_232 = tpu.memref_squeeze %dma_wait3A_231 : memref<1x128xi32, #tpu.memory_space<vmem>> -> memref<128xi32, #tpu.memory_space<vmem>>
    %dma_wait3A_233 = arith.constant 0 : i32
    %dma_wait3A_234 = arith.constant 0 : i32
    %dma_wait3A_235 = tpu.memref_slice %arg9[%dma_wait3A_233, %dma_wait3A_234] : memref<16384x128xf32, #tpu.memory_space<hbm>> -> memref<16384x128xf32, #tpu.memory_space<hbm>>
    tpu.wait_indirect_dma semaphore(%arg17 : memref<!tpu.dma_semaphore, #tpu.memory_space<semaphore_mem>>) src(%dma_wait3A_229 : memref<128x128xf32, #tpu.memory_space<vmem>>) dst(%dma_wait3A_235 : memref<16384x128xf32, #tpu.memory_space<hbm>>)
    %dma_wait3A_236 = arith.constant 1 : i32
    %dma_wait3A_237 = arith.constant 128 : i32
    %dma_wait3A_238 = arith.constant 0 : i32
    %dma_wait3A_239 = tpu.memref_slice %arg13[%dma_wait3A_237, %dma_wait3A_238] : memref<512x128xf32, #tpu.memory_space<vmem>> -> memref<128x128xf32, #tpu.memory_space<vmem>>
    %dma_wait3A_240 = arith.constant 0 : i32
    %dma_wait3A_241 = tpu.memref_slice %arg11[%dma_wait3A_236, %dma_wait3A_240] : memref<4x128xi32, #tpu.memory_space<vmem>> -> memref<1x128xi32, #tpu.memory_space<vmem>>
    %dma_wait3A_242 = tpu.memref_squeeze %dma_wait3A_241 : memref<1x128xi32, #tpu.memory_space<vmem>> -> memref<128xi32, #tpu.memory_space<vmem>>
    %dma_wait3A_243 = arith.constant 0 : i32
    %dma_wait3A_244 = arith.constant 0 : i32
    %dma_wait3A_245 = tpu.memref_slice %arg9[%dma_wait3A_243, %dma_wait3A_244] : memref<16384x128xf32, #tpu.memory_space<hbm>> -> memref<16384x128xf32, #tpu.memory_space<hbm>>
    tpu.wait_indirect_dma semaphore(%arg17 : memref<!tpu.dma_semaphore, #tpu.memory_space<semaphore_mem>>) src(%dma_wait3A_239 : memref<128x128xf32, #tpu.memory_space<vmem>>) dst(%dma_wait3A_245 : memref<16384x128xf32, #tpu.memory_space<hbm>>)
    %dma_wait3A_246 = arith.constant 2 : i32
    %dma_wait3A_247 = arith.constant 256 : i32
    %dma_wait3A_248 = arith.constant 0 : i32
    %dma_wait3A_249 = tpu.memref_slice %arg13[%dma_wait3A_247, %dma_wait3A_248] : memref<512x128xf32, #tpu.memory_space<vmem>> -> memref<128x128xf32, #tpu.memory_space<vmem>>
    %dma_wait3A_250 = arith.constant 0 : i32
    %dma_wait3A_251 = tpu.memref_slice %arg11[%dma_wait3A_246, %dma_wait3A_250] : memref<4x128xi32, #tpu.memory_space<vmem>> -> memref<1x128xi32, #tpu.memory_space<vmem>>
    %dma_wait3A_252 = tpu.memref_squeeze %dma_wait3A_251 : memref<1x128xi32, #tpu.memory_space<vmem>> -> memref<128xi32, #tpu.memory_space<vmem>>
    %dma_wait3A_253 = arith.constant 0 : i32
    %dma_wait3A_254 = arith.constant 0 : i32
    %dma_wait3A_255 = tpu.memref_slice %arg9[%dma_wait3A_253, %dma_wait3A_254] : memref<16384x128xf32, #tpu.memory_space<hbm>> -> memref<16384x128xf32, #tpu.memory_space<hbm>>
    tpu.wait_indirect_dma semaphore(%arg17 : memref<!tpu.dma_semaphore, #tpu.memory_space<semaphore_mem>>) src(%dma_wait3A_249 : memref<128x128xf32, #tpu.memory_space<vmem>>) dst(%dma_wait3A_255 : memref<16384x128xf32, #tpu.memory_space<hbm>>)
    %dma_wait3A_256 = arith.constant 3 : i32
    %dma_wait3A_257 = arith.constant 384 : i32
    %dma_wait3A_258 = arith.constant 0 : i32
    %dma_wait3A_259 = tpu.memref_slice %arg13[%dma_wait3A_257, %dma_wait3A_258] : memref<512x128xf32, #tpu.memory_space<vmem>> -> memref<128x128xf32, #tpu.memory_space<vmem>>
    %dma_wait3A_260 = arith.constant 0 : i32
    %dma_wait3A_261 = tpu.memref_slice %arg11[%dma_wait3A_256, %dma_wait3A_260] : memref<4x128xi32, #tpu.memory_space<vmem>> -> memref<1x128xi32, #tpu.memory_space<vmem>>
    %dma_wait3A_262 = tpu.memref_squeeze %dma_wait3A_261 : memref<1x128xi32, #tpu.memory_space<vmem>> -> memref<128xi32, #tpu.memory_space<vmem>>
    %dma_wait3A_263 = arith.constant 0 : i32
    %dma_wait3A_264 = arith.constant 0 : i32
    %dma_wait3A_265 = tpu.memref_slice %arg9[%dma_wait3A_263, %dma_wait3A_264] : memref<16384x128xf32, #tpu.memory_space<hbm>> -> memref<16384x128xf32, #tpu.memory_space<hbm>>
    tpu.wait_indirect_dma semaphore(%arg17 : memref<!tpu.dma_semaphore, #tpu.memory_space<semaphore_mem>>) src(%dma_wait3A_259 : memref<128x128xf32, #tpu.memory_space<vmem>>) dst(%dma_wait3A_265 : memref<16384x128xf32, #tpu.memory_space<hbm>>)
    return
  }
}

#map = affine_map<(d0, d1) -> (0)>
#map1 = affine_map<(d0, d1) -> (0, 0, 0)>
#map2 = affine_map<(d0, d1) -> (0, 0)>
module attributes {stable_mosaic.version = 14 : i64} {
  func.func @_gather_body(%arg0: i32, %arg1: i32, %arg2: memref<16384xi32, #tpu.memory_space<hbm>>, %arg3: memref<32x4x128xi32, #tpu.memory_space<hbm>>, %arg4: memref<32x1000000xf32, #tpu.memory_space<hbm>>, %arg5: memref<32x1000000xf32, #tpu.memory_space<hbm>>, %arg6: memref<32x64xf32, #tpu.memory_space<hbm>>, %arg7: memref<32x64xf32, #tpu.memory_space<hbm>>, %arg8: memref<16384x128xf32, #tpu.memory_space<hbm>>, %arg9: memref<16384x128xf32, #tpu.memory_space<hbm>>, %arg10: memref<528xi32, #tpu.memory_space<vmem>>, %arg11: memref<4x128xi32, #tpu.memory_space<vmem>>, %arg12: memref<520xi32, #tpu.memory_space<smem>>, %arg13: memref<512x128xf32, #tpu.memory_space<vmem>>, %arg14: memref<32x64xf32, #tpu.memory_space<vmem>>, %arg15: memref<8x32x128xf32, #tpu.memory_space<vmem>>, %arg16: memref<8x!tpu.dma_semaphore, #tpu.memory_space<semaphore_mem>>, %arg17: memref<!tpu.dma_semaphore, #tpu.memory_space<semaphore_mem>>) attributes {dimension_semantics = [#tpu.dimension_semantics<core_parallel>, #tpu.dimension_semantics<subcore_parallel>], iteration_bounds = array<i64: 2, 16>, scalar_prefetch = 0 : i64, scratch_operands = 8 : i64, tpu.core_type = #tpu.core_type<sc_vector_subcore>, window_params = [{transform_indices = #map}, {transform_indices = #map1}, {transform_indices = #map2}, {transform_indices = #map2}, {transform_indices = #map2}, {transform_indices = #map2}, {transform_indices = #map2}, {transform_indices = #map2}]} {
    %mul3A = arith.constant 2 : i32
    %mul3A_0 = arith.muli %arg1, %mul3A : i32
    %add3A = arith.addi %mul3A_0, %arg0 : i32
    %mul3A_1 = arith.constant 512 : i32
    %mul3A_2 = arith.muli %add3A, %mul3A_1 : i32
    "tpu.region"() ({
      %run_scoped3A = tpu.sem_alloc : memref<!tpu.dma_semaphore, #tpu.memory_space<semaphore_mem>>
      %dma_start3A_266 = arith.constant 0 : i32
      %dma_start3A_267 = tpu.memref_slice %arg10[%dma_start3A_266] : memref<528xi32, #tpu.memory_space<vmem>> -> memref<512xi32, #tpu.memory_space<vmem>>
      %dma_start3A_268 = tpu.memref_slice %arg2[%mul3A_2] : memref<16384xi32, #tpu.memory_space<hbm>> -> memref<512xi32, #tpu.memory_space<hbm>>
      %dma_start3A_269 = arith.constant 0 : i32
      %dma_start3A_270 = tpu.memref_slice %arg10[%dma_start3A_269] : memref<528xi32, #tpu.memory_space<vmem>> -> memref<512xi32, #tpu.memory_space<vmem>>
      %dma_start3A_271 = tpu.memref_slice %arg2[%mul3A_2] : memref<16384xi32, #tpu.memory_space<hbm>> -> memref<512xi32, #tpu.memory_space<hbm>>
      tpu.enqueue_dma source(%dma_start3A_271 : memref<512xi32, #tpu.memory_space<hbm>>) target(%dma_start3A_270 : memref<512xi32, #tpu.memory_space<vmem>>) target_semaphore(%run_scoped3A : memref<!tpu.dma_semaphore, #tpu.memory_space<semaphore_mem>>)
      %dma_wait3A_272 = arith.constant 0 : i32
      %dma_wait3A_273 = tpu.memref_slice %arg10[%dma_wait3A_272] : memref<528xi32, #tpu.memory_space<vmem>> -> memref<512xi32, #tpu.memory_space<vmem>>
      %dma_wait3A_274 = tpu.memref_slice %arg2[%mul3A_2] : memref<16384xi32, #tpu.memory_space<hbm>> -> memref<512xi32, #tpu.memory_space<hbm>>
      %dma_wait3A_275 = arith.constant 0 : i32
      %dma_wait3A_276 = tpu.memref_slice %arg10[%dma_wait3A_275] : memref<528xi32, #tpu.memory_space<vmem>> -> memref<512xi32, #tpu.memory_space<vmem>>
      %dma_wait3A_277 = tpu.memref_slice %arg2[%mul3A_2] : memref<16384xi32, #tpu.memory_space<hbm>> -> memref<512xi32, #tpu.memory_space<hbm>>
      tpu.wait_dma2 semaphore(%run_scoped3A : memref<!tpu.dma_semaphore, #tpu.memory_space<semaphore_mem>>) src(%dma_wait3A_277 : memref<512xi32, #tpu.memory_space<hbm>>) dst(%dma_wait3A_276 : memref<512xi32, #tpu.memory_space<vmem>>)
      tpu.yield
    }) : () -> ()
    "tpu.region"() ({
      %run_scoped3A = tpu.sem_alloc : memref<!tpu.dma_semaphore, #tpu.memory_space<semaphore_mem>>
      %dma_start3A_266 = arith.constant 0 : i32
      %dma_start3A_267 = arith.constant 0 : i32
      %dma_start3A_268 = tpu.memref_slice %arg3[%add3A, %dma_start3A_266, %dma_start3A_267] : memref<32x4x128xi32, #tpu.memory_space<hbm>> -> memref<1x4x128xi32, #tpu.memory_space<hbm>>
      %dma_start3A_269 = tpu.memref_squeeze %dma_start3A_268 : memref<1x4x128xi32, #tpu.memory_space<hbm>> -> memref<4x128xi32, #tpu.memory_space<hbm>>
      %dma_start3A_270 = arith.constant 0 : i32
      %dma_start3A_271 = arith.constant 0 : i32
      %dma_start3A_272 = tpu.memref_slice %arg3[%add3A, %dma_start3A_270, %dma_start3A_271] : memref<32x4x128xi32, #tpu.memory_space<hbm>> -> memref<1x4x128xi32, #tpu.memory_space<hbm>>
      %dma_start3A_273 = tpu.memref_squeeze %dma_start3A_272 : memref<1x4x128xi32, #tpu.memory_space<hbm>> -> memref<4x128xi32, #tpu.memory_space<hbm>>
      tpu.enqueue_dma source(%dma_start3A_273 : memref<4x128xi32, #tpu.memory_space<hbm>>) target(%arg11 : memref<4x128xi32, #tpu.memory_space<vmem>>) target_semaphore(%run_scoped3A : memref<!tpu.dma_semaphore, #tpu.memory_space<semaphore_mem>>)
      %dma_wait3A_274 = arith.constant 0 : i32
      %dma_wait3A_275 = arith.constant 0 : i32
      %dma_wait3A_276 = tpu.memref_slice %arg3[%add3A, %dma_wait3A_274, %dma_wait3A_275] : memref<32x4x128xi32, #tpu.memory_space<hbm>> -> memref<1x4x128xi32, #tpu.memory_space<hbm>>
      %dma_wait3A_277 = tpu.memref_squeeze %dma_wait3A_276 : memref<1x4x128xi32, #tpu.memory_space<hbm>> -> memref<4x128xi32, #tpu.memory_space<hbm>>
      %dma_wait3A_278 = arith.constant 0 : i32
      %dma_wait3A_279 = arith.constant 0 : i32
      %dma_wait3A_280 = tpu.memref_slice %arg3[%add3A, %dma_wait3A_278, %dma_wait3A_279] : memref<32x4x128xi32, #tpu.memory_space<hbm>> -> memref<1x4x128xi32, #tpu.memory_space<hbm>>
      %dma_wait3A_281 = tpu.memref_squeeze %dma_wait3A_280 : memref<1x4x128xi32, #tpu.memory_space<hbm>> -> memref<4x128xi32, #tpu.memory_space<hbm>>
      tpu.wait_dma2 semaphore(%run_scoped3A : memref<!tpu.dma_semaphore, #tpu.memory_space<semaphore_mem>>) src(%dma_wait3A_281 : memref<4x128xi32, #tpu.memory_space<hbm>>) dst(%arg11 : memref<4x128xi32, #tpu.memory_space<vmem>>)
      tpu.yield
    }) : () -> ()
    "tpu.region"() ({
      %run_scoped3A = tpu.sem_alloc : memref<!tpu.dma_semaphore, #tpu.memory_space<semaphore_mem>>
      tpu.enqueue_dma source(%arg6 : memref<32x64xf32, #tpu.memory_space<hbm>>) target(%arg14 : memref<32x64xf32, #tpu.memory_space<vmem>>) target_semaphore(%run_scoped3A : memref<!tpu.dma_semaphore, #tpu.memory_space<semaphore_mem>>)
      tpu.wait_dma2 semaphore(%run_scoped3A : memref<!tpu.dma_semaphore, #tpu.memory_space<semaphore_mem>>) src(%arg6 : memref<32x64xf32, #tpu.memory_space<hbm>>) dst(%arg14 : memref<32x64xf32, #tpu.memory_space<vmem>>)
      tpu.yield
    }) : () -> ()
    %iota3A = tpu.iota {dimensions = array<i32: 0>} : vector<16xi32>
    %add3A_3 = arith.constant 16 : i32
    %add3A_4 = vector.broadcast %add3A_3 : i32 to vector<16xi32>
    %add3A_5 = arith.addi %iota3A, %add3A_4 : vector<16xi32>
    %scan3A = arith.constant -1 : i32
    %scan3A_6 = arith.constant 0 : i32
    %scan3A_7 = arith.constant 0 : i32
    %scan3A_8 = arith.constant 512 : i32
    %scan3A_9 = arith.addi %scan3A_7, %scan3A_8 : i32
    %scan3A_10 = arith.constant 1 : i32
    %scan3A_11:2 = scf.for %scan3A_266 = %scan3A_7 to %scan3A_9 step %scan3A_10 iter_args(%scan3A_267 = %scan3A, %scan3A_268 = %scan3A_6) -> (i32, i32)  : i32 {
      %get3A = arith.index_cast %scan3A_266 : i32 to index
      %get3A_269 = tpu.vector_load %arg10[%get3A] {strides = array<i32>} : memref<528xi32, #tpu.memory_space<vmem>>, vector<16xi32>,
      %slice3A = vector.extract_strided_slice %get3A_269 {offsets = [0], sizes = [1], strides = [1]} : vector<16xi32> to vector<1xi32>
      %squeeze3A = vector.extract %slice3A[0] : i32 from vector<1xi32>
      %jit3A = arith.constant 128 : i32
      %div3A = arith.divsi %squeeze3A, %jit3A : i32
      %sign3A = arith.constant 0 : i32
      %sign3A_270 = arith.cmpi sgt, %squeeze3A, %sign3A : i32
      %sign3A_271 = arith.extui %sign3A_270 : i1 to i32
      %sign3A_272 = arith.constant 0 : i32
      %sign3A_273 = arith.cmpi slt, %squeeze3A, %sign3A_272 : i32
      %sign3A_274 = arith.extui %sign3A_273 : i1 to i32
      %sign3A_275 = arith.subi %sign3A_271, %sign3A_274 : i32
      %sign3A_276 = arith.constant 0 : i32
      %sign3A_277 = arith.cmpi sgt, %jit3A, %sign3A_276 : i32
      %sign3A_278 = arith.extui %sign3A_277 : i1 to i32
      %sign3A_279 = arith.constant 0 : i32
      %sign3A_280 = arith.cmpi slt, %jit3A, %sign3A_279 : i32
      %sign3A_281 = arith.extui %sign3A_280 : i1 to i32
      %sign3A_282 = arith.subi %sign3A_278, %sign3A_281 : i32
      %ne3A = arith.cmpi ne, %sign3A_275, %sign3A_282 : i32
      %rem3A = arith.remsi %squeeze3A, %jit3A : i32
      %ne3A_283 = arith.constant 0 : i32
      %ne3A_284 = arith.cmpi ne, %rem3A, %ne3A_283 : i32
      %and3A = arith.andi %ne3A, %ne3A_284 : i1
      %sub3A = arith.constant 1 : i32
      %sub3A_285 = arith.subi %div3A, %sub3A : i32
      %select_n3A = arith.select %and3A, %sub3A_285, %div3A : i32
      %mul3A_286 = arith.constant 128 : i32
      %mul3A_287 = arith.muli %select_n3A, %mul3A_286 : i32
      %min3A = arith.constant 999808 : i32
      %min3A_288 = arith.minsi %mul3A_287, %min3A : i32
      %ne3A_289 = arith.cmpi ne, %min3A_288, %scan3A_267 : i32
      %convert_element_type3A_290 = arith.extui %ne3A_289 : i1 to i32
      %cond3A_291 = arith.constant 0 : i32
      %cond3A_292 = arith.cmpi ne, %convert_element_type3A_290, %cond3A_291 : i32
      scf.if %cond3A_292 {
        %swap3A = arith.index_cast %scan3A_268 : i32 to index
        %swap3A_295 = memref.load %arg12[%swap3A] : memref<520xi32, #tpu.memory_space<smem>>
        memref.store %min3A_288, %arg12[%swap3A] : memref<520xi32, #tpu.memory_space<smem>>
      } else {
      }
      %convert_element_type3A_293 = arith.extui %ne3A_289 : i1 to i32
      %add3A_294 = arith.addi %scan3A_268, %convert_element_type3A_293 : i32
      scf.yield %min3A_288, %add3A_294 : i32, i32
    }
    %scan3A_12 = arith.constant 512 : i32
    %gt3A = arith.constant 0 : i32
    %gt3A_13 = arith.cmpi sgt, %scan3A_11#1, %gt3A : i32
    %convert_element_type3A = arith.extui %gt3A_13 : i1 to i32
    %cond3A = arith.constant 0 : i32
    %cond3A_14 = arith.cmpi ne, %convert_element_type3A, %cond3A : i32
    scf.if %cond3A_14 {
      %get3A = arith.constant 0 : i32
      %get3A_266 = arith.index_cast %get3A : i32 to index
      %get3A_267 = memref.load %arg12[%get3A_266] : memref<520xi32, #tpu.memory_space<smem>>
      %multiple_of3A = tpu.assume_multiple %get3A_267, 128 : i32
      %dma_start3A_268 = arith.constant 0 : i32
      %dma_start3A_269 = arith.constant 0 : i32
      %dma_start3A_270 = arith.constant 0 : i32
      %dma_start3A_271 = arith.constant 0 : i32
      %dma_start3A_272 = tpu.memref_slice %arg15[%dma_start3A_268, %dma_start3A_270, %dma_start3A_271] : memref<8x32x128xf32, #tpu.memory_space<vmem>> -> memref<1x32x128xf32, #tpu.memory_space<vmem>>
      %dma_start3A_273 = tpu.memref_squeeze %dma_start3A_272 : memref<1x32x128xf32, #tpu.memory_space<vmem>> -> memref<32x128xf32, #tpu.memory_space<vmem>>
      %dma_start3A_274 = arith.constant 0 : i32
      %dma_start3A_275 = tpu.memref_slice %arg4[%dma_start3A_274, %multiple_of3A] : memref<32x1000000xf32, #tpu.memory_space<hbm>> -> memref<32x128xf32, #tpu.memory_space<hbm>>
      %dma_start3A_276 = tpu.memref_slice %arg16[%dma_start3A_269] : memref<8x!tpu.dma_semaphore, #tpu.memory_space<semaphore_mem>> -> memref<1x!tpu.dma_semaphore, #tpu.memory_space<semaphore_mem>>
      %dma_start3A_277 = tpu.memref_squeeze %dma_start3A_276 : memref<1x!tpu.dma_semaphore, #tpu.memory_space<semaphore_mem>> -> memref<!tpu.dma_semaphore, #tpu.memory_space<semaphore_mem>>
      %dma_start3A_278 = arith.constant 0 : i32
      %dma_start3A_279 = arith.constant 0 : i32
      %dma_start3A_280 = tpu.memref_slice %arg15[%dma_start3A_268, %dma_start3A_278, %dma_start3A_279] : memref<8x32x128xf32, #tpu.memory_space<vmem>> -> memref<1x32x128xf32, #tpu.memory_space<vmem>>
      %dma_start3A_281 = tpu.memref_squeeze %dma_start3A_280 : memref<1x32x128xf32, #tpu.memory_space<vmem>> -> memref<32x128xf32, #tpu.memory_space<vmem>>
      %dma_start3A_282 = arith.constant 0 : i32
      %dma_start3A_283 = tpu.memref_slice %arg4[%dma_start3A_282, %multiple_of3A] : memref<32x1000000xf32, #tpu.memory_space<hbm>> -> memref<32x128xf32, #tpu.memory_space<hbm>>
      tpu.enqueue_dma source(%dma_start3A_283 : memref<32x128xf32, #tpu.memory_space<hbm>>) target(%dma_start3A_281 : memref<32x128xf32, #tpu.memory_space<vmem>>) target_semaphore(%dma_start3A_277 : memref<!tpu.dma_semaphore, #tpu.memory_space<semaphore_mem>>)
    } else {
    }
    %gt3A_15 = arith.constant 1 : i32
    %gt3A_16 = arith.cmpi sgt, %scan3A_11#1, %gt3A_15 : i32
    %convert_element_type3A_17 = arith.extui %gt3A_16 : i1 to i32
    %cond3A_18 = arith.constant 0 : i32
    %cond3A_19 = arith.cmpi ne, %convert_element_type3A_17, %cond3A_18 : i32
    scf.if %cond3A_19 {
      %get3A = arith.constant 1 : i32
      %get3A_266 = arith.index_cast %get3A : i32 to index
      %get3A_267 = memref.load %arg12[%get3A_266] : memref<520xi32, #tpu.memory_space<smem>>
      %multiple_of3A = tpu.assume_multiple %get3A_267, 128 : i32
      %dma_start3A_268 = arith.constant 1 : i32
      %dma_start3A_269 = arith.constant 1 : i32
      %dma_start3A_270 = arith.constant 0 : i32
      %dma_start3A_271 = arith.constant 0 : i32
      %dma_start3A_272 = tpu.memref_slice %arg15[%dma_start3A_268, %dma_start3A_270, %dma_start3A_271] : memref<8x32x128xf32, #tpu.memory_space<vmem>> -> memref<1x32x128xf32, #tpu.memory_space<vmem>>
      %dma_start3A_273 = tpu.memref_squeeze %dma_start3A_272 : memref<1x32x128xf32, #tpu.memory_space<vmem>> -> memref<32x128xf32, #tpu.memory_space<vmem>>
      %dma_start3A_274 = arith.constant 0 : i32
      %dma_start3A_275 = tpu.memref_slice %arg4[%dma_start3A_274, %multiple_of3A] : memref<32x1000000xf32, #tpu.memory_space<hbm>> -> memref<32x128xf32, #tpu.memory_space<hbm>>
      %dma_start3A_276 = tpu.memref_slice %arg16[%dma_start3A_269] : memref<8x!tpu.dma_semaphore, #tpu.memory_space<semaphore_mem>> -> memref<1x!tpu.dma_semaphore, #tpu.memory_space<semaphore_mem>>
      %dma_start3A_277 = tpu.memref_squeeze %dma_start3A_276 : memref<1x!tpu.dma_semaphore, #tpu.memory_space<semaphore_mem>> -> memref<!tpu.dma_semaphore, #tpu.memory_space<semaphore_mem>>
      %dma_start3A_278 = arith.constant 0 : i32
      %dma_start3A_279 = arith.constant 0 : i32
      %dma_start3A_280 = tpu.memref_slice %arg15[%dma_start3A_268, %dma_start3A_278, %dma_start3A_279] : memref<8x32x128xf32, #tpu.memory_space<vmem>> -> memref<1x32x128xf32, #tpu.memory_space<vmem>>
      %dma_start3A_281 = tpu.memref_squeeze %dma_start3A_280 : memref<1x32x128xf32, #tpu.memory_space<vmem>> -> memref<32x128xf32, #tpu.memory_space<vmem>>
      %dma_start3A_282 = arith.constant 0 : i32
      %dma_start3A_283 = tpu.memref_slice %arg4[%dma_start3A_282, %multiple_of3A] : memref<32x1000000xf32, #tpu.memory_space<hbm>> -> memref<32x128xf32, #tpu.memory_space<hbm>>
      tpu.enqueue_dma source(%dma_start3A_283 : memref<32x128xf32, #tpu.memory_space<hbm>>) target(%dma_start3A_281 : memref<32x128xf32, #tpu.memory_space<vmem>>) target_semaphore(%dma_start3A_277 : memref<!tpu.dma_semaphore, #tpu.memory_space<semaphore_mem>>)
    } else {
    }
    %gt3A_20 = arith.constant 2 : i32
    %gt3A_21 = arith.cmpi sgt, %scan3A_11#1, %gt3A_20 : i32
    %convert_element_type3A_22 = arith.extui %gt3A_21 : i1 to i32
    %cond3A_23 = arith.constant 0 : i32
    %cond3A_24 = arith.cmpi ne, %convert_element_type3A_22, %cond3A_23 : i32
    scf.if %cond3A_24 {
      %get3A = arith.constant 2 : i32
      %get3A_266 = arith.index_cast %get3A : i32 to index
      %get3A_267 = memref.load %arg12[%get3A_266] : memref<520xi32, #tpu.memory_space<smem>>
      %multiple_of3A = tpu.assume_multiple %get3A_267, 128 : i32
      %dma_start3A_268 = arith.constant 2 : i32
      %dma_start3A_269 = arith.constant 2 : i32
      %dma_start3A_270 = arith.constant 0 : i32
      %dma_start3A_271 = arith.constant 0 : i32
      %dma_start3A_272 = tpu.memref_slice %arg15[%dma_start3A_268, %dma_start3A_270, %dma_start3A_271] : memref<8x32x128xf32, #tpu.memory_space<vmem>> -> memref<1x32x128xf32, #tpu.memory_space<vmem>>
      %dma_start3A_273 = tpu.memref_squeeze %dma_start3A_272 : memref<1x32x128xf32, #tpu.memory_space<vmem>> -> memref<32x128xf32, #tpu.memory_space<vmem>>
      %dma_start3A_274 = arith.constant 0 : i32
      %dma_start3A_275 = tpu.memref_slice %arg4[%dma_start3A_274, %multiple_of3A] : memref<32x1000000xf32, #tpu.memory_space<hbm>> -> memref<32x128xf32, #tpu.memory_space<hbm>>
      %dma_start3A_276 = tpu.memref_slice %arg16[%dma_start3A_269] : memref<8x!tpu.dma_semaphore, #tpu.memory_space<semaphore_mem>> -> memref<1x!tpu.dma_semaphore, #tpu.memory_space<semaphore_mem>>
      %dma_start3A_277 = tpu.memref_squeeze %dma_start3A_276 : memref<1x!tpu.dma_semaphore, #tpu.memory_space<semaphore_mem>> -> memref<!tpu.dma_semaphore, #tpu.memory_space<semaphore_mem>>
      %dma_start3A_278 = arith.constant 0 : i32
      %dma_start3A_279 = arith.constant 0 : i32
      %dma_start3A_280 = tpu.memref_slice %arg15[%dma_start3A_268, %dma_start3A_278, %dma_start3A_279] : memref<8x32x128xf32, #tpu.memory_space<vmem>> -> memref<1x32x128xf32, #tpu.memory_space<vmem>>
      %dma_start3A_281 = tpu.memref_squeeze %dma_start3A_280 : memref<1x32x128xf32, #tpu.memory_space<vmem>> -> memref<32x128xf32, #tpu.memory_space<vmem>>
      %dma_start3A_282 = arith.constant 0 : i32
      %dma_start3A_283 = tpu.memref_slice %arg4[%dma_start3A_282, %multiple_of3A] : memref<32x1000000xf32, #tpu.memory_space<hbm>> -> memref<32x128xf32, #tpu.memory_space<hbm>>
      tpu.enqueue_dma source(%dma_start3A_283 : memref<32x128xf32, #tpu.memory_space<hbm>>) target(%dma_start3A_281 : memref<32x128xf32, #tpu.memory_space<vmem>>) target_semaphore(%dma_start3A_277 : memref<!tpu.dma_semaphore, #tpu.memory_space<semaphore_mem>>)
    } else {
    }
    %gt3A_25 = arith.constant 3 : i32
    %gt3A_26 = arith.cmpi sgt, %scan3A_11#1, %gt3A_25 : i32
    %convert_element_type3A_27 = arith.extui %gt3A_26 : i1 to i32
    %cond3A_28 = arith.constant 0 : i32
    %cond3A_29 = arith.cmpi ne, %convert_element_type3A_27, %cond3A_28 : i32
    scf.if %cond3A_29 {
      %get3A = arith.constant 3 : i32
      %get3A_266 = arith.index_cast %get3A : i32 to index
      %get3A_267 = memref.load %arg12[%get3A_266] : memref<520xi32, #tpu.memory_space<smem>>
      %multiple_of3A = tpu.assume_multiple %get3A_267, 128 : i32
      %dma_start3A_268 = arith.constant 3 : i32
      %dma_start3A_269 = arith.constant 3 : i32
      %dma_start3A_270 = arith.constant 0 : i32
      %dma_start3A_271 = arith.constant 0 : i32
      %dma_start3A_272 = tpu.memref_slice %arg15[%dma_start3A_268, %dma_start3A_270, %dma_start3A_271] : memref<8x32x128xf32, #tpu.memory_space<vmem>> -> memref<1x32x128xf32, #tpu.memory_space<vmem>>
      %dma_start3A_273 = tpu.memref_squeeze %dma_start3A_272 : memref<1x32x128xf32, #tpu.memory_space<vmem>> -> memref<32x128xf32, #tpu.memory_space<vmem>>
      %dma_start3A_274 = arith.constant 0 : i32
      %dma_start3A_275 = tpu.memref_slice %arg4[%dma_start3A_274, %multiple_of3A] : memref<32x1000000xf32, #tpu.memory_space<hbm>> -> memref<32x128xf32, #tpu.memory_space<hbm>>
      %dma_start3A_276 = tpu.memref_slice %arg16[%dma_start3A_269] : memref<8x!tpu.dma_semaphore, #tpu.memory_space<semaphore_mem>> -> memref<1x!tpu.dma_semaphore, #tpu.memory_space<semaphore_mem>>
      %dma_start3A_277 = tpu.memref_squeeze %dma_start3A_276 : memref<1x!tpu.dma_semaphore, #tpu.memory_space<semaphore_mem>> -> memref<!tpu.dma_semaphore, #tpu.memory_space<semaphore_mem>>
      %dma_start3A_278 = arith.constant 0 : i32
      %dma_start3A_279 = arith.constant 0 : i32
      %dma_start3A_280 = tpu.memref_slice %arg15[%dma_start3A_268, %dma_start3A_278, %dma_start3A_279] : memref<8x32x128xf32, #tpu.memory_space<vmem>> -> memref<1x32x128xf32, #tpu.memory_space<vmem>>
      %dma_start3A_281 = tpu.memref_squeeze %dma_start3A_280 : memref<1x32x128xf32, #tpu.memory_space<vmem>> -> memref<32x128xf32, #tpu.memory_space<vmem>>
      %dma_start3A_282 = arith.constant 0 : i32
      %dma_start3A_283 = tpu.memref_slice %arg4[%dma_start3A_282, %multiple_of3A] : memref<32x1000000xf32, #tpu.memory_space<hbm>> -> memref<32x128xf32, #tpu.memory_space<hbm>>
      tpu.enqueue_dma source(%dma_start3A_283 : memref<32x128xf32, #tpu.memory_space<hbm>>) target(%dma_start3A_281 : memref<32x128xf32, #tpu.memory_space<vmem>>) target_semaphore(%dma_start3A_277 : memref<!tpu.dma_semaphore, #tpu.memory_space<semaphore_mem>>)
    } else {
    }
    %gt3A_30 = arith.constant 4 : i32
    %gt3A_31 = arith.cmpi sgt, %scan3A_11#1, %gt3A_30 : i32
    %convert_element_type3A_32 = arith.extui %gt3A_31 : i1 to i32
    %cond3A_33 = arith.constant 0 : i32
    %cond3A_34 = arith.cmpi ne, %convert_element_type3A_32, %cond3A_33 : i32
    scf.if %cond3A_34 {
      %get3A = arith.constant 4 : i32
      %get3A_266 = arith.index_cast %get3A : i32 to index
      %get3A_267 = memref.load %arg12[%get3A_266] : memref<520xi32, #tpu.memory_space<smem>>
      %multiple_of3A = tpu.assume_multiple %get3A_267, 128 : i32
      %dma_start3A_268 = arith.constant 4 : i32
      %dma_start3A_269 = arith.constant 4 : i32
      %dma_start3A_270 = arith.constant 0 : i32
      %dma_start3A_271 = arith.constant 0 : i32
      %dma_start3A_272 = tpu.memref_slice %arg15[%dma_start3A_268, %dma_start3A_270, %dma_start3A_271] : memref<8x32x128xf32, #tpu.memory_space<vmem>> -> memref<1x32x128xf32, #tpu.memory_space<vmem>>
      %dma_start3A_273 = tpu.memref_squeeze %dma_start3A_272 : memref<1x32x128xf32, #tpu.memory_space<vmem>> -> memref<32x128xf32, #tpu.memory_space<vmem>>
      %dma_start3A_274 = arith.constant 0 : i32
      %dma_start3A_275 = tpu.memref_slice %arg4[%dma_start3A_274, %multiple_of3A] : memref<32x1000000xf32, #tpu.memory_space<hbm>> -> memref<32x128xf32, #tpu.memory_space<hbm>>
      %dma_start3A_276 = tpu.memref_slice %arg16[%dma_start3A_269] : memref<8x!tpu.dma_semaphore, #tpu.memory_space<semaphore_mem>> -> memref<1x!tpu.dma_semaphore, #tpu.memory_space<semaphore_mem>>
      %dma_start3A_277 = tpu.memref_squeeze %dma_start3A_276 : memref<1x!tpu.dma_semaphore, #tpu.memory_space<semaphore_mem>> -> memref<!tpu.dma_semaphore, #tpu.memory_space<semaphore_mem>>
      %dma_start3A_278 = arith.constant 0 : i32
      %dma_start3A_279 = arith.constant 0 : i32
      %dma_start3A_280 = tpu.memref_slice %arg15[%dma_start3A_268, %dma_start3A_278, %dma_start3A_279] : memref<8x32x128xf32, #tpu.memory_space<vmem>> -> memref<1x32x128xf32, #tpu.memory_space<vmem>>
      %dma_start3A_281 = tpu.memref_squeeze %dma_start3A_280 : memref<1x32x128xf32, #tpu.memory_space<vmem>> -> memref<32x128xf32, #tpu.memory_space<vmem>>
      %dma_start3A_282 = arith.constant 0 : i32
      %dma_start3A_283 = tpu.memref_slice %arg4[%dma_start3A_282, %multiple_of3A] : memref<32x1000000xf32, #tpu.memory_space<hbm>> -> memref<32x128xf32, #tpu.memory_space<hbm>>
      tpu.enqueue_dma source(%dma_start3A_283 : memref<32x128xf32, #tpu.memory_space<hbm>>) target(%dma_start3A_281 : memref<32x128xf32, #tpu.memory_space<vmem>>) target_semaphore(%dma_start3A_277 : memref<!tpu.dma_semaphore, #tpu.memory_space<semaphore_mem>>)
    } else {
    }
    %gt3A_35 = arith.constant 5 : i32
    %gt3A_36 = arith.cmpi sgt, %scan3A_11#1, %gt3A_35 : i32
    %convert_element_type3A_37 = arith.extui %gt3A_36 : i1 to i32
    %cond3A_38 = arith.constant 0 : i32
    %cond3A_39 = arith.cmpi ne, %convert_element_type3A_37, %cond3A_38 : i32
    scf.if %cond3A_39 {
      %get3A = arith.constant 5 : i32
      %get3A_266 = arith.index_cast %get3A : i32 to index
      %get3A_267 = memref.load %arg12[%get3A_266] : memref<520xi32, #tpu.memory_space<smem>>
      %multiple_of3A = tpu.assume_multiple %get3A_267, 128 : i32
      %dma_start3A_268 = arith.constant 5 : i32
      %dma_start3A_269 = arith.constant 5 : i32
      %dma_start3A_270 = arith.constant 0 : i32
      %dma_start3A_271 = arith.constant 0 : i32
      %dma_start3A_272 = tpu.memref_slice %arg15[%dma_start3A_268, %dma_start3A_270, %dma_start3A_271] : memref<8x32x128xf32, #tpu.memory_space<vmem>> -> memref<1x32x128xf32, #tpu.memory_space<vmem>>
      %dma_start3A_273 = tpu.memref_squeeze %dma_start3A_272 : memref<1x32x128xf32, #tpu.memory_space<vmem>> -> memref<32x128xf32, #tpu.memory_space<vmem>>
      %dma_start3A_274 = arith.constant 0 : i32
      %dma_start3A_275 = tpu.memref_slice %arg4[%dma_start3A_274, %multiple_of3A] : memref<32x1000000xf32, #tpu.memory_space<hbm>> -> memref<32x128xf32, #tpu.memory_space<hbm>>
      %dma_start3A_276 = tpu.memref_slice %arg16[%dma_start3A_269] : memref<8x!tpu.dma_semaphore, #tpu.memory_space<semaphore_mem>> -> memref<1x!tpu.dma_semaphore, #tpu.memory_space<semaphore_mem>>
      %dma_start3A_277 = tpu.memref_squeeze %dma_start3A_276 : memref<1x!tpu.dma_semaphore, #tpu.memory_space<semaphore_mem>> -> memref<!tpu.dma_semaphore, #tpu.memory_space<semaphore_mem>>
      %dma_start3A_278 = arith.constant 0 : i32
      %dma_start3A_279 = arith.constant 0 : i32
      %dma_start3A_280 = tpu.memref_slice %arg15[%dma_start3A_268, %dma_start3A_278, %dma_start3A_279] : memref<8x32x128xf32, #tpu.memory_space<vmem>> -> memref<1x32x128xf32, #tpu.memory_space<vmem>>
      %dma_start3A_281 = tpu.memref_squeeze %dma_start3A_280 : memref<1x32x128xf32, #tpu.memory_space<vmem>> -> memref<32x128xf32, #tpu.memory_space<vmem>>
      %dma_start3A_282 = arith.constant 0 : i32
      %dma_start3A_283 = tpu.memref_slice %arg4[%dma_start3A_282, %multiple_of3A] : memref<32x1000000xf32, #tpu.memory_space<hbm>> -> memref<32x128xf32, #tpu.memory_space<hbm>>
      tpu.enqueue_dma source(%dma_start3A_283 : memref<32x128xf32, #tpu.memory_space<hbm>>) target(%dma_start3A_281 : memref<32x128xf32, #tpu.memory_space<vmem>>) target_semaphore(%dma_start3A_277 : memref<!tpu.dma_semaphore, #tpu.memory_space<semaphore_mem>>)
    } else {
    }
    %gt3A_40 = arith.constant 6 : i32
    %gt3A_41 = arith.cmpi sgt, %scan3A_11#1, %gt3A_40 : i32
    %convert_element_type3A_42 = arith.extui %gt3A_41 : i1 to i32
    %cond3A_43 = arith.constant 0 : i32
    %cond3A_44 = arith.cmpi ne, %convert_element_type3A_42, %cond3A_43 : i32
    scf.if %cond3A_44 {
      %get3A = arith.constant 6 : i32
      %get3A_266 = arith.index_cast %get3A : i32 to index
      %get3A_267 = memref.load %arg12[%get3A_266] : memref<520xi32, #tpu.memory_space<smem>>
      %multiple_of3A = tpu.assume_multiple %get3A_267, 128 : i32
      %dma_start3A_268 = arith.constant 6 : i32
      %dma_start3A_269 = arith.constant 6 : i32
      %dma_start3A_270 = arith.constant 0 : i32
      %dma_start3A_271 = arith.constant 0 : i32
      %dma_start3A_272 = tpu.memref_slice %arg15[%dma_start3A_268, %dma_start3A_270, %dma_start3A_271] : memref<8x32x128xf32, #tpu.memory_space<vmem>> -> memref<1x32x128xf32, #tpu.memory_space<vmem>>
      %dma_start3A_273 = tpu.memref_squeeze %dma_start3A_272 : memref<1x32x128xf32, #tpu.memory_space<vmem>> -> memref<32x128xf32, #tpu.memory_space<vmem>>
      %dma_start3A_274 = arith.constant 0 : i32
      %dma_start3A_275 = tpu.memref_slice %arg4[%dma_start3A_274, %multiple_of3A] : memref<32x1000000xf32, #tpu.memory_space<hbm>> -> memref<32x128xf32, #tpu.memory_space<hbm>>
      %dma_start3A_276 = tpu.memref_slice %arg16[%dma_start3A_269] : memref<8x!tpu.dma_semaphore, #tpu.memory_space<semaphore_mem>> -> memref<1x!tpu.dma_semaphore, #tpu.memory_space<semaphore_mem>>
      %dma_start3A_277 = tpu.memref_squeeze %dma_start3A_276 : memref<1x!tpu.dma_semaphore, #tpu.memory_space<semaphore_mem>> -> memref<!tpu.dma_semaphore, #tpu.memory_space<semaphore_mem>>
      %dma_start3A_278 = arith.constant 0 : i32
      %dma_start3A_279 = arith.constant 0 : i32
      %dma_start3A_280 = tpu.memref_slice %arg15[%dma_start3A_268, %dma_start3A_278, %dma_start3A_279] : memref<8x32x128xf32, #tpu.memory_space<vmem>> -> memref<1x32x128xf32, #tpu.memory_space<vmem>>
      %dma_start3A_281 = tpu.memref_squeeze %dma_start3A_280 : memref<1x32x128xf32, #tpu.memory_space<vmem>> -> memref<32x128xf32, #tpu.memory_space<vmem>>
      %dma_start3A_282 = arith.constant 0 : i32
      %dma_start3A_283 = tpu.memref_slice %arg4[%dma_start3A_282, %multiple_of3A] : memref<32x1000000xf32, #tpu.memory_space<hbm>> -> memref<32x128xf32, #tpu.memory_space<hbm>>
      tpu.enqueue_dma source(%dma_start3A_283 : memref<32x128xf32, #tpu.memory_space<hbm>>) target(%dma_start3A_281 : memref<32x128xf32, #tpu.memory_space<vmem>>) target_semaphore(%dma_start3A_277 : memref<!tpu.dma_semaphore, #tpu.memory_space<semaphore_mem>>)
    } else {
    }
    %scan3A_45 = arith.constant -1 : i32
    %scan3A_46 = arith.constant -1 : i32
    %scan3A_47 = arith.constant 0 : i32
    %scan3A_48 = arith.constant 512 : i32
    %scan3A_49 = arith.addi %scan3A_47, %scan3A_48 : i32
    %scan3A_50 = arith.constant 1 : i32
    %scan3A_51:2 = scf.for %scan3A_266 = %scan3A_47 to %scan3A_49 step %scan3A_50 iter_args(%scan3A_267 = %scan3A_45, %scan3A_268 = %scan3A_46) -> (i32, i32)  : i32 {
      %get3A = arith.index_cast %scan3A_266 : i32 to index
      %get3A_269 = tpu.vector_load %arg10[%get3A] {strides = array<i32>} : memref<528xi32, #tpu.memory_space<vmem>>, vector<16xi32>,
      %slice3A = vector.extract_strided_slice %get3A_269 {offsets = [0], sizes = [1], strides = [1]} : vector<16xi32> to vector<1xi32>
      %squeeze3A = vector.extract %slice3A[0] : i32 from vector<1xi32>
      %jit3A = arith.constant 128 : i32
      %div3A = arith.divsi %squeeze3A, %jit3A : i32
      %sign3A = arith.constant 0 : i32
      %sign3A_270 = arith.cmpi sgt, %squeeze3A, %sign3A : i32
      %sign3A_271 = arith.extui %sign3A_270 : i1 to i32
      %sign3A_272 = arith.constant 0 : i32
      %sign3A_273 = arith.cmpi slt, %squeeze3A, %sign3A_272 : i32
      %sign3A_274 = arith.extui %sign3A_273 : i1 to i32
      %sign3A_275 = arith.subi %sign3A_271, %sign3A_274 : i32
      %sign3A_276 = arith.constant 0 : i32
      %sign3A_277 = arith.cmpi sgt, %jit3A, %sign3A_276 : i32
      %sign3A_278 = arith.extui %sign3A_277 : i1 to i32
      %sign3A_279 = arith.constant 0 : i32
      %sign3A_280 = arith.cmpi slt, %jit3A, %sign3A_279 : i32
      %sign3A_281 = arith.extui %sign3A_280 : i1 to i32
      %sign3A_282 = arith.subi %sign3A_278, %sign3A_281 : i32
      %ne3A = arith.cmpi ne, %sign3A_275, %sign3A_282 : i32
      %rem3A = arith.remsi %squeeze3A, %jit3A : i32
      %ne3A_283 = arith.constant 0 : i32
      %ne3A_284 = arith.cmpi ne, %rem3A, %ne3A_283 : i32
      %and3A = arith.andi %ne3A, %ne3A_284 : i1
      %sub3A = arith.constant 1 : i32
      %sub3A_285 = arith.subi %div3A, %sub3A : i32
      %select_n3A = arith.select %and3A, %sub3A_285, %div3A : i32
      %mul3A_286 = arith.constant 128 : i32
      %mul3A_287 = arith.muli %select_n3A, %mul3A_286 : i32
      %min3A = arith.constant 999808 : i32
      %min3A_288 = arith.minsi %mul3A_287, %min3A : i32
      %ne3A_289 = arith.cmpi ne, %min3A_288, %scan3A_267 : i32
      %convert_element_type3A_290 = arith.extui %ne3A_289 : i1 to i32
      %add3A_291 = arith.addi %scan3A_268, %convert_element_type3A_290 : i32
      %rem3A_292 = arith.constant 8 : i32
      %rem3A_293 = arith.remsi %add3A_291, %rem3A_292 : i32
      %convert_element_type3A_294 = arith.extui %ne3A_289 : i1 to i32
      %cond3A_295 = arith.constant 0 : i32
      %cond3A_296 = arith.cmpi ne, %convert_element_type3A_294, %cond3A_295 : i32
      scf.if %cond3A_296 {
        %dma_wait3A_322 = arith.constant 0 : i32
        %dma_wait3A_323 = arith.constant 0 : i32
        %dma_wait3A_324 = tpu.memref_slice %arg15[%rem3A_293, %dma_wait3A_322, %dma_wait3A_323] : memref<8x32x128xf32, #tpu.memory_space<vmem>> -> memref<1x32x128xf32, #tpu.memory_space<vmem>>
        %dma_wait3A_325 = tpu.memref_squeeze %dma_wait3A_324 : memref<1x32x128xf32, #tpu.memory_space<vmem>> -> memref<32x128xf32, #tpu.memory_space<vmem>>
        %dma_wait3A_326 = arith.constant 0 : i32
        %dma_wait3A_327 = arith.constant 0 : i32
        %dma_wait3A_328 = tpu.memref_slice %arg4[%dma_wait3A_326, %dma_wait3A_327] : memref<32x1000000xf32, #tpu.memory_space<hbm>> -> memref<32x128xf32, #tpu.memory_space<hbm>>
        %dma_wait3A_329 = tpu.memref_slice %arg16[%rem3A_293] : memref<8x!tpu.dma_semaphore, #tpu.memory_space<semaphore_mem>> -> memref<1x!tpu.dma_semaphore, #tpu.memory_space<semaphore_mem>>
        %dma_wait3A_330 = tpu.memref_squeeze %dma_wait3A_329 : memref<1x!tpu.dma_semaphore, #tpu.memory_space<semaphore_mem>> -> memref<!tpu.dma_semaphore, #tpu.memory_space<semaphore_mem>>
        %dma_wait3A_331 = arith.constant 0 : i32
        %dma_wait3A_332 = arith.constant 0 : i32
        %dma_wait3A_333 = tpu.memref_slice %arg15[%rem3A_293, %dma_wait3A_331, %dma_wait3A_332] : memref<8x32x128xf32, #tpu.memory_space<vmem>> -> memref<1x32x128xf32, #tpu.memory_space<vmem>>
        %dma_wait3A_334 = tpu.memref_squeeze %dma_wait3A_333 : memref<1x32x128xf32, #tpu.memory_space<vmem>> -> memref<32x128xf32, #tpu.memory_space<vmem>>
        %dma_wait3A_335 = arith.constant 0 : i32
        %dma_wait3A_336 = arith.constant 0 : i32
        %dma_wait3A_337 = tpu.memref_slice %arg4[%dma_wait3A_335, %dma_wait3A_336] : memref<32x1000000xf32, #tpu.memory_space<hbm>> -> memref<32x128xf32, #tpu.memory_space<hbm>>
        tpu.wait_dma2 semaphore(%dma_wait3A_330 : memref<!tpu.dma_semaphore, #tpu.memory_space<semaphore_mem>>) src(%dma_wait3A_337 : memref<32x128xf32, #tpu.memory_space<hbm>>) dst(%dma_wait3A_334 : memref<32x128xf32, #tpu.memory_space<vmem>>)
        %add3A_338 = arith.constant 8 : i32
        %add3A_339 = arith.addi %add3A_291, %add3A_338 : i32
        %sub3A_340 = arith.constant 1 : i32
        %sub3A_341 = arith.subi %add3A_339, %sub3A_340 : i32
        %lt3A = arith.cmpi slt, %sub3A_341, %scan3A_11#1 : i32
        %convert_element_type3A_342 = arith.extui %lt3A : i1 to i32
        %cond3A_343 = arith.constant 0 : i32
        %cond3A_344 = arith.cmpi ne, %convert_element_type3A_342, %cond3A_343 : i32
        scf.if %cond3A_344 {
          %rem3A_345 = arith.constant 8 : i32
          %rem3A_346 = arith.remsi %sub3A_341, %rem3A_345 : i32
          %get3A_347 = arith.index_cast %sub3A_341 : i32 to index
          %get3A_348 = memref.load %arg12[%get3A_347] : memref<520xi32, #tpu.memory_space<smem>>
          %multiple_of3A = tpu.assume_multiple %get3A_348, 128 : i32
          %dma_start3A_349 = arith.constant 0 : i32
          %dma_start3A_350 = arith.constant 0 : i32
          %dma_start3A_351 = tpu.memref_slice %arg15[%rem3A_346, %dma_start3A_349, %dma_start3A_350] : memref<8x32x128xf32, #tpu.memory_space<vmem>> -> memref<1x32x128xf32, #tpu.memory_space<vmem>>
          %dma_start3A_352 = tpu.memref_squeeze %dma_start3A_351 : memref<1x32x128xf32, #tpu.memory_space<vmem>> -> memref<32x128xf32, #tpu.memory_space<vmem>>
          %dma_start3A_353 = arith.constant 0 : i32
          %dma_start3A_354 = tpu.memref_slice %arg4[%dma_start3A_353, %multiple_of3A] : memref<32x1000000xf32, #tpu.memory_space<hbm>> -> memref<32x128xf32, #tpu.memory_space<hbm>>
          %dma_start3A_355 = tpu.memref_slice %arg16[%rem3A_346] : memref<8x!tpu.dma_semaphore, #tpu.memory_space<semaphore_mem>> -> memref<1x!tpu.dma_semaphore, #tpu.memory_space<semaphore_mem>>
          %dma_start3A_356 = tpu.memref_squeeze %dma_start3A_355 : memref<1x!tpu.dma_semaphore, #tpu.memory_space<semaphore_mem>> -> memref<!tpu.dma_semaphore, #tpu.memory_space<semaphore_mem>>
          %dma_start3A_357 = arith.constant 0 : i32
          %dma_start3A_358 = arith.constant 0 : i32
          %dma_start3A_359 = tpu.memref_slice %arg15[%rem3A_346, %dma_start3A_357, %dma_start3A_358] : memref<8x32x128xf32, #tpu.memory_space<vmem>> -> memref<1x32x128xf32, #tpu.memory_space<vmem>>
          %dma_start3A_360 = tpu.memref_squeeze %dma_start3A_359 : memref<1x32x128xf32, #tpu.memory_space<vmem>> -> memref<32x128xf32, #tpu.memory_space<vmem>>
          %dma_start3A_361 = arith.constant 0 : i32
          %dma_start3A_362 = tpu.memref_slice %arg4[%dma_start3A_361, %multiple_of3A] : memref<32x1000000xf32, #tpu.memory_space<hbm>> -> memref<32x128xf32, #tpu.memory_space<hbm>>
          tpu.enqueue_dma source(%dma_start3A_362 : memref<32x128xf32, #tpu.memory_space<hbm>>) target(%dma_start3A_360 : memref<32x128xf32, #tpu.memory_space<vmem>>) target_semaphore(%dma_start3A_356 : memref<!tpu.dma_semaphore, #tpu.memory_space<semaphore_mem>>)
        } else {
        }
      } else {
      }
      %ge3A = arith.constant 999936 : i32
      %ge3A_297 = arith.cmpi sge, %squeeze3A, %ge3A : i32
      %sub3A_298 = arith.subi %squeeze3A, %min3A_288 : i32
      %min3A_299 = arith.constant 127 : i32
      %min3A_300 = arith.minsi %sub3A_298, %min3A_299 : i32
      %sub3A_301 = arith.constant 999936 : i32
      %sub3A_302 = arith.subi %squeeze3A, %sub3A_301 : i32
      %max3A = arith.constant 0 : i32
      %max3A_303 = arith.maxsi %sub3A_302, %max3A : i32
      %min3A_304 = arith.constant 63 : i32
      %min3A_305 = arith.minsi %max3A_303, %min3A_304 : i32
      %broadcast_in_dim3A = vector.broadcast %min3A_300 : i32 to vector<16xi32>
      %broadcast_in_dim3A_306 = vector.broadcast %min3A_305 : i32 to vector<16xi32>
      %gather3A = arith.constant 0 : i32
      %gather3A_307 = arith.constant 0 : i32
      %gather3A_308 = tpu.memref_slice %arg15[%rem3A_293, %gather3A, %gather3A_307] : memref<8x32x128xf32, #tpu.memory_space<vmem>> -> memref<1x32x128xf32, #tpu.memory_space<vmem>>
      %gather3A_309 = tpu.memref_squeeze %gather3A_308 : memref<1x32x128xf32, #tpu.memory_space<vmem>> -> memref<32x128xf32, #tpu.memory_space<vmem>>
      %gather3A_310 = tpu.vector_load_idx %gather3A_309[%iota3A, %broadcast_in_dim3A] : memref<32x128xf32, #tpu.memory_space<vmem>>[vector<16xi32>, vector<16xi32>], vector<16xf32>,
      %gather3A_311 = arith.constant 0 : i32
      %gather3A_312 = arith.constant 0 : i32
      %gather3A_313 = tpu.memref_slice %arg15[%rem3A_293, %gather3A_311, %gather3A_312] : memref<8x32x128xf32, #tpu.memory_space<vmem>> -> memref<1x32x128xf32, #tpu.memory_space<vmem>>
      %gather3A_314 = tpu.memref_squeeze %gather3A_313 : memref<1x32x128xf32, #tpu.memory_space<vmem>> -> memref<32x128xf32, #tpu.memory_space<vmem>>
      %gather3A_315 = tpu.vector_load_idx %gather3A_314[%add3A_5, %broadcast_in_dim3A] : memref<32x128xf32, #tpu.memory_space<vmem>>[vector<16xi32>, vector<16xi32>], vector<16xf32>,
      %gather3A_316 = tpu.vector_load_idx %arg14[%iota3A, %broadcast_in_dim3A_306] : memref<32x64xf32, #tpu.memory_space<vmem>>[vector<16xi32>, vector<16xi32>], vector<16xf32>,
      %gather3A_317 = tpu.vector_load_idx %arg14[%add3A_5, %broadcast_in_dim3A_306] : memref<32x64xf32, #tpu.memory_space<vmem>>[vector<16xi32>, vector<16xi32>], vector<16xf32>,
      %broadcast_in_dim3A_318 = vector.broadcast %ge3A_297 : i1 to vector<16xi1>
      %select_n3A_319 = arith.select %broadcast_in_dim3A_318, %gather3A_316, %gather3A_310 : vector<16xi1>, vector<16xf32>
      %select_n3A_320 = arith.select %broadcast_in_dim3A_318, %gather3A_317, %gather3A_315 : vector<16xi1>, vector<16xf32>
      %broadcast_in_dim3A_321 = vector.broadcast %scan3A_266 : i32 to vector<16xi32>
      tpu.vector_store_idx %arg13[%broadcast_in_dim3A_321, %iota3A], %select_n3A_319 : memref<512x128xf32, #tpu.memory_space<vmem>>[vector<16xi32>, vector<16xi32>], vector<16xf32>,
      tpu.vector_store_idx %arg13[%broadcast_in_dim3A_321, %add3A_5], %select_n3A_320 : memref<512x128xf32, #tpu.memory_space<vmem>>[vector<16xi32>, vector<16xi32>], vector<16xf32>,
      scf.yield %min3A_288, %add3A_291 : i32, i32
    }
    %scan3A_52 = arith.constant 512 : i32
    %dma_start3A = arith.constant 0 : i32
    %dma_start3A_53 = arith.constant 0 : i32
    %dma_start3A_54 = arith.constant 0 : i32
    %dma_start3A_55 = tpu.memref_slice %arg13[%dma_start3A_53, %dma_start3A_54] : memref<512x128xf32, #tpu.memory_space<vmem>> -> memref<128x128xf32, #tpu.memory_space<vmem>>
    %dma_start3A_56 = arith.constant 0 : i32
    %dma_start3A_57 = tpu.memref_slice %arg11[%dma_start3A, %dma_start3A_56] : memref<4x128xi32, #tpu.memory_space<vmem>> -> memref<1x128xi32, #tpu.memory_space<vmem>>
    %dma_start3A_58 = tpu.memref_squeeze %dma_start3A_57 : memref<1x128xi32, #tpu.memory_space<vmem>> -> memref<128xi32, #tpu.memory_space<vmem>>
    %dma_start3A_59 = arith.constant 0 : i32
    %dma_start3A_60 = arith.constant 0 : i32
    %dma_start3A_61 = tpu.memref_slice %arg8[%dma_start3A_59, %dma_start3A_60] : memref<16384x128xf32, #tpu.memory_space<hbm>> -> memref<16384x128xf32, #tpu.memory_space<hbm>>
    tpu.enqueue_indirect_dma source(%dma_start3A_55 : memref<128x128xf32, #tpu.memory_space<vmem>>) target(%dma_start3A_61 : memref<16384x128xf32, #tpu.memory_space<hbm>>) offsets(%dma_start3A_58 : memref<128xi32, #tpu.memory_space<vmem>>) semaphore(%arg17 : memref<!tpu.dma_semaphore, #tpu.memory_space<semaphore_mem>>)
    %dma_start3A_62 = arith.constant 1 : i32
    %dma_start3A_63 = arith.constant 128 : i32
    %dma_start3A_64 = arith.constant 0 : i32
    %dma_start3A_65 = tpu.memref_slice %arg13[%dma_start3A_63, %dma_start3A_64] : memref<512x128xf32, #tpu.memory_space<vmem>> -> memref<128x128xf32, #tpu.memory_space<vmem>>
    %dma_start3A_66 = arith.constant 0 : i32
    %dma_start3A_67 = tpu.memref_slice %arg11[%dma_start3A_62, %dma_start3A_66] : memref<4x128xi32, #tpu.memory_space<vmem>> -> memref<1x128xi32, #tpu.memory_space<vmem>>
    %dma_start3A_68 = tpu.memref_squeeze %dma_start3A_67 : memref<1x128xi32, #tpu.memory_space<vmem>> -> memref<128xi32, #tpu.memory_space<vmem>>
    %dma_start3A_69 = arith.constant 0 : i32
    %dma_start3A_70 = arith.constant 0 : i32
    %dma_start3A_71 = tpu.memref_slice %arg8[%dma_start3A_69, %dma_start3A_70] : memref<16384x128xf32, #tpu.memory_space<hbm>> -> memref<16384x128xf32, #tpu.memory_space<hbm>>
    tpu.enqueue_indirect_dma source(%dma_start3A_65 : memref<128x128xf32, #tpu.memory_space<vmem>>) target(%dma_start3A_71 : memref<16384x128xf32, #tpu.memory_space<hbm>>) offsets(%dma_start3A_68 : memref<128xi32, #tpu.memory_space<vmem>>) semaphore(%arg17 : memref<!tpu.dma_semaphore, #tpu.memory_space<semaphore_mem>>)
    %dma_start3A_72 = arith.constant 2 : i32
    %dma_start3A_73 = arith.constant 256 : i32
    %dma_start3A_74 = arith.constant 0 : i32
    %dma_start3A_75 = tpu.memref_slice %arg13[%dma_start3A_73, %dma_start3A_74] : memref<512x128xf32, #tpu.memory_space<vmem>> -> memref<128x128xf32, #tpu.memory_space<vmem>>
    %dma_start3A_76 = arith.constant 0 : i32
    %dma_start3A_77 = tpu.memref_slice %arg11[%dma_start3A_72, %dma_start3A_76] : memref<4x128xi32, #tpu.memory_space<vmem>> -> memref<1x128xi32, #tpu.memory_space<vmem>>
    %dma_start3A_78 = tpu.memref_squeeze %dma_start3A_77 : memref<1x128xi32, #tpu.memory_space<vmem>> -> memref<128xi32, #tpu.memory_space<vmem>>
    %dma_start3A_79 = arith.constant 0 : i32
    %dma_start3A_80 = arith.constant 0 : i32
    %dma_start3A_81 = tpu.memref_slice %arg8[%dma_start3A_79, %dma_start3A_80] : memref<16384x128xf32, #tpu.memory_space<hbm>> -> memref<16384x128xf32, #tpu.memory_space<hbm>>
    tpu.enqueue_indirect_dma source(%dma_start3A_75 : memref<128x128xf32, #tpu.memory_space<vmem>>) target(%dma_start3A_81 : memref<16384x128xf32, #tpu.memory_space<hbm>>) offsets(%dma_start3A_78 : memref<128xi32, #tpu.memory_space<vmem>>) semaphore(%arg17 : memref<!tpu.dma_semaphore, #tpu.memory_space<semaphore_mem>>)
    %dma_start3A_82 = arith.constant 3 : i32
    %dma_start3A_83 = arith.constant 384 : i32
    %dma_start3A_84 = arith.constant 0 : i32
    %dma_start3A_85 = tpu.memref_slice %arg13[%dma_start3A_83, %dma_start3A_84] : memref<512x128xf32, #tpu.memory_space<vmem>> -> memref<128x128xf32, #tpu.memory_space<vmem>>
    %dma_start3A_86 = arith.constant 0 : i32
    %dma_start3A_87 = tpu.memref_slice %arg11[%dma_start3A_82, %dma_start3A_86] : memref<4x128xi32, #tpu.memory_space<vmem>> -> memref<1x128xi32, #tpu.memory_space<vmem>>
    %dma_start3A_88 = tpu.memref_squeeze %dma_start3A_87 : memref<1x128xi32, #tpu.memory_space<vmem>> -> memref<128xi32, #tpu.memory_space<vmem>>
    %dma_start3A_89 = arith.constant 0 : i32
    %dma_start3A_90 = arith.constant 0 : i32
    %dma_start3A_91 = tpu.memref_slice %arg8[%dma_start3A_89, %dma_start3A_90] : memref<16384x128xf32, #tpu.memory_space<hbm>> -> memref<16384x128xf32, #tpu.memory_space<hbm>>
    tpu.enqueue_indirect_dma source(%dma_start3A_85 : memref<128x128xf32, #tpu.memory_space<vmem>>) target(%dma_start3A_91 : memref<16384x128xf32, #tpu.memory_space<hbm>>) offsets(%dma_start3A_88 : memref<128xi32, #tpu.memory_space<vmem>>) semaphore(%arg17 : memref<!tpu.dma_semaphore, #tpu.memory_space<semaphore_mem>>)
    %dma_wait3A = arith.constant 0 : i32
    %dma_wait3A_92 = arith.constant 0 : i32
    %dma_wait3A_93 = arith.constant 0 : i32
    %dma_wait3A_94 = tpu.memref_slice %arg13[%dma_wait3A_92, %dma_wait3A_93] : memref<512x128xf32, #tpu.memory_space<vmem>> -> memref<128x128xf32, #tpu.memory_space<vmem>>
    %dma_wait3A_95 = arith.constant 0 : i32
    %dma_wait3A_96 = tpu.memref_slice %arg11[%dma_wait3A, %dma_wait3A_95] : memref<4x128xi32, #tpu.memory_space<vmem>> -> memref<1x128xi32, #tpu.memory_space<vmem>>
    %dma_wait3A_97 = tpu.memref_squeeze %dma_wait3A_96 : memref<1x128xi32, #tpu.memory_space<vmem>> -> memref<128xi32, #tpu.memory_space<vmem>>
    %dma_wait3A_98 = arith.constant 0 : i32
    %dma_wait3A_99 = arith.constant 0 : i32
    %dma_wait3A_100 = tpu.memref_slice %arg8[%dma_wait3A_98, %dma_wait3A_99] : memref<16384x128xf32, #tpu.memory_space<hbm>> -> memref<16384x128xf32, #tpu.memory_space<hbm>>
    tpu.wait_indirect_dma semaphore(%arg17 : memref<!tpu.dma_semaphore, #tpu.memory_space<semaphore_mem>>) src(%dma_wait3A_94 : memref<128x128xf32, #tpu.memory_space<vmem>>) dst(%dma_wait3A_100 : memref<16384x128xf32, #tpu.memory_space<hbm>>)
    %dma_wait3A_101 = arith.constant 1 : i32
    %dma_wait3A_102 = arith.constant 128 : i32
    %dma_wait3A_103 = arith.constant 0 : i32
    %dma_wait3A_104 = tpu.memref_slice %arg13[%dma_wait3A_102, %dma_wait3A_103] : memref<512x128xf32, #tpu.memory_space<vmem>> -> memref<128x128xf32, #tpu.memory_space<vmem>>
    %dma_wait3A_105 = arith.constant 0 : i32
    %dma_wait3A_106 = tpu.memref_slice %arg11[%dma_wait3A_101, %dma_wait3A_105] : memref<4x128xi32, #tpu.memory_space<vmem>> -> memref<1x128xi32, #tpu.memory_space<vmem>>
    %dma_wait3A_107 = tpu.memref_squeeze %dma_wait3A_106 : memref<1x128xi32, #tpu.memory_space<vmem>> -> memref<128xi32, #tpu.memory_space<vmem>>
    %dma_wait3A_108 = arith.constant 0 : i32
    %dma_wait3A_109 = arith.constant 0 : i32
    %dma_wait3A_110 = tpu.memref_slice %arg8[%dma_wait3A_108, %dma_wait3A_109] : memref<16384x128xf32, #tpu.memory_space<hbm>> -> memref<16384x128xf32, #tpu.memory_space<hbm>>
    tpu.wait_indirect_dma semaphore(%arg17 : memref<!tpu.dma_semaphore, #tpu.memory_space<semaphore_mem>>) src(%dma_wait3A_104 : memref<128x128xf32, #tpu.memory_space<vmem>>) dst(%dma_wait3A_110 : memref<16384x128xf32, #tpu.memory_space<hbm>>)
    %dma_wait3A_111 = arith.constant 2 : i32
    %dma_wait3A_112 = arith.constant 256 : i32
    %dma_wait3A_113 = arith.constant 0 : i32
    %dma_wait3A_114 = tpu.memref_slice %arg13[%dma_wait3A_112, %dma_wait3A_113] : memref<512x128xf32, #tpu.memory_space<vmem>> -> memref<128x128xf32, #tpu.memory_space<vmem>>
    %dma_wait3A_115 = arith.constant 0 : i32
    %dma_wait3A_116 = tpu.memref_slice %arg11[%dma_wait3A_111, %dma_wait3A_115] : memref<4x128xi32, #tpu.memory_space<vmem>> -> memref<1x128xi32, #tpu.memory_space<vmem>>
    %dma_wait3A_117 = tpu.memref_squeeze %dma_wait3A_116 : memref<1x128xi32, #tpu.memory_space<vmem>> -> memref<128xi32, #tpu.memory_space<vmem>>
    %dma_wait3A_118 = arith.constant 0 : i32
    %dma_wait3A_119 = arith.constant 0 : i32
    %dma_wait3A_120 = tpu.memref_slice %arg8[%dma_wait3A_118, %dma_wait3A_119] : memref<16384x128xf32, #tpu.memory_space<hbm>> -> memref<16384x128xf32, #tpu.memory_space<hbm>>
    tpu.wait_indirect_dma semaphore(%arg17 : memref<!tpu.dma_semaphore, #tpu.memory_space<semaphore_mem>>) src(%dma_wait3A_114 : memref<128x128xf32, #tpu.memory_space<vmem>>) dst(%dma_wait3A_120 : memref<16384x128xf32, #tpu.memory_space<hbm>>)
    %dma_wait3A_121 = arith.constant 3 : i32
    %dma_wait3A_122 = arith.constant 384 : i32
    %dma_wait3A_123 = arith.constant 0 : i32
    %dma_wait3A_124 = tpu.memref_slice %arg13[%dma_wait3A_122, %dma_wait3A_123] : memref<512x128xf32, #tpu.memory_space<vmem>> -> memref<128x128xf32, #tpu.memory_space<vmem>>
    %dma_wait3A_125 = arith.constant 0 : i32
    %dma_wait3A_126 = tpu.memref_slice %arg11[%dma_wait3A_121, %dma_wait3A_125] : memref<4x128xi32, #tpu.memory_space<vmem>> -> memref<1x128xi32, #tpu.memory_space<vmem>>
    %dma_wait3A_127 = tpu.memref_squeeze %dma_wait3A_126 : memref<1x128xi32, #tpu.memory_space<vmem>> -> memref<128xi32, #tpu.memory_space<vmem>>
    %dma_wait3A_128 = arith.constant 0 : i32
    %dma_wait3A_129 = arith.constant 0 : i32
    %dma_wait3A_130 = tpu.memref_slice %arg8[%dma_wait3A_128, %dma_wait3A_129] : memref<16384x128xf32, #tpu.memory_space<hbm>> -> memref<16384x128xf32, #tpu.memory_space<hbm>>
    tpu.wait_indirect_dma semaphore(%arg17 : memref<!tpu.dma_semaphore, #tpu.memory_space<semaphore_mem>>) src(%dma_wait3A_124 : memref<128x128xf32, #tpu.memory_space<vmem>>) dst(%dma_wait3A_130 : memref<16384x128xf32, #tpu.memory_space<hbm>>)
    "tpu.region"() ({
      %run_scoped3A = tpu.sem_alloc : memref<!tpu.dma_semaphore, #tpu.memory_space<semaphore_mem>>
      tpu.enqueue_dma source(%arg7 : memref<32x64xf32, #tpu.memory_space<hbm>>) target(%arg14 : memref<32x64xf32, #tpu.memory_space<vmem>>) target_semaphore(%run_scoped3A : memref<!tpu.dma_semaphore, #tpu.memory_space<semaphore_mem>>)
      tpu.wait_dma2 semaphore(%run_scoped3A : memref<!tpu.dma_semaphore, #tpu.memory_space<semaphore_mem>>) src(%arg7 : memref<32x64xf32, #tpu.memory_space<hbm>>) dst(%arg14 : memref<32x64xf32, #tpu.memory_space<vmem>>)
      tpu.yield
    }) : () -> ()
    %iota3A_131 = tpu.iota {dimensions = array<i32: 0>} : vector<16xi32>
    %add3A_132 = arith.constant 16 : i32
    %add3A_133 = vector.broadcast %add3A_132 : i32 to vector<16xi32>
    %add3A_134 = arith.addi %iota3A_131, %add3A_133 : vector<16xi32>
    %scan3A_135 = arith.constant -1 : i32
    %scan3A_136 = arith.constant 0 : i32
    %scan3A_137 = arith.constant 0 : i32
    %scan3A_138 = arith.constant 512 : i32
    %scan3A_139 = arith.addi %scan3A_137, %scan3A_138 : i32
    %scan3A_140 = arith.constant 1 : i32
    %scan3A_141:2 = scf.for %scan3A_266 = %scan3A_137 to %scan3A_139 step %scan3A_140 iter_args(%scan3A_267 = %scan3A_135, %scan3A_268 = %scan3A_136) -> (i32, i32)  : i32 {
      %get3A = arith.index_cast %scan3A_266 : i32 to index
      %get3A_269 = tpu.vector_load %arg10[%get3A] {strides = array<i32>} : memref<528xi32, #tpu.memory_space<vmem>>, vector<16xi32>,
      %slice3A = vector.extract_strided_slice %get3A_269 {offsets = [0], sizes = [1], strides = [1]} : vector<16xi32> to vector<1xi32>
      %squeeze3A = vector.extract %slice3A[0] : i32 from vector<1xi32>
      %jit3A = arith.constant 128 : i32
      %div3A = arith.divsi %squeeze3A, %jit3A : i32
      %sign3A = arith.constant 0 : i32
      %sign3A_270 = arith.cmpi sgt, %squeeze3A, %sign3A : i32
      %sign3A_271 = arith.extui %sign3A_270 : i1 to i32
      %sign3A_272 = arith.constant 0 : i32
      %sign3A_273 = arith.cmpi slt, %squeeze3A, %sign3A_272 : i32
      %sign3A_274 = arith.extui %sign3A_273 : i1 to i32
      %sign3A_275 = arith.subi %sign3A_271, %sign3A_274 : i32
      %sign3A_276 = arith.constant 0 : i32
      %sign3A_277 = arith.cmpi sgt, %jit3A, %sign3A_276 : i32
      %sign3A_278 = arith.extui %sign3A_277 : i1 to i32
      %sign3A_279 = arith.constant 0 : i32
      %sign3A_280 = arith.cmpi slt, %jit3A, %sign3A_279 : i32
      %sign3A_281 = arith.extui %sign3A_280 : i1 to i32
      %sign3A_282 = arith.subi %sign3A_278, %sign3A_281 : i32
      %ne3A = arith.cmpi ne, %sign3A_275, %sign3A_282 : i32
      %rem3A = arith.remsi %squeeze3A, %jit3A : i32
      %ne3A_283 = arith.constant 0 : i32
      %ne3A_284 = arith.cmpi ne, %rem3A, %ne3A_283 : i32
      %and3A = arith.andi %ne3A, %ne3A_284 : i1
      %sub3A = arith.constant 1 : i32
      %sub3A_285 = arith.subi %div3A, %sub3A : i32
      %select_n3A = arith.select %and3A, %sub3A_285, %div3A : i32
      %mul3A_286 = arith.constant 128 : i32
      %mul3A_287 = arith.muli %select_n3A, %mul3A_286 : i32
      %min3A = arith.constant 999808 : i32
      %min3A_288 = arith.minsi %mul3A_287, %min3A : i32
      %ne3A_289 = arith.cmpi ne, %min3A_288, %scan3A_267 : i32
      %convert_element_type3A_290 = arith.extui %ne3A_289 : i1 to i32
      %cond3A_291 = arith.constant 0 : i32
      %cond3A_292 = arith.cmpi ne, %convert_element_type3A_290, %cond3A_291 : i32
      scf.if %cond3A_292 {
        %swap3A = arith.index_cast %scan3A_268 : i32 to index
        %swap3A_295 = memref.load %arg12[%swap3A] : memref<520xi32, #tpu.memory_space<smem>>
        memref.store %min3A_288, %arg12[%swap3A] : memref<520xi32, #tpu.memory_space<smem>>
      } else {
      }
      %convert_element_type3A_293 = arith.extui %ne3A_289 : i1 to i32
      %add3A_294 = arith.addi %scan3A_268, %convert_element_type3A_293 : i32
      scf.yield %min3A_288, %add3A_294 : i32, i32
    }
    %scan3A_142 = arith.constant 512 : i32
    %gt3A_143 = arith.constant 0 : i32
    %gt3A_144 = arith.cmpi sgt, %scan3A_141#1, %gt3A_143 : i32
    %convert_element_type3A_145 = arith.extui %gt3A_144 : i1 to i32
    %cond3A_146 = arith.constant 0 : i32
    %cond3A_147 = arith.cmpi ne, %convert_element_type3A_145, %cond3A_146 : i32
    scf.if %cond3A_147 {
      %get3A = arith.constant 0 : i32
      %get3A_266 = arith.index_cast %get3A : i32 to index
      %get3A_267 = memref.load %arg12[%get3A_266] : memref<520xi32, #tpu.memory_space<smem>>
      %multiple_of3A = tpu.assume_multiple %get3A_267, 128 : i32
      %dma_start3A_268 = arith.constant 0 : i32
      %dma_start3A_269 = arith.constant 0 : i32
      %dma_start3A_270 = arith.constant 0 : i32
      %dma_start3A_271 = arith.constant 0 : i32
      %dma_start3A_272 = tpu.memref_slice %arg15[%dma_start3A_268, %dma_start3A_270, %dma_start3A_271] : memref<8x32x128xf32, #tpu.memory_space<vmem>> -> memref<1x32x128xf32, #tpu.memory_space<vmem>>
      %dma_start3A_273 = tpu.memref_squeeze %dma_start3A_272 : memref<1x32x128xf32, #tpu.memory_space<vmem>> -> memref<32x128xf32, #tpu.memory_space<vmem>>
      %dma_start3A_274 = arith.constant 0 : i32
      %dma_start3A_275 = tpu.memref_slice %arg5[%dma_start3A_274, %multiple_of3A] : memref<32x1000000xf32, #tpu.memory_space<hbm>> -> memref<32x128xf32, #tpu.memory_space<hbm>>
      %dma_start3A_276 = tpu.memref_slice %arg16[%dma_start3A_269] : memref<8x!tpu.dma_semaphore, #tpu.memory_space<semaphore_mem>> -> memref<1x!tpu.dma_semaphore, #tpu.memory_space<semaphore_mem>>
      %dma_start3A_277 = tpu.memref_squeeze %dma_start3A_276 : memref<1x!tpu.dma_semaphore, #tpu.memory_space<semaphore_mem>> -> memref<!tpu.dma_semaphore, #tpu.memory_space<semaphore_mem>>
      %dma_start3A_278 = arith.constant 0 : i32
      %dma_start3A_279 = arith.constant 0 : i32
      %dma_start3A_280 = tpu.memref_slice %arg15[%dma_start3A_268, %dma_start3A_278, %dma_start3A_279] : memref<8x32x128xf32, #tpu.memory_space<vmem>> -> memref<1x32x128xf32, #tpu.memory_space<vmem>>
      %dma_start3A_281 = tpu.memref_squeeze %dma_start3A_280 : memref<1x32x128xf32, #tpu.memory_space<vmem>> -> memref<32x128xf32, #tpu.memory_space<vmem>>
      %dma_start3A_282 = arith.constant 0 : i32
      %dma_start3A_283 = tpu.memref_slice %arg5[%dma_start3A_282, %multiple_of3A] : memref<32x1000000xf32, #tpu.memory_space<hbm>> -> memref<32x128xf32, #tpu.memory_space<hbm>>
      tpu.enqueue_dma source(%dma_start3A_283 : memref<32x128xf32, #tpu.memory_space<hbm>>) target(%dma_start3A_281 : memref<32x128xf32, #tpu.memory_space<vmem>>) target_semaphore(%dma_start3A_277 : memref<!tpu.dma_semaphore, #tpu.memory_space<semaphore_mem>>)
    } else {
    }
    %gt3A_148 = arith.constant 1 : i32
    %gt3A_149 = arith.cmpi sgt, %scan3A_141#1, %gt3A_148 : i32
    %convert_element_type3A_150 = arith.extui %gt3A_149 : i1 to i32
    %cond3A_151 = arith.constant 0 : i32
    %cond3A_152 = arith.cmpi ne, %convert_element_type3A_150, %cond3A_151 : i32
    scf.if %cond3A_152 {
      %get3A = arith.constant 1 : i32
      %get3A_266 = arith.index_cast %get3A : i32 to index
      %get3A_267 = memref.load %arg12[%get3A_266] : memref<520xi32, #tpu.memory_space<smem>>
      %multiple_of3A = tpu.assume_multiple %get3A_267, 128 : i32
      %dma_start3A_268 = arith.constant 1 : i32
      %dma_start3A_269 = arith.constant 1 : i32
      %dma_start3A_270 = arith.constant 0 : i32
      %dma_start3A_271 = arith.constant 0 : i32
      %dma_start3A_272 = tpu.memref_slice %arg15[%dma_start3A_268, %dma_start3A_270, %dma_start3A_271] : memref<8x32x128xf32, #tpu.memory_space<vmem>> -> memref<1x32x128xf32, #tpu.memory_space<vmem>>
      %dma_start3A_273 = tpu.memref_squeeze %dma_start3A_272 : memref<1x32x128xf32, #tpu.memory_space<vmem>> -> memref<32x128xf32, #tpu.memory_space<vmem>>
      %dma_start3A_274 = arith.constant 0 : i32
      %dma_start3A_275 = tpu.memref_slice %arg5[%dma_start3A_274, %multiple_of3A] : memref<32x1000000xf32, #tpu.memory_space<hbm>> -> memref<32x128xf32, #tpu.memory_space<hbm>>
      %dma_start3A_276 = tpu.memref_slice %arg16[%dma_start3A_269] : memref<8x!tpu.dma_semaphore, #tpu.memory_space<semaphore_mem>> -> memref<1x!tpu.dma_semaphore, #tpu.memory_space<semaphore_mem>>
      %dma_start3A_277 = tpu.memref_squeeze %dma_start3A_276 : memref<1x!tpu.dma_semaphore, #tpu.memory_space<semaphore_mem>> -> memref<!tpu.dma_semaphore, #tpu.memory_space<semaphore_mem>>
      %dma_start3A_278 = arith.constant 0 : i32
      %dma_start3A_279 = arith.constant 0 : i32
      %dma_start3A_280 = tpu.memref_slice %arg15[%dma_start3A_268, %dma_start3A_278, %dma_start3A_279] : memref<8x32x128xf32, #tpu.memory_space<vmem>> -> memref<1x32x128xf32, #tpu.memory_space<vmem>>
      %dma_start3A_281 = tpu.memref_squeeze %dma_start3A_280 : memref<1x32x128xf32, #tpu.memory_space<vmem>> -> memref<32x128xf32, #tpu.memory_space<vmem>>
      %dma_start3A_282 = arith.constant 0 : i32
      %dma_start3A_283 = tpu.memref_slice %arg5[%dma_start3A_282, %multiple_of3A] : memref<32x1000000xf32, #tpu.memory_space<hbm>> -> memref<32x128xf32, #tpu.memory_space<hbm>>
      tpu.enqueue_dma source(%dma_start3A_283 : memref<32x128xf32, #tpu.memory_space<hbm>>) target(%dma_start3A_281 : memref<32x128xf32, #tpu.memory_space<vmem>>) target_semaphore(%dma_start3A_277 : memref<!tpu.dma_semaphore, #tpu.memory_space<semaphore_mem>>)
    } else {
    }
    %gt3A_153 = arith.constant 2 : i32
    %gt3A_154 = arith.cmpi sgt, %scan3A_141#1, %gt3A_153 : i32
    %convert_element_type3A_155 = arith.extui %gt3A_154 : i1 to i32
    %cond3A_156 = arith.constant 0 : i32
    %cond3A_157 = arith.cmpi ne, %convert_element_type3A_155, %cond3A_156 : i32
    scf.if %cond3A_157 {
      %get3A = arith.constant 2 : i32
      %get3A_266 = arith.index_cast %get3A : i32 to index
      %get3A_267 = memref.load %arg12[%get3A_266] : memref<520xi32, #tpu.memory_space<smem>>
      %multiple_of3A = tpu.assume_multiple %get3A_267, 128 : i32
      %dma_start3A_268 = arith.constant 2 : i32
      %dma_start3A_269 = arith.constant 2 : i32
      %dma_start3A_270 = arith.constant 0 : i32
      %dma_start3A_271 = arith.constant 0 : i32
      %dma_start3A_272 = tpu.memref_slice %arg15[%dma_start3A_268, %dma_start3A_270, %dma_start3A_271] : memref<8x32x128xf32, #tpu.memory_space<vmem>> -> memref<1x32x128xf32, #tpu.memory_space<vmem>>
      %dma_start3A_273 = tpu.memref_squeeze %dma_start3A_272 : memref<1x32x128xf32, #tpu.memory_space<vmem>> -> memref<32x128xf32, #tpu.memory_space<vmem>>
      %dma_start3A_274 = arith.constant 0 : i32
      %dma_start3A_275 = tpu.memref_slice %arg5[%dma_start3A_274, %multiple_of3A] : memref<32x1000000xf32, #tpu.memory_space<hbm>> -> memref<32x128xf32, #tpu.memory_space<hbm>>
      %dma_start3A_276 = tpu.memref_slice %arg16[%dma_start3A_269] : memref<8x!tpu.dma_semaphore, #tpu.memory_space<semaphore_mem>> -> memref<1x!tpu.dma_semaphore, #tpu.memory_space<semaphore_mem>>
      %dma_start3A_277 = tpu.memref_squeeze %dma_start3A_276 : memref<1x!tpu.dma_semaphore, #tpu.memory_space<semaphore_mem>> -> memref<!tpu.dma_semaphore, #tpu.memory_space<semaphore_mem>>
      %dma_start3A_278 = arith.constant 0 : i32
      %dma_start3A_279 = arith.constant 0 : i32
      %dma_start3A_280 = tpu.memref_slice %arg15[%dma_start3A_268, %dma_start3A_278, %dma_start3A_279] : memref<8x32x128xf32, #tpu.memory_space<vmem>> -> memref<1x32x128xf32, #tpu.memory_space<vmem>>
      %dma_start3A_281 = tpu.memref_squeeze %dma_start3A_280 : memref<1x32x128xf32, #tpu.memory_space<vmem>> -> memref<32x128xf32, #tpu.memory_space<vmem>>
      %dma_start3A_282 = arith.constant 0 : i32
      %dma_start3A_283 = tpu.memref_slice %arg5[%dma_start3A_282, %multiple_of3A] : memref<32x1000000xf32, #tpu.memory_space<hbm>> -> memref<32x128xf32, #tpu.memory_space<hbm>>
      tpu.enqueue_dma source(%dma_start3A_283 : memref<32x128xf32, #tpu.memory_space<hbm>>) target(%dma_start3A_281 : memref<32x128xf32, #tpu.memory_space<vmem>>) target_semaphore(%dma_start3A_277 : memref<!tpu.dma_semaphore, #tpu.memory_space<semaphore_mem>>)
    } else {
    }
    %gt3A_158 = arith.constant 3 : i32
    %gt3A_159 = arith.cmpi sgt, %scan3A_141#1, %gt3A_158 : i32
    %convert_element_type3A_160 = arith.extui %gt3A_159 : i1 to i32
    %cond3A_161 = arith.constant 0 : i32
    %cond3A_162 = arith.cmpi ne, %convert_element_type3A_160, %cond3A_161 : i32
    scf.if %cond3A_162 {
      %get3A = arith.constant 3 : i32
      %get3A_266 = arith.index_cast %get3A : i32 to index
      %get3A_267 = memref.load %arg12[%get3A_266] : memref<520xi32, #tpu.memory_space<smem>>
      %multiple_of3A = tpu.assume_multiple %get3A_267, 128 : i32
      %dma_start3A_268 = arith.constant 3 : i32
      %dma_start3A_269 = arith.constant 3 : i32
      %dma_start3A_270 = arith.constant 0 : i32
      %dma_start3A_271 = arith.constant 0 : i32
      %dma_start3A_272 = tpu.memref_slice %arg15[%dma_start3A_268, %dma_start3A_270, %dma_start3A_271] : memref<8x32x128xf32, #tpu.memory_space<vmem>> -> memref<1x32x128xf32, #tpu.memory_space<vmem>>
      %dma_start3A_273 = tpu.memref_squeeze %dma_start3A_272 : memref<1x32x128xf32, #tpu.memory_space<vmem>> -> memref<32x128xf32, #tpu.memory_space<vmem>>
      %dma_start3A_274 = arith.constant 0 : i32
      %dma_start3A_275 = tpu.memref_slice %arg5[%dma_start3A_274, %multiple_of3A] : memref<32x1000000xf32, #tpu.memory_space<hbm>> -> memref<32x128xf32, #tpu.memory_space<hbm>>
      %dma_start3A_276 = tpu.memref_slice %arg16[%dma_start3A_269] : memref<8x!tpu.dma_semaphore, #tpu.memory_space<semaphore_mem>> -> memref<1x!tpu.dma_semaphore, #tpu.memory_space<semaphore_mem>>
      %dma_start3A_277 = tpu.memref_squeeze %dma_start3A_276 : memref<1x!tpu.dma_semaphore, #tpu.memory_space<semaphore_mem>> -> memref<!tpu.dma_semaphore, #tpu.memory_space<semaphore_mem>>
      %dma_start3A_278 = arith.constant 0 : i32
      %dma_start3A_279 = arith.constant 0 : i32
      %dma_start3A_280 = tpu.memref_slice %arg15[%dma_start3A_268, %dma_start3A_278, %dma_start3A_279] : memref<8x32x128xf32, #tpu.memory_space<vmem>> -> memref<1x32x128xf32, #tpu.memory_space<vmem>>
      %dma_start3A_281 = tpu.memref_squeeze %dma_start3A_280 : memref<1x32x128xf32, #tpu.memory_space<vmem>> -> memref<32x128xf32, #tpu.memory_space<vmem>>
      %dma_start3A_282 = arith.constant 0 : i32
      %dma_start3A_283 = tpu.memref_slice %arg5[%dma_start3A_282, %multiple_of3A] : memref<32x1000000xf32, #tpu.memory_space<hbm>> -> memref<32x128xf32, #tpu.memory_space<hbm>>
      tpu.enqueue_dma source(%dma_start3A_283 : memref<32x128xf32, #tpu.memory_space<hbm>>) target(%dma_start3A_281 : memref<32x128xf32, #tpu.memory_space<vmem>>) target_semaphore(%dma_start3A_277 : memref<!tpu.dma_semaphore, #tpu.memory_space<semaphore_mem>>)
    } else {
    }
    %gt3A_163 = arith.constant 4 : i32
    %gt3A_164 = arith.cmpi sgt, %scan3A_141#1, %gt3A_163 : i32
    %convert_element_type3A_165 = arith.extui %gt3A_164 : i1 to i32
    %cond3A_166 = arith.constant 0 : i32
    %cond3A_167 = arith.cmpi ne, %convert_element_type3A_165, %cond3A_166 : i32
    scf.if %cond3A_167 {
      %get3A = arith.constant 4 : i32
      %get3A_266 = arith.index_cast %get3A : i32 to index
      %get3A_267 = memref.load %arg12[%get3A_266] : memref<520xi32, #tpu.memory_space<smem>>
      %multiple_of3A = tpu.assume_multiple %get3A_267, 128 : i32
      %dma_start3A_268 = arith.constant 4 : i32
      %dma_start3A_269 = arith.constant 4 : i32
      %dma_start3A_270 = arith.constant 0 : i32
      %dma_start3A_271 = arith.constant 0 : i32
      %dma_start3A_272 = tpu.memref_slice %arg15[%dma_start3A_268, %dma_start3A_270, %dma_start3A_271] : memref<8x32x128xf32, #tpu.memory_space<vmem>> -> memref<1x32x128xf32, #tpu.memory_space<vmem>>
      %dma_start3A_273 = tpu.memref_squeeze %dma_start3A_272 : memref<1x32x128xf32, #tpu.memory_space<vmem>> -> memref<32x128xf32, #tpu.memory_space<vmem>>
      %dma_start3A_274 = arith.constant 0 : i32
      %dma_start3A_275 = tpu.memref_slice %arg5[%dma_start3A_274, %multiple_of3A] : memref<32x1000000xf32, #tpu.memory_space<hbm>> -> memref<32x128xf32, #tpu.memory_space<hbm>>
      %dma_start3A_276 = tpu.memref_slice %arg16[%dma_start3A_269] : memref<8x!tpu.dma_semaphore, #tpu.memory_space<semaphore_mem>> -> memref<1x!tpu.dma_semaphore, #tpu.memory_space<semaphore_mem>>
      %dma_start3A_277 = tpu.memref_squeeze %dma_start3A_276 : memref<1x!tpu.dma_semaphore, #tpu.memory_space<semaphore_mem>> -> memref<!tpu.dma_semaphore, #tpu.memory_space<semaphore_mem>>
      %dma_start3A_278 = arith.constant 0 : i32
      %dma_start3A_279 = arith.constant 0 : i32
      %dma_start3A_280 = tpu.memref_slice %arg15[%dma_start3A_268, %dma_start3A_278, %dma_start3A_279] : memref<8x32x128xf32, #tpu.memory_space<vmem>> -> memref<1x32x128xf32, #tpu.memory_space<vmem>>
      %dma_start3A_281 = tpu.memref_squeeze %dma_start3A_280 : memref<1x32x128xf32, #tpu.memory_space<vmem>> -> memref<32x128xf32, #tpu.memory_space<vmem>>
      %dma_start3A_282 = arith.constant 0 : i32
      %dma_start3A_283 = tpu.memref_slice %arg5[%dma_start3A_282, %multiple_of3A] : memref<32x1000000xf32, #tpu.memory_space<hbm>> -> memref<32x128xf32, #tpu.memory_space<hbm>>
      tpu.enqueue_dma source(%dma_start3A_283 : memref<32x128xf32, #tpu.memory_space<hbm>>) target(%dma_start3A_281 : memref<32x128xf32, #tpu.memory_space<vmem>>) target_semaphore(%dma_start3A_277 : memref<!tpu.dma_semaphore, #tpu.memory_space<semaphore_mem>>)
    } else {
    }
    %gt3A_168 = arith.constant 5 : i32
    %gt3A_169 = arith.cmpi sgt, %scan3A_141#1, %gt3A_168 : i32
    %convert_element_type3A_170 = arith.extui %gt3A_169 : i1 to i32
    %cond3A_171 = arith.constant 0 : i32
    %cond3A_172 = arith.cmpi ne, %convert_element_type3A_170, %cond3A_171 : i32
    scf.if %cond3A_172 {
      %get3A = arith.constant 5 : i32
      %get3A_266 = arith.index_cast %get3A : i32 to index
      %get3A_267 = memref.load %arg12[%get3A_266] : memref<520xi32, #tpu.memory_space<smem>>
      %multiple_of3A = tpu.assume_multiple %get3A_267, 128 : i32
      %dma_start3A_268 = arith.constant 5 : i32
      %dma_start3A_269 = arith.constant 5 : i32
      %dma_start3A_270 = arith.constant 0 : i32
      %dma_start3A_271 = arith.constant 0 : i32
      %dma_start3A_272 = tpu.memref_slice %arg15[%dma_start3A_268, %dma_start3A_270, %dma_start3A_271] : memref<8x32x128xf32, #tpu.memory_space<vmem>> -> memref<1x32x128xf32, #tpu.memory_space<vmem>>
      %dma_start3A_273 = tpu.memref_squeeze %dma_start3A_272 : memref<1x32x128xf32, #tpu.memory_space<vmem>> -> memref<32x128xf32, #tpu.memory_space<vmem>>
      %dma_start3A_274 = arith.constant 0 : i32
      %dma_start3A_275 = tpu.memref_slice %arg5[%dma_start3A_274, %multiple_of3A] : memref<32x1000000xf32, #tpu.memory_space<hbm>> -> memref<32x128xf32, #tpu.memory_space<hbm>>
      %dma_start3A_276 = tpu.memref_slice %arg16[%dma_start3A_269] : memref<8x!tpu.dma_semaphore, #tpu.memory_space<semaphore_mem>> -> memref<1x!tpu.dma_semaphore, #tpu.memory_space<semaphore_mem>>
      %dma_start3A_277 = tpu.memref_squeeze %dma_start3A_276 : memref<1x!tpu.dma_semaphore, #tpu.memory_space<semaphore_mem>> -> memref<!tpu.dma_semaphore, #tpu.memory_space<semaphore_mem>>
      %dma_start3A_278 = arith.constant 0 : i32
      %dma_start3A_279 = arith.constant 0 : i32
      %dma_start3A_280 = tpu.memref_slice %arg15[%dma_start3A_268, %dma_start3A_278, %dma_start3A_279] : memref<8x32x128xf32, #tpu.memory_space<vmem>> -> memref<1x32x128xf32, #tpu.memory_space<vmem>>
      %dma_start3A_281 = tpu.memref_squeeze %dma_start3A_280 : memref<1x32x128xf32, #tpu.memory_space<vmem>> -> memref<32x128xf32, #tpu.memory_space<vmem>>
      %dma_start3A_282 = arith.constant 0 : i32
      %dma_start3A_283 = tpu.memref_slice %arg5[%dma_start3A_282, %multiple_of3A] : memref<32x1000000xf32, #tpu.memory_space<hbm>> -> memref<32x128xf32, #tpu.memory_space<hbm>>
      tpu.enqueue_dma source(%dma_start3A_283 : memref<32x128xf32, #tpu.memory_space<hbm>>) target(%dma_start3A_281 : memref<32x128xf32, #tpu.memory_space<vmem>>) target_semaphore(%dma_start3A_277 : memref<!tpu.dma_semaphore, #tpu.memory_space<semaphore_mem>>)
    } else {
    }
    %gt3A_173 = arith.constant 6 : i32
    %gt3A_174 = arith.cmpi sgt, %scan3A_141#1, %gt3A_173 : i32
    %convert_element_type3A_175 = arith.extui %gt3A_174 : i1 to i32
    %cond3A_176 = arith.constant 0 : i32
    %cond3A_177 = arith.cmpi ne, %convert_element_type3A_175, %cond3A_176 : i32
    scf.if %cond3A_177 {
      %get3A = arith.constant 6 : i32
      %get3A_266 = arith.index_cast %get3A : i32 to index
      %get3A_267 = memref.load %arg12[%get3A_266] : memref<520xi32, #tpu.memory_space<smem>>
      %multiple_of3A = tpu.assume_multiple %get3A_267, 128 : i32
      %dma_start3A_268 = arith.constant 6 : i32
      %dma_start3A_269 = arith.constant 6 : i32
      %dma_start3A_270 = arith.constant 0 : i32
      %dma_start3A_271 = arith.constant 0 : i32
      %dma_start3A_272 = tpu.memref_slice %arg15[%dma_start3A_268, %dma_start3A_270, %dma_start3A_271] : memref<8x32x128xf32, #tpu.memory_space<vmem>> -> memref<1x32x128xf32, #tpu.memory_space<vmem>>
      %dma_start3A_273 = tpu.memref_squeeze %dma_start3A_272 : memref<1x32x128xf32, #tpu.memory_space<vmem>> -> memref<32x128xf32, #tpu.memory_space<vmem>>
      %dma_start3A_274 = arith.constant 0 : i32
      %dma_start3A_275 = tpu.memref_slice %arg5[%dma_start3A_274, %multiple_of3A] : memref<32x1000000xf32, #tpu.memory_space<hbm>> -> memref<32x128xf32, #tpu.memory_space<hbm>>
      %dma_start3A_276 = tpu.memref_slice %arg16[%dma_start3A_269] : memref<8x!tpu.dma_semaphore, #tpu.memory_space<semaphore_mem>> -> memref<1x!tpu.dma_semaphore, #tpu.memory_space<semaphore_mem>>
      %dma_start3A_277 = tpu.memref_squeeze %dma_start3A_276 : memref<1x!tpu.dma_semaphore, #tpu.memory_space<semaphore_mem>> -> memref<!tpu.dma_semaphore, #tpu.memory_space<semaphore_mem>>
      %dma_start3A_278 = arith.constant 0 : i32
      %dma_start3A_279 = arith.constant 0 : i32
      %dma_start3A_280 = tpu.memref_slice %arg15[%dma_start3A_268, %dma_start3A_278, %dma_start3A_279] : memref<8x32x128xf32, #tpu.memory_space<vmem>> -> memref<1x32x128xf32, #tpu.memory_space<vmem>>
      %dma_start3A_281 = tpu.memref_squeeze %dma_start3A_280 : memref<1x32x128xf32, #tpu.memory_space<vmem>> -> memref<32x128xf32, #tpu.memory_space<vmem>>
      %dma_start3A_282 = arith.constant 0 : i32
      %dma_start3A_283 = tpu.memref_slice %arg5[%dma_start3A_282, %multiple_of3A] : memref<32x1000000xf32, #tpu.memory_space<hbm>> -> memref<32x128xf32, #tpu.memory_space<hbm>>
      tpu.enqueue_dma source(%dma_start3A_283 : memref<32x128xf32, #tpu.memory_space<hbm>>) target(%dma_start3A_281 : memref<32x128xf32, #tpu.memory_space<vmem>>) target_semaphore(%dma_start3A_277 : memref<!tpu.dma_semaphore, #tpu.memory_space<semaphore_mem>>)
    } else {
    }
    %scan3A_178 = arith.constant -1 : i32
    %scan3A_179 = arith.constant -1 : i32
    %scan3A_180 = arith.constant 0 : i32
    %scan3A_181 = arith.constant 512 : i32
    %scan3A_182 = arith.addi %scan3A_180, %scan3A_181 : i32
    %scan3A_183 = arith.constant 1 : i32
    %scan3A_184:2 = scf.for %scan3A_266 = %scan3A_180 to %scan3A_182 step %scan3A_183 iter_args(%scan3A_267 = %scan3A_178, %scan3A_268 = %scan3A_179) -> (i32, i32)  : i32 {
      %get3A = arith.index_cast %scan3A_266 : i32 to index
      %get3A_269 = tpu.vector_load %arg10[%get3A] {strides = array<i32>} : memref<528xi32, #tpu.memory_space<vmem>>, vector<16xi32>,
      %slice3A = vector.extract_strided_slice %get3A_269 {offsets = [0], sizes = [1], strides = [1]} : vector<16xi32> to vector<1xi32>
      %squeeze3A = vector.extract %slice3A[0] : i32 from vector<1xi32>
      %jit3A = arith.constant 128 : i32
      %div3A = arith.divsi %squeeze3A, %jit3A : i32
      %sign3A = arith.constant 0 : i32
      %sign3A_270 = arith.cmpi sgt, %squeeze3A, %sign3A : i32
      %sign3A_271 = arith.extui %sign3A_270 : i1 to i32
      %sign3A_272 = arith.constant 0 : i32
      %sign3A_273 = arith.cmpi slt, %squeeze3A, %sign3A_272 : i32
      %sign3A_274 = arith.extui %sign3A_273 : i1 to i32
      %sign3A_275 = arith.subi %sign3A_271, %sign3A_274 : i32
      %sign3A_276 = arith.constant 0 : i32
      %sign3A_277 = arith.cmpi sgt, %jit3A, %sign3A_276 : i32
      %sign3A_278 = arith.extui %sign3A_277 : i1 to i32
      %sign3A_279 = arith.constant 0 : i32
      %sign3A_280 = arith.cmpi slt, %jit3A, %sign3A_279 : i32
      %sign3A_281 = arith.extui %sign3A_280 : i1 to i32
      %sign3A_282 = arith.subi %sign3A_278, %sign3A_281 : i32
      %ne3A = arith.cmpi ne, %sign3A_275, %sign3A_282 : i32
      %rem3A = arith.remsi %squeeze3A, %jit3A : i32
      %ne3A_283 = arith.constant 0 : i32
      %ne3A_284 = arith.cmpi ne, %rem3A, %ne3A_283 : i32
      %and3A = arith.andi %ne3A, %ne3A_284 : i1
      %sub3A = arith.constant 1 : i32
      %sub3A_285 = arith.subi %div3A, %sub3A : i32
      %select_n3A = arith.select %and3A, %sub3A_285, %div3A : i32
      %mul3A_286 = arith.constant 128 : i32
      %mul3A_287 = arith.muli %select_n3A, %mul3A_286 : i32
      %min3A = arith.constant 999808 : i32
      %min3A_288 = arith.minsi %mul3A_287, %min3A : i32
      %ne3A_289 = arith.cmpi ne, %min3A_288, %scan3A_267 : i32
      %convert_element_type3A_290 = arith.extui %ne3A_289 : i1 to i32
      %add3A_291 = arith.addi %scan3A_268, %convert_element_type3A_290 : i32
      %rem3A_292 = arith.constant 8 : i32
      %rem3A_293 = arith.remsi %add3A_291, %rem3A_292 : i32
      %convert_element_type3A_294 = arith.extui %ne3A_289 : i1 to i32
      %cond3A_295 = arith.constant 0 : i32
      %cond3A_296 = arith.cmpi ne, %convert_element_type3A_294, %cond3A_295 : i32
      scf.if %cond3A_296 {
        %dma_wait3A_322 = arith.constant 0 : i32
        %dma_wait3A_323 = arith.constant 0 : i32
        %dma_wait3A_324 = tpu.memref_slice %arg15[%rem3A_293, %dma_wait3A_322, %dma_wait3A_323] : memref<8x32x128xf32, #tpu.memory_space<vmem>> -> memref<1x32x128xf32, #tpu.memory_space<vmem>>
        %dma_wait3A_325 = tpu.memref_squeeze %dma_wait3A_324 : memref<1x32x128xf32, #tpu.memory_space<vmem>> -> memref<32x128xf32, #tpu.memory_space<vmem>>
        %dma_wait3A_326 = arith.constant 0 : i32
        %dma_wait3A_327 = arith.constant 0 : i32
        %dma_wait3A_328 = tpu.memref_slice %arg5[%dma_wait3A_326, %dma_wait3A_327] : memref<32x1000000xf32, #tpu.memory_space<hbm>> -> memref<32x128xf32, #tpu.memory_space<hbm>>
        %dma_wait3A_329 = tpu.memref_slice %arg16[%rem3A_293] : memref<8x!tpu.dma_semaphore, #tpu.memory_space<semaphore_mem>> -> memref<1x!tpu.dma_semaphore, #tpu.memory_space<semaphore_mem>>
        %dma_wait3A_330 = tpu.memref_squeeze %dma_wait3A_329 : memref<1x!tpu.dma_semaphore, #tpu.memory_space<semaphore_mem>> -> memref<!tpu.dma_semaphore, #tpu.memory_space<semaphore_mem>>
        %dma_wait3A_331 = arith.constant 0 : i32
        %dma_wait3A_332 = arith.constant 0 : i32
        %dma_wait3A_333 = tpu.memref_slice %arg15[%rem3A_293, %dma_wait3A_331, %dma_wait3A_332] : memref<8x32x128xf32, #tpu.memory_space<vmem>> -> memref<1x32x128xf32, #tpu.memory_space<vmem>>
        %dma_wait3A_334 = tpu.memref_squeeze %dma_wait3A_333 : memref<1x32x128xf32, #tpu.memory_space<vmem>> -> memref<32x128xf32, #tpu.memory_space<vmem>>
        %dma_wait3A_335 = arith.constant 0 : i32
        %dma_wait3A_336 = arith.constant 0 : i32
        %dma_wait3A_337 = tpu.memref_slice %arg5[%dma_wait3A_335, %dma_wait3A_336] : memref<32x1000000xf32, #tpu.memory_space<hbm>> -> memref<32x128xf32, #tpu.memory_space<hbm>>
        tpu.wait_dma2 semaphore(%dma_wait3A_330 : memref<!tpu.dma_semaphore, #tpu.memory_space<semaphore_mem>>) src(%dma_wait3A_337 : memref<32x128xf32, #tpu.memory_space<hbm>>) dst(%dma_wait3A_334 : memref<32x128xf32, #tpu.memory_space<vmem>>)
        %add3A_338 = arith.constant 8 : i32
        %add3A_339 = arith.addi %add3A_291, %add3A_338 : i32
        %sub3A_340 = arith.constant 1 : i32
        %sub3A_341 = arith.subi %add3A_339, %sub3A_340 : i32
        %lt3A = arith.cmpi slt, %sub3A_341, %scan3A_141#1 : i32
        %convert_element_type3A_342 = arith.extui %lt3A : i1 to i32
        %cond3A_343 = arith.constant 0 : i32
        %cond3A_344 = arith.cmpi ne, %convert_element_type3A_342, %cond3A_343 : i32
        scf.if %cond3A_344 {
          %rem3A_345 = arith.constant 8 : i32
          %rem3A_346 = arith.remsi %sub3A_341, %rem3A_345 : i32
          %get3A_347 = arith.index_cast %sub3A_341 : i32 to index
          %get3A_348 = memref.load %arg12[%get3A_347] : memref<520xi32, #tpu.memory_space<smem>>
          %multiple_of3A = tpu.assume_multiple %get3A_348, 128 : i32
          %dma_start3A_349 = arith.constant 0 : i32
          %dma_start3A_350 = arith.constant 0 : i32
          %dma_start3A_351 = tpu.memref_slice %arg15[%rem3A_346, %dma_start3A_349, %dma_start3A_350] : memref<8x32x128xf32, #tpu.memory_space<vmem>> -> memref<1x32x128xf32, #tpu.memory_space<vmem>>
          %dma_start3A_352 = tpu.memref_squeeze %dma_start3A_351 : memref<1x32x128xf32, #tpu.memory_space<vmem>> -> memref<32x128xf32, #tpu.memory_space<vmem>>
          %dma_start3A_353 = arith.constant 0 : i32
          %dma_start3A_354 = tpu.memref_slice %arg5[%dma_start3A_353, %multiple_of3A] : memref<32x1000000xf32, #tpu.memory_space<hbm>> -> memref<32x128xf32, #tpu.memory_space<hbm>>
          %dma_start3A_355 = tpu.memref_slice %arg16[%rem3A_346] : memref<8x!tpu.dma_semaphore, #tpu.memory_space<semaphore_mem>> -> memref<1x!tpu.dma_semaphore, #tpu.memory_space<semaphore_mem>>
          %dma_start3A_356 = tpu.memref_squeeze %dma_start3A_355 : memref<1x!tpu.dma_semaphore, #tpu.memory_space<semaphore_mem>> -> memref<!tpu.dma_semaphore, #tpu.memory_space<semaphore_mem>>
          %dma_start3A_357 = arith.constant 0 : i32
          %dma_start3A_358 = arith.constant 0 : i32
          %dma_start3A_359 = tpu.memref_slice %arg15[%rem3A_346, %dma_start3A_357, %dma_start3A_358] : memref<8x32x128xf32, #tpu.memory_space<vmem>> -> memref<1x32x128xf32, #tpu.memory_space<vmem>>
          %dma_start3A_360 = tpu.memref_squeeze %dma_start3A_359 : memref<1x32x128xf32, #tpu.memory_space<vmem>> -> memref<32x128xf32, #tpu.memory_space<vmem>>
          %dma_start3A_361 = arith.constant 0 : i32
          %dma_start3A_362 = tpu.memref_slice %arg5[%dma_start3A_361, %multiple_of3A] : memref<32x1000000xf32, #tpu.memory_space<hbm>> -> memref<32x128xf32, #tpu.memory_space<hbm>>
          tpu.enqueue_dma source(%dma_start3A_362 : memref<32x128xf32, #tpu.memory_space<hbm>>) target(%dma_start3A_360 : memref<32x128xf32, #tpu.memory_space<vmem>>) target_semaphore(%dma_start3A_356 : memref<!tpu.dma_semaphore, #tpu.memory_space<semaphore_mem>>)
        } else {
        }
      } else {
      }
      %ge3A = arith.constant 999936 : i32
      %ge3A_297 = arith.cmpi sge, %squeeze3A, %ge3A : i32
      %sub3A_298 = arith.subi %squeeze3A, %min3A_288 : i32
      %min3A_299 = arith.constant 127 : i32
      %min3A_300 = arith.minsi %sub3A_298, %min3A_299 : i32
      %sub3A_301 = arith.constant 999936 : i32
      %sub3A_302 = arith.subi %squeeze3A, %sub3A_301 : i32
      %max3A = arith.constant 0 : i32
      %max3A_303 = arith.maxsi %sub3A_302, %max3A : i32
      %min3A_304 = arith.constant 63 : i32
      %min3A_305 = arith.minsi %max3A_303, %min3A_304 : i32
      %broadcast_in_dim3A = vector.broadcast %min3A_300 : i32 to vector<16xi32>
      %broadcast_in_dim3A_306 = vector.broadcast %min3A_305 : i32 to vector<16xi32>
      %gather3A = arith.constant 0 : i32
      %gather3A_307 = arith.constant 0 : i32
      %gather3A_308 = tpu.memref_slice %arg15[%rem3A_293, %gather3A, %gather3A_307] : memref<8x32x128xf32, #tpu.memory_space<vmem>> -> memref<1x32x128xf32, #tpu.memory_space<vmem>>
      %gather3A_309 = tpu.memref_squeeze %gather3A_308 : memref<1x32x128xf32, #tpu.memory_space<vmem>> -> memref<32x128xf32, #tpu.memory_space<vmem>>
      %gather3A_310 = tpu.vector_load_idx %gather3A_309[%iota3A_131, %broadcast_in_dim3A] : memref<32x128xf32, #tpu.memory_space<vmem>>[vector<16xi32>, vector<16xi32>], vector<16xf32>,
      %gather3A_311 = arith.constant 0 : i32
      %gather3A_312 = arith.constant 0 : i32
      %gather3A_313 = tpu.memref_slice %arg15[%rem3A_293, %gather3A_311, %gather3A_312] : memref<8x32x128xf32, #tpu.memory_space<vmem>> -> memref<1x32x128xf32, #tpu.memory_space<vmem>>
      %gather3A_314 = tpu.memref_squeeze %gather3A_313 : memref<1x32x128xf32, #tpu.memory_space<vmem>> -> memref<32x128xf32, #tpu.memory_space<vmem>>
      %gather3A_315 = tpu.vector_load_idx %gather3A_314[%add3A_134, %broadcast_in_dim3A] : memref<32x128xf32, #tpu.memory_space<vmem>>[vector<16xi32>, vector<16xi32>], vector<16xf32>,
      %gather3A_316 = tpu.vector_load_idx %arg14[%iota3A_131, %broadcast_in_dim3A_306] : memref<32x64xf32, #tpu.memory_space<vmem>>[vector<16xi32>, vector<16xi32>], vector<16xf32>,
      %gather3A_317 = tpu.vector_load_idx %arg14[%add3A_134, %broadcast_in_dim3A_306] : memref<32x64xf32, #tpu.memory_space<vmem>>[vector<16xi32>, vector<16xi32>], vector<16xf32>,
      %broadcast_in_dim3A_318 = vector.broadcast %ge3A_297 : i1 to vector<16xi1>
      %select_n3A_319 = arith.select %broadcast_in_dim3A_318, %gather3A_316, %gather3A_310 : vector<16xi1>, vector<16xf32>
      %select_n3A_320 = arith.select %broadcast_in_dim3A_318, %gather3A_317, %gather3A_315 : vector<16xi1>, vector<16xf32>
      %broadcast_in_dim3A_321 = vector.broadcast %scan3A_266 : i32 to vector<16xi32>
      tpu.vector_store_idx %arg13[%broadcast_in_dim3A_321, %iota3A_131], %select_n3A_319 : memref<512x128xf32, #tpu.memory_space<vmem>>[vector<16xi32>, vector<16xi32>], vector<16xf32>,
      tpu.vector_store_idx %arg13[%broadcast_in_dim3A_321, %add3A_134], %select_n3A_320 : memref<512x128xf32, #tpu.memory_space<vmem>>[vector<16xi32>, vector<16xi32>], vector<16xf32>,
      scf.yield %min3A_288, %add3A_291 : i32, i32
    }
    %scan3A_185 = arith.constant 512 : i32
    %dma_start3A_186 = arith.constant 0 : i32
    %dma_start3A_187 = arith.constant 0 : i32
    %dma_start3A_188 = arith.constant 0 : i32
    %dma_start3A_189 = tpu.memref_slice %arg13[%dma_start3A_187, %dma_start3A_188] : memref<512x128xf32, #tpu.memory_space<vmem>> -> memref<128x128xf32, #tpu.memory_space<vmem>>
    %dma_start3A_190 = arith.constant 0 : i32
    %dma_start3A_191 = tpu.memref_slice %arg11[%dma_start3A_186, %dma_start3A_190] : memref<4x128xi32, #tpu.memory_space<vmem>> -> memref<1x128xi32, #tpu.memory_space<vmem>>
    %dma_start3A_192 = tpu.memref_squeeze %dma_start3A_191 : memref<1x128xi32, #tpu.memory_space<vmem>> -> memref<128xi32, #tpu.memory_space<vmem>>
    %dma_start3A_193 = arith.constant 0 : i32
    %dma_start3A_194 = arith.constant 0 : i32
    %dma_start3A_195 = tpu.memref_slice %arg9[%dma_start3A_193, %dma_start3A_194] : memref<16384x128xf32, #tpu.memory_space<hbm>> -> memref<16384x128xf32, #tpu.memory_space<hbm>>
    tpu.enqueue_indirect_dma source(%dma_start3A_189 : memref<128x128xf32, #tpu.memory_space<vmem>>) target(%dma_start3A_195 : memref<16384x128xf32, #tpu.memory_space<hbm>>) offsets(%dma_start3A_192 : memref<128xi32, #tpu.memory_space<vmem>>) semaphore(%arg17 : memref<!tpu.dma_semaphore, #tpu.memory_space<semaphore_mem>>)
    %dma_start3A_196 = arith.constant 1 : i32
    %dma_start3A_197 = arith.constant 128 : i32
    %dma_start3A_198 = arith.constant 0 : i32
    %dma_start3A_199 = tpu.memref_slice %arg13[%dma_start3A_197, %dma_start3A_198] : memref<512x128xf32, #tpu.memory_space<vmem>> -> memref<128x128xf32, #tpu.memory_space<vmem>>
    %dma_start3A_200 = arith.constant 0 : i32
    %dma_start3A_201 = tpu.memref_slice %arg11[%dma_start3A_196, %dma_start3A_200] : memref<4x128xi32, #tpu.memory_space<vmem>> -> memref<1x128xi32, #tpu.memory_space<vmem>>
    %dma_start3A_202 = tpu.memref_squeeze %dma_start3A_201 : memref<1x128xi32, #tpu.memory_space<vmem>> -> memref<128xi32, #tpu.memory_space<vmem>>
    %dma_start3A_203 = arith.constant 0 : i32
    %dma_start3A_204 = arith.constant 0 : i32
    %dma_start3A_205 = tpu.memref_slice %arg9[%dma_start3A_203, %dma_start3A_204] : memref<16384x128xf32, #tpu.memory_space<hbm>> -> memref<16384x128xf32, #tpu.memory_space<hbm>>
    tpu.enqueue_indirect_dma source(%dma_start3A_199 : memref<128x128xf32, #tpu.memory_space<vmem>>) target(%dma_start3A_205 : memref<16384x128xf32, #tpu.memory_space<hbm>>) offsets(%dma_start3A_202 : memref<128xi32, #tpu.memory_space<vmem>>) semaphore(%arg17 : memref<!tpu.dma_semaphore, #tpu.memory_space<semaphore_mem>>)
    %dma_start3A_206 = arith.constant 2 : i32
    %dma_start3A_207 = arith.constant 256 : i32
    %dma_start3A_208 = arith.constant 0 : i32
    %dma_start3A_209 = tpu.memref_slice %arg13[%dma_start3A_207, %dma_start3A_208] : memref<512x128xf32, #tpu.memory_space<vmem>> -> memref<128x128xf32, #tpu.memory_space<vmem>>
    %dma_start3A_210 = arith.constant 0 : i32
    %dma_start3A_211 = tpu.memref_slice %arg11[%dma_start3A_206, %dma_start3A_210] : memref<4x128xi32, #tpu.memory_space<vmem>> -> memref<1x128xi32, #tpu.memory_space<vmem>>
    %dma_start3A_212 = tpu.memref_squeeze %dma_start3A_211 : memref<1x128xi32, #tpu.memory_space<vmem>> -> memref<128xi32, #tpu.memory_space<vmem>>
    %dma_start3A_213 = arith.constant 0 : i32
    %dma_start3A_214 = arith.constant 0 : i32
    %dma_start3A_215 = tpu.memref_slice %arg9[%dma_start3A_213, %dma_start3A_214] : memref<16384x128xf32, #tpu.memory_space<hbm>> -> memref<16384x128xf32, #tpu.memory_space<hbm>>
    tpu.enqueue_indirect_dma source(%dma_start3A_209 : memref<128x128xf32, #tpu.memory_space<vmem>>) target(%dma_start3A_215 : memref<16384x128xf32, #tpu.memory_space<hbm>>) offsets(%dma_start3A_212 : memref<128xi32, #tpu.memory_space<vmem>>) semaphore(%arg17 : memref<!tpu.dma_semaphore, #tpu.memory_space<semaphore_mem>>)
    %dma_start3A_216 = arith.constant 3 : i32
    %dma_start3A_217 = arith.constant 384 : i32
    %dma_start3A_218 = arith.constant 0 : i32
    %dma_start3A_219 = tpu.memref_slice %arg13[%dma_start3A_217, %dma_start3A_218] : memref<512x128xf32, #tpu.memory_space<vmem>> -> memref<128x128xf32, #tpu.memory_space<vmem>>
    %dma_start3A_220 = arith.constant 0 : i32
    %dma_start3A_221 = tpu.memref_slice %arg11[%dma_start3A_216, %dma_start3A_220] : memref<4x128xi32, #tpu.memory_space<vmem>> -> memref<1x128xi32, #tpu.memory_space<vmem>>
    %dma_start3A_222 = tpu.memref_squeeze %dma_start3A_221 : memref<1x128xi32, #tpu.memory_space<vmem>> -> memref<128xi32, #tpu.memory_space<vmem>>
    %dma_start3A_223 = arith.constant 0 : i32
    %dma_start3A_224 = arith.constant 0 : i32
    %dma_start3A_225 = tpu.memref_slice %arg9[%dma_start3A_223, %dma_start3A_224] : memref<16384x128xf32, #tpu.memory_space<hbm>> -> memref<16384x128xf32, #tpu.memory_space<hbm>>
    tpu.enqueue_indirect_dma source(%dma_start3A_219 : memref<128x128xf32, #tpu.memory_space<vmem>>) target(%dma_start3A_225 : memref<16384x128xf32, #tpu.memory_space<hbm>>) offsets(%dma_start3A_222 : memref<128xi32, #tpu.memory_space<vmem>>) semaphore(%arg17 : memref<!tpu.dma_semaphore, #tpu.memory_space<semaphore_mem>>)
    %dma_wait3A_226 = arith.constant 0 : i32
    %dma_wait3A_227 = arith.constant 0 : i32
    %dma_wait3A_228 = arith.constant 0 : i32
    %dma_wait3A_229 = tpu.memref_slice %arg13[%dma_wait3A_227, %dma_wait3A_228] : memref<512x128xf32, #tpu.memory_space<vmem>> -> memref<128x128xf32, #tpu.memory_space<vmem>>
    %dma_wait3A_230 = arith.constant 0 : i32
    %dma_wait3A_231 = tpu.memref_slice %arg11[%dma_wait3A_226, %dma_wait3A_230] : memref<4x128xi32, #tpu.memory_space<vmem>> -> memref<1x128xi32, #tpu.memory_space<vmem>>
    %dma_wait3A_232 = tpu.memref_squeeze %dma_wait3A_231 : memref<1x128xi32, #tpu.memory_space<vmem>> -> memref<128xi32, #tpu.memory_space<vmem>>
    %dma_wait3A_233 = arith.constant 0 : i32
    %dma_wait3A_234 = arith.constant 0 : i32
    %dma_wait3A_235 = tpu.memref_slice %arg9[%dma_wait3A_233, %dma_wait3A_234] : memref<16384x128xf32, #tpu.memory_space<hbm>> -> memref<16384x128xf32, #tpu.memory_space<hbm>>
    tpu.wait_indirect_dma semaphore(%arg17 : memref<!tpu.dma_semaphore, #tpu.memory_space<semaphore_mem>>) src(%dma_wait3A_229 : memref<128x128xf32, #tpu.memory_space<vmem>>) dst(%dma_wait3A_235 : memref<16384x128xf32, #tpu.memory_space<hbm>>)
    %dma_wait3A_236 = arith.constant 1 : i32
    %dma_wait3A_237 = arith.constant 128 : i32
    %dma_wait3A_238 = arith.constant 0 : i32
    %dma_wait3A_239 = tpu.memref_slice %arg13[%dma_wait3A_237, %dma_wait3A_238] : memref<512x128xf32, #tpu.memory_space<vmem>> -> memref<128x128xf32, #tpu.memory_space<vmem>>
    %dma_wait3A_240 = arith.constant 0 : i32
    %dma_wait3A_241 = tpu.memref_slice %arg11[%dma_wait3A_236, %dma_wait3A_240] : memref<4x128xi32, #tpu.memory_space<vmem>> -> memref<1x128xi32, #tpu.memory_space<vmem>>
    %dma_wait3A_242 = tpu.memref_squeeze %dma_wait3A_241 : memref<1x128xi32, #tpu.memory_space<vmem>> -> memref<128xi32, #tpu.memory_space<vmem>>
    %dma_wait3A_243 = arith.constant 0 : i32
    %dma_wait3A_244 = arith.constant 0 : i32
    %dma_wait3A_245 = tpu.memref_slice %arg9[%dma_wait3A_243, %dma_wait3A_244] : memref<16384x128xf32, #tpu.memory_space<hbm>> -> memref<16384x128xf32, #tpu.memory_space<hbm>>
    tpu.wait_indirect_dma semaphore(%arg17 : memref<!tpu.dma_semaphore, #tpu.memory_space<semaphore_mem>>) src(%dma_wait3A_239 : memref<128x128xf32, #tpu.memory_space<vmem>>) dst(%dma_wait3A_245 : memref<16384x128xf32, #tpu.memory_space<hbm>>)
    %dma_wait3A_246 = arith.constant 2 : i32
    %dma_wait3A_247 = arith.constant 256 : i32
    %dma_wait3A_248 = arith.constant 0 : i32
    %dma_wait3A_249 = tpu.memref_slice %arg13[%dma_wait3A_247, %dma_wait3A_248] : memref<512x128xf32, #tpu.memory_space<vmem>> -> memref<128x128xf32, #tpu.memory_space<vmem>>
    %dma_wait3A_250 = arith.constant 0 : i32
    %dma_wait3A_251 = tpu.memref_slice %arg11[%dma_wait3A_246, %dma_wait3A_250] : memref<4x128xi32, #tpu.memory_space<vmem>> -> memref<1x128xi32, #tpu.memory_space<vmem>>
    %dma_wait3A_252 = tpu.memref_squeeze %dma_wait3A_251 : memref<1x128xi32, #tpu.memory_space<vmem>> -> memref<128xi32, #tpu.memory_space<vmem>>
    %dma_wait3A_253 = arith.constant 0 : i32
    %dma_wait3A_254 = arith.constant 0 : i32
    %dma_wait3A_255 = tpu.memref_slice %arg9[%dma_wait3A_253, %dma_wait3A_254] : memref<16384x128xf32, #tpu.memory_space<hbm>> -> memref<16384x128xf32, #tpu.memory_space<hbm>>
    tpu.wait_indirect_dma semaphore(%arg17 : memref<!tpu.dma_semaphore, #tpu.memory_space<semaphore_mem>>) src(%dma_wait3A_249 : memref<128x128xf32, #tpu.memory_space<vmem>>) dst(%dma_wait3A_255 : memref<16384x128xf32, #tpu.memory_space<hbm>>)
    %dma_wait3A_256 = arith.constant 3 : i32
    %dma_wait3A_257 = arith.constant 384 : i32
    %dma_wait3A_258 = arith.constant 0 : i32
    %dma_wait3A_259 = tpu.memref_slice %arg13[%dma_wait3A_257, %dma_wait3A_258] : memref<512x128xf32, #tpu.memory_space<vmem>> -> memref<128x128xf32, #tpu.memory_space<vmem>>
    %dma_wait3A_260 = arith.constant 0 : i32
    %dma_wait3A_261 = tpu.memref_slice %arg11[%dma_wait3A_256, %dma_wait3A_260] : memref<4x128xi32, #tpu.memory_space<vmem>> -> memref<1x128xi32, #tpu.memory_space<vmem>>
    %dma_wait3A_262 = tpu.memref_squeeze %dma_wait3A_261 : memref<1x128xi32, #tpu.memory_space<vmem>> -> memref<128xi32, #tpu.memory_space<vmem>>
    %dma_wait3A_263 = arith.constant 0 : i32
    %dma_wait3A_264 = arith.constant 0 : i32
    %dma_wait3A_265 = tpu.memref_slice %arg9[%dma_wait3A_263, %dma_wait3A_264] : memref<16384x128xf32, #tpu.memory_space<hbm>> -> memref<16384x128xf32, #tpu.memory_space<hbm>>
    tpu.wait_indirect_dma semaphore(%arg17 : memref<!tpu.dma_semaphore, #tpu.memory_space<semaphore_mem>>) src(%dma_wait3A_259 : memref<128x128xf32, #tpu.memory_space<vmem>>) dst(%dma_wait3A_265 : memref<16384x128xf32, #tpu.memory_space<hbm>>)
    return
  }
}

module attributes {stable_mosaic.version = 14 : i64} {
  func.func @_dense_body(%arg0: i32, %arg1: memref<2048x128xf32, #tpu.memory_space<vmem>>, %arg2: memref<2048x128xf32, #tpu.memory_space<vmem>>, %arg3: memref<2048x128xf32, #tpu.memory_space<vmem>>, %arg4: memref<2048x128xf32, #tpu.memory_space<vmem>>, %arg5: memref<64x64xf32, #tpu.memory_space<vmem>>, %arg6: memref<64xf32, #tpu.memory_space<vmem>>, %arg7: memref<64x32xf32, #tpu.memory_space<vmem>>, %arg8: memref<32xf32, #tpu.memory_space<vmem>>, %arg9: memref<32x16xf32, #tpu.memory_space<vmem>>, %arg10: memref<16xf32, #tpu.memory_space<vmem>>, %arg11: memref<16x8xf32, #tpu.memory_space<vmem>>, %arg12: memref<8xf32, #tpu.memory_space<vmem>>, %arg13: memref<40x1xf32, #tpu.memory_space<vmem>>, %arg14: memref<1xf32, #tpu.memory_space<vmem>>, %arg15: memref<2048x1xf32, #tpu.memory_space<vmem>>) attributes {dimension_semantics = [#tpu.dimension_semantics<arbitrary>], iteration_bounds = array<i64: 8>, scalar_prefetch = 0 : i64, scratch_operands = 0 : i64, tpu.core_type = #tpu.core_type<tc>, window_params = [{transform_indices = @transform_0, window_bounds = array<i64: 2048, 128>}, {transform_indices = @transform_1, window_bounds = array<i64: 2048, 128>}, {transform_indices = @transform_2, window_bounds = array<i64: 2048, 128>}, {transform_indices = @transform_3, window_bounds = array<i64: 2048, 128>}, {pipeline_mode = #tpu.pipeline_mode<synchronous>, transform_indices = @transform_4, window_bounds = array<i64: 64, 64>}, {pipeline_mode = #tpu.pipeline_mode<synchronous>, transform_indices = @transform_5, window_bounds = array<i64: 64>}, {pipeline_mode = #tpu.pipeline_mode<synchronous>, transform_indices = @transform_6, window_bounds = array<i64: 64, 32>}, {pipeline_mode = #tpu.pipeline_mode<synchronous>, transform_indices = @transform_7, window_bounds = array<i64: 32>}, {pipeline_mode = #tpu.pipeline_mode<synchronous>, transform_indices = @transform_8, window_bounds = array<i64: 32, 16>}, {pipeline_mode = #tpu.pipeline_mode<synchronous>, transform_indices = @transform_9, window_bounds = array<i64: 16>}, {pipeline_mode = #tpu.pipeline_mode<synchronous>, transform_indices = @transform_10, window_bounds = array<i64: 16, 8>}, {pipeline_mode = #tpu.pipeline_mode<synchronous>, transform_indices = @transform_11, window_bounds = array<i64: 8>}, {pipeline_mode = #tpu.pipeline_mode<synchronous>, transform_indices = @transform_12, window_bounds = array<i64: 40, 1>}, {pipeline_mode = #tpu.pipeline_mode<synchronous>, transform_indices = @transform_13, window_bounds = array<i64: 1>}, {transform_indices = @transform_14, window_bounds = array<i64: 2048, 1>}]} {
    %get3A = arith.constant 0 : index
    %get3A_0 = arith.constant 0 : index
    %get3A_1 = vector.load %arg1[%get3A, %get3A_0] : memref<2048x128xf32, #tpu.memory_space<vmem>>, vector<2048x128xf32>
    %slice3A = vector.extract_strided_slice %get3A_1 {offsets = [0, 0], sizes = [2048, 32], strides = [1, 1]} : vector<2048x128xf32> to vector<2048x32xf32>
    %get3A_2 = arith.constant 0 : index
    %get3A_3 = arith.constant 0 : index
    %get3A_4 = vector.load %arg2[%get3A_2, %get3A_3] : memref<2048x128xf32, #tpu.memory_space<vmem>>, vector<2048x128xf32>
    %slice3A_5 = vector.extract_strided_slice %get3A_4 {offsets = [0, 0], sizes = [2048, 32], strides = [1, 1]} : vector<2048x128xf32> to vector<2048x32xf32>
    %get3A_6 = arith.constant 0 : index
    %get3A_7 = arith.constant 0 : index
    %get3A_8 = vector.load %arg3[%get3A_6, %get3A_7] : memref<2048x128xf32, #tpu.memory_space<vmem>>, vector<2048x128xf32>
    %slice3A_9 = vector.extract_strided_slice %get3A_8 {offsets = [0, 0], sizes = [2048, 32], strides = [1, 1]} : vector<2048x128xf32> to vector<2048x32xf32>
    %get3A_10 = arith.constant 0 : index
    %get3A_11 = arith.constant 0 : index
    %get3A_12 = vector.load %arg4[%get3A_10, %get3A_11] : memref<2048x128xf32, #tpu.memory_space<vmem>>, vector<2048x128xf32>
    %slice3A_13 = vector.extract_strided_slice %get3A_12 {offsets = [0, 0], sizes = [2048, 32], strides = [1, 1]} : vector<2048x128xf32> to vector<2048x32xf32>
    %mul3A = arith.mulf %slice3A, %slice3A_5 : vector<2048x32xf32>
    %get3A_14 = arith.constant 0 : index
    %get3A_15 = arith.constant 0 : index
    %get3A_16 = vector.load %arg5[%get3A_14, %get3A_15] : memref<64x64xf32, #tpu.memory_space<vmem>>, vector<64x64xf32>
    %slice3A_17 = vector.extract_strided_slice %get3A_16 {offsets = [0, 0], sizes = [32, 64], strides = [1, 1]} : vector<64x64xf32> to vector<32x64xf32>
    %dot_general3A = arith.constant dense<0.000000e+00> : vector<2048x64xf32>
    %dot_general3A_18 = tpu.matmul %slice3A_9, %slice3A_17, %dot_general3A {dimension_numbers = #tpu.dot_dimension_numbers<[1], [0], [0], [1], [0, 0, 1, 1], [], []>, precision = #tpu.contract_precision<fp32>, transpose_lhs_hint = false} : vector<2048x32xf32>, vector<32x64xf32>, vector<2048x64xf32> -> vector<2048x64xf32>
    %slice3A_19 = vector.extract_strided_slice %get3A_16 {offsets = [32, 0], sizes = [32, 64], strides = [1, 1]} : vector<64x64xf32> to vector<32x64xf32>
    %dot_general3A_20 = arith.constant dense<0.000000e+00> : vector<2048x64xf32>
    %dot_general3A_21 = tpu.matmul %slice3A_13, %slice3A_19, %dot_general3A_20 {dimension_numbers = #tpu.dot_dimension_numbers<[1], [0], [0], [1], [0, 0, 1, 1], [], []>, precision = #tpu.contract_precision<fp32>, transpose_lhs_hint = false} : vector<2048x32xf32>, vector<32x64xf32>, vector<2048x64xf32> -> vector<2048x64xf32>
    %add3A = arith.addf %dot_general3A_18, %dot_general3A_21 : vector<2048x64xf32>
    %get3A_22 = arith.constant 0 : index
    %get3A_23 = vector.load %arg6[%get3A_22] : memref<64xf32, #tpu.memory_space<vmem>>, vector<64xf32>
    %broadcast_in_dim3A = vector.shape_cast %get3A_23 : vector<64xf32> to vector<1x64xf32>
    %add3A_24 = vector.broadcast %broadcast_in_dim3A : vector<1x64xf32> to vector<2048x64xf32>
    %add3A_25 = arith.addf %add3A, %add3A_24 : vector<2048x64xf32>
    %max3A = arith.constant 0.000000e+00 : f32
    %max3A_26 = vector.broadcast %max3A : f32 to vector<2048x64xf32>
    %max3A_27 = arith.maximumf %add3A_25, %max3A_26 : vector<2048x64xf32>
    %get3A_28 = arith.constant 0 : index
    %get3A_29 = arith.constant 0 : index
    %get3A_30 = vector.load %arg7[%get3A_28, %get3A_29] : memref<64x32xf32, #tpu.memory_space<vmem>>, vector<64x32xf32>
    %dot_general3A_31 = arith.constant dense<0.000000e+00> : vector<2048x32xf32>
    %dot_general3A_32 = tpu.matmul %max3A_27, %get3A_30, %dot_general3A_31 {dimension_numbers = #tpu.dot_dimension_numbers<[1], [0], [0], [1], [0, 0, 1, 1], [], []>, precision = #tpu.contract_precision<fp32>, transpose_lhs_hint = false} : vector<2048x64xf32>, vector<64x32xf32>, vector<2048x32xf32> -> vector<2048x32xf32>
    %get3A_33 = arith.constant 0 : index
    %get3A_34 = vector.load %arg8[%get3A_33] : memref<32xf32, #tpu.memory_space<vmem>>, vector<32xf32>
    %broadcast_in_dim3A_35 = vector.shape_cast %get3A_34 : vector<32xf32> to vector<1x32xf32>
    %add3A_36 = vector.broadcast %broadcast_in_dim3A_35 : vector<1x32xf32> to vector<2048x32xf32>
    %add3A_37 = arith.addf %dot_general3A_32, %add3A_36 : vector<2048x32xf32>
    %max3A_38 = arith.constant 0.000000e+00 : f32
    %max3A_39 = vector.broadcast %max3A_38 : f32 to vector<2048x32xf32>
    %max3A_40 = arith.maximumf %add3A_37, %max3A_39 : vector<2048x32xf32>
    %get3A_41 = arith.constant 0 : index
    %get3A_42 = arith.constant 0 : index
    %get3A_43 = vector.load %arg9[%get3A_41, %get3A_42] : memref<32x16xf32, #tpu.memory_space<vmem>>, vector<32x16xf32>
    %dot_general3A_44 = arith.constant dense<0.000000e+00> : vector<2048x16xf32>
    %dot_general3A_45 = tpu.matmul %max3A_40, %get3A_43, %dot_general3A_44 {dimension_numbers = #tpu.dot_dimension_numbers<[1], [0], [0], [1], [0, 0, 1, 1], [], []>, precision = #tpu.contract_precision<fp32>, transpose_lhs_hint = false} : vector<2048x32xf32>, vector<32x16xf32>, vector<2048x16xf32> -> vector<2048x16xf32>
    %get3A_46 = arith.constant 0 : index
    %get3A_47 = vector.load %arg10[%get3A_46] : memref<16xf32, #tpu.memory_space<vmem>>, vector<16xf32>
    %broadcast_in_dim3A_48 = vector.shape_cast %get3A_47 : vector<16xf32> to vector<1x16xf32>
    %add3A_49 = vector.broadcast %broadcast_in_dim3A_48 : vector<1x16xf32> to vector<2048x16xf32>
    %add3A_50 = arith.addf %dot_general3A_45, %add3A_49 : vector<2048x16xf32>
    %max3A_51 = arith.constant 0.000000e+00 : f32
    %max3A_52 = vector.broadcast %max3A_51 : f32 to vector<2048x16xf32>
    %max3A_53 = arith.maximumf %add3A_50, %max3A_52 : vector<2048x16xf32>
    %get3A_54 = arith.constant 0 : index
    %get3A_55 = arith.constant 0 : index
    %get3A_56 = vector.load %arg11[%get3A_54, %get3A_55] : memref<16x8xf32, #tpu.memory_space<vmem>>, vector<16x8xf32>
    %dot_general3A_57 = arith.constant dense<0.000000e+00> : vector<2048x8xf32>
    %dot_general3A_58 = tpu.matmul %max3A_53, %get3A_56, %dot_general3A_57 {dimension_numbers = #tpu.dot_dimension_numbers<[1], [0], [0], [1], [0, 0, 1, 1], [], []>, precision = #tpu.contract_precision<fp32>, transpose_lhs_hint = false} : vector<2048x16xf32>, vector<16x8xf32>, vector<2048x8xf32> -> vector<2048x8xf32>
    %get3A_59 = arith.constant 0 : index
    %get3A_60 = vector.load %arg12[%get3A_59] : memref<8xf32, #tpu.memory_space<vmem>>, vector<8xf32>
    %broadcast_in_dim3A_61 = vector.shape_cast %get3A_60 : vector<8xf32> to vector<1x8xf32>
    %add3A_62 = vector.broadcast %broadcast_in_dim3A_61 : vector<1x8xf32> to vector<2048x8xf32>
    %add3A_63 = arith.addf %dot_general3A_58, %add3A_62 : vector<2048x8xf32>
    %max3A_64 = arith.constant 0.000000e+00 : f32
    %max3A_65 = vector.broadcast %max3A_64 : f32 to vector<2048x8xf32>
    %max3A_66 = arith.maximumf %add3A_63, %max3A_65 : vector<2048x8xf32>
    %get3A_67 = arith.constant 0 : index
    %get3A_68 = arith.constant 0 : index
    %get3A_69 = vector.load %arg13[%get3A_67, %get3A_68] : memref<40x1xf32, #tpu.memory_space<vmem>>, vector<40x1xf32>
    %slice3A_70 = vector.extract_strided_slice %get3A_69 {offsets = [0, 0], sizes = [32, 1], strides = [1, 1]} : vector<40x1xf32> to vector<32x1xf32>
    %dot_general3A_71 = arith.constant dense<0.000000e+00> : vector<2048x1xf32>
    %dot_general3A_72 = tpu.matmul %mul3A, %slice3A_70, %dot_general3A_71 {dimension_numbers = #tpu.dot_dimension_numbers<[1], [0], [0], [1], [0, 0, 1, 1], [], []>, precision = #tpu.contract_precision<fp32>, transpose_lhs_hint = false} : vector<2048x32xf32>, vector<32x1xf32>, vector<2048x1xf32> -> vector<2048x1xf32>
    %slice3A_73 = vector.extract_strided_slice %get3A_69 {offsets = [32, 0], sizes = [8, 1], strides = [1, 1]} : vector<40x1xf32> to vector<8x1xf32>
    %dot_general3A_74 = arith.constant dense<0.000000e+00> : vector<2048x1xf32>
    %dot_general3A_75 = tpu.matmul %max3A_66, %slice3A_73, %dot_general3A_74 {dimension_numbers = #tpu.dot_dimension_numbers<[1], [0], [0], [1], [0, 0, 1, 1], [], []>, precision = #tpu.contract_precision<fp32>, transpose_lhs_hint = false} : vector<2048x8xf32>, vector<8x1xf32>, vector<2048x1xf32> -> vector<2048x1xf32>
    %add3A_76 = arith.addf %dot_general3A_72, %dot_general3A_75 : vector<2048x1xf32>
    %get3A_77 = arith.constant 0 : index
    %get3A_78 = vector.load %arg14[%get3A_77] : memref<1xf32, #tpu.memory_space<vmem>>, vector<1xf32>
    %broadcast_in_dim3A_79 = vector.shape_cast %get3A_78 : vector<1xf32> to vector<1x1xf32>
    %add3A_80 = vector.broadcast %broadcast_in_dim3A_79 : vector<1x1xf32> to vector<2048x1xf32>
    %add3A_81 = arith.addf %add3A_76, %add3A_80 : vector<2048x1xf32>
    %logistic3A = arith.negf %add3A_81 : vector<2048x1xf32>
    %logistic3A_82 = math.exp %logistic3A : vector<2048x1xf32>
    %logistic3A_83 = arith.constant 1.000000e+00 : f32
    %logistic3A_84 = vector.broadcast %logistic3A_83 : f32 to vector<2048x1xf32>
    %logistic3A_85 = arith.addf %logistic3A_84, %logistic3A_82 : vector<2048x1xf32>
    %logistic3A_86 = arith.divf %logistic3A_84, %logistic3A_85 : vector<2048x1xf32>
    %swap3A = arith.constant 0 : index
    %swap3A_87 = arith.constant 0 : index
    %swap3A_88 = vector.load %arg15[%swap3A, %swap3A_87] : memref<2048x1xf32, #tpu.memory_space<vmem>>, vector<2048x1xf32>
    tpu.vector_store %arg15[%swap3A, %swap3A_87], %logistic3A_86 {strides = array<i32>} : memref<2048x1xf32, #tpu.memory_space<vmem>>, vector<2048x1xf32>,
    return
  }
  func.func @transform_0(%arg0: i32) -> (i32, i32) {
    %c0_i32 = arith.constant 0 : i32
    %c0_i32_0 = arith.constant 0 : i32
    return %arg0, %c0_i32 : i32, i32
  }
  func.func @transform_1(%arg0: i32) -> (i32, i32) {
    %c0_i32 = arith.constant 0 : i32
    %c0_i32_0 = arith.constant 0 : i32
    return %arg0, %c0_i32 : i32, i32
  }
  func.func @transform_2(%arg0: i32) -> (i32, i32) {
    %c0_i32 = arith.constant 0 : i32
    %c0_i32_0 = arith.constant 0 : i32
    return %arg0, %c0_i32 : i32, i32
  }
  func.func @transform_3(%arg0: i32) -> (i32, i32) {
    %c0_i32 = arith.constant 0 : i32
    %c0_i32_0 = arith.constant 0 : i32
    return %arg0, %c0_i32 : i32, i32
  }
  func.func @transform_4(%arg0: i32) -> (i32, i32) {
    %c0_i32 = arith.constant 0 : i32
    %c0_i32_0 = arith.constant 0 : i32
    %c0_i32_1 = arith.constant 0 : i32
    return %c0_i32, %c0_i32_0 : i32, i32
  }
  func.func @transform_5(%arg0: i32) -> i32 {
    %c0_i32 = arith.constant 0 : i32
    %c0_i32_0 = arith.constant 0 : i32
    return %c0_i32 : i32
  }
  func.func @transform_6(%arg0: i32) -> (i32, i32) {
    %c0_i32 = arith.constant 0 : i32
    %c0_i32_0 = arith.constant 0 : i32
    %c0_i32_1 = arith.constant 0 : i32
    return %c0_i32, %c0_i32_0 : i32, i32
  }
  func.func @transform_7(%arg0: i32) -> i32 {
    %c0_i32 = arith.constant 0 : i32
    %c0_i32_0 = arith.constant 0 : i32
    return %c0_i32 : i32
  }
  func.func @transform_8(%arg0: i32) -> (i32, i32) {
    %c0_i32 = arith.constant 0 : i32
    %c0_i32_0 = arith.constant 0 : i32
    %c0_i32_1 = arith.constant 0 : i32
    return %c0_i32, %c0_i32_0 : i32, i32
  }
  func.func @transform_9(%arg0: i32) -> i32 {
    %c0_i32 = arith.constant 0 : i32
    %c0_i32_0 = arith.constant 0 : i32
    return %c0_i32 : i32
  }
  func.func @transform_10(%arg0: i32) -> (i32, i32) {
    %c0_i32 = arith.constant 0 : i32
    %c0_i32_0 = arith.constant 0 : i32
    %c0_i32_1 = arith.constant 0 : i32
    return %c0_i32, %c0_i32_0 : i32, i32
  }
  func.func @transform_11(%arg0: i32) -> i32 {
    %c0_i32 = arith.constant 0 : i32
    %c0_i32_0 = arith.constant 0 : i32
    return %c0_i32 : i32
  }
  func.func @transform_12(%arg0: i32) -> (i32, i32) {
    %c0_i32 = arith.constant 0 : i32
    %c0_i32_0 = arith.constant 0 : i32
    %c0_i32_1 = arith.constant 0 : i32
    return %c0_i32, %c0_i32_0 : i32, i32
  }
  func.func @transform_13(%arg0: i32) -> i32 {
    %c0_i32 = arith.constant 0 : i32
    %c0_i32_0 = arith.constant 0 : i32
    return %c0_i32 : i32
  }
  func.func @transform_14(%arg0: i32) -> (i32, i32) {
    %c0_i32 = arith.constant 0 : i32
    %c0_i32_0 = arith.constant 0 : i32
    return %arg0, %c0_i32 : i32, i32
  }
}

</mosaic_0001>

<sc_bundles>
// kernel: kernel.5.cloned.1.call-start
scs
__scs_entry_jumppad:
0x0: {  	(pc) =	sbr.rel $0x88, $3  }
0x1: {  	(tag) =	ssettag $0x0;
	lr =	simm.s32 $0x1  }
0x2: {  	[smem:$0x3F91] =	sst lr;
	_ =	strace $0xD0000000  }
0x3: {  	_ = 	snop  }
0x4: {  	_ = 	snop  }
0x5: {  	_ = 	snop  }
0x6: {  	_ = 	snop  }
0x7: {  	_ = 	snop  }
__scs_overlays_trampoline_lowered:
0x8: {  	[smem:$0x3FA0] =	sst s0  }
0x9: {  	[smem:$0x3FA1] =	sst s1  }
0xa: {  	[smem:$0x3FA2] =	sst s2  }
0xb: {  	[smem:$0x3FA3] =	sst s3  }
0xc: {  	[smem:$0x3FA4] =	sst s4  }
0xd: {  	[smem:$0x3FA5] =	sst s5  }
0xe: {  	[smem:$0x3FA6] =	sst s6  }
0xf: {  	[smem:$0x3FA7] =	sst s7  }
0x10: {  	[smem:$0x3FA8] =	sst s8  }
0x11: {  	[smem:$0x3FA9] =	sst s9;
	s0 =	simm.s32 @!p0 $0x0  }
0x12: {  	s1 =	sld [smem:$0x3F8F];
	s0 =	simm.s32 @p0 $0x1  }
0x13: {  	[smem:$0x3FAA] =	sst s0;
	s0 =	simm.s32 @!p1 $0x0  }
0x14: {  	s2 =	sld [smem:$0x3F8E];
	s0 =	simm.s32 @p1 $0x1  }
0x15: {  	[smem:$0x3FAB] =	sst s0;
	s0 =	simm.s32 @!p2 $0x0  }
0x16: {  	s3 =	sld [smem:$0x3FDB];
	s0 =	simm.s32 @p2 $0x1  }
0x17: {  	s4 =	simm.s32 $0x1BF5;
	[smem:$0x3FAD] =	sst s0  }
0x18: {  	s0 =	sld [smem:$0x3F90];
	_ =	swait.ge [sflag:s4], $0x0  }
0x19: {  	s7 =	sld [smem:$0x3F91]  }
0x1a: {  	s8 =	sadd.s32 $0xFFFFE003, lr  }
0x1b: {  	s9 =	sadd.s32 $0xFFFFFEF7, lr;
	s5 =	simm.s32 $0xFFFFFFFF;
	p2 =	slt.u32 s8, $0xFFFFF086  }
0x1c: {  	p1 =	slt.u32 s9, $0xF7A;
	s5 =	simm.s32 @!p2 $0x0  }
0x1d: {  	s5 =	simm.s32 @p1 $0x1;
	p0 =	seq.s32 s7, s2  }
0x1e: {  	s7 =	smul.u32 @!p0 $0xF7A, s2;
	p2 =	seq.s32 @!p0 s5, $0x0  }
0x1f: {  	s9 =	smul.u32 $0xF7A, s1;
	s8 =	simm.s32 @!p0 $0x1BF5;
	p2 =	por !p2, p0  }
0x20: {  	[sflag:s8] =	ssyncset.s32 @!p0 $0xFFFFF086;
	s6 =	sadd.s32 @!p0 s3, s7;
	s7 =	simm.s32 @!p0 $0x108  }
0x21: {  	s3 =	sadd.s32 s3, s9;
	s6 =	sadd.s32 @!p0 $0x88, s6;
	s7 =	simm.s32 @p2 $0x1082  }
0x22: {  	[simem:s7], [sflag:s8] =	dma.local @!p0 [hbm:s6], $0xF7A  }
0x23: {  	s9 =	sor.u32 $0xD0000000, s2;
	s6 =	simm.s32 $0x108;
	_ =	swait.ge @!p0 [sflag:s8], $0x0  }
0x24: {  	s3 =	sadd.s32 $0x88, s3;
	s6 =	simm.s32 @!p1 $0x1082;
	[sflag:s4] =	ssyncset.s32 $0xFFFFF086  }
0x25: {  	[simem:s6], [sflag:s4] =	dma.local [hbm:s3], $0xF7A  }
0x26: {  	[smem:$0x3F91] =	sst s1;
	(tag) =	ssettag s2;
	_ =	strace s9  }
0x27: {  	s1 =	sld [smem:$0x3FA1]  }
0x28: {  	s2 =	sld [smem:$0x3FA2]  }
0x29: {  	s4 =	sld [smem:$0x3FA4]  }
0x2a: {  	p0 =	seq.s32 s5, $0x0;
	s5 =	sld [smem:$0x3FA5]  }
0x2b: {  	s6 =	sld [smem:$0x3FA6]  }
0x2c: {  	s7 =	sld [smem:$0x3FA7]  }
0x2d: {  	s3 =	simm.s32 $0x108;
	s8 =	sld [smem:$0x3FA8]  }
0x2e: {  	s3 =	simm.s32 @!p0 $0x1082;
	s9 =	sld [smem:$0x3FA9]  }
0x2f: {  	lr =	sadd.s32 s0, s3;
	s0 =	sld [smem:$0x3FA0]  }
0x30: {  	s3 =	sld [smem:$0x3FA3]  }
0x31: {  	[smem:$0x3FAC] =	sst s10  }
0x32: {  	s10 =	sld [smem:$0x3FAA];
	_ =	sdelay $0x3  }
0x33: {  	p0 =	seq.s32 s10, $0x1;
	s10 =	sld [smem:$0x3FAC];
	_ =	sdelay $0x3  }
0x34: {  	[smem:$0x3FAC] =	sst s10  }
0x35: {  	s10 =	sld [smem:$0x3FAB];
	_ =	sdelay $0x3  }
0x36: {  	p1 =	seq.s32 s10, $0x1;
	s10 =	sld [smem:$0x3FAC];
	_ =	sdelay $0x3  }
0x37: {  	[smem:$0x3FAC] =	sst s10  }
0x38: {  	s10 =	sld [smem:$0x3FAD]  }
0x39: {  	_ = 	snop;
	(pc) =	sbr.ind lr, $3  }
0x3a: {  	_ = 	snop  }
0x3b: {  	_ = 	snop  }
0x3c: {  	p2 =	seq.s32 s10, $0x1;
	s10 =	sld [smem:$0x3FAC]  }
0x3d: {  	_ =	shalt  }
0x3e: {  	_ =	shalt  }
0x3f: {  	_ =	shalt  }
0x40: {  	_ =	shalt  }
0x41: {  	_ =	shalt  }
0x42: {  	_ =	shalt  }
0x43: {  	_ =	shalt  }
0x44: {  	_ =	shalt  }
0x45: {  	_ =	shalt  }
0x46: {  	_ =	shalt  }
0x47: {  	_ =	shalt  }
0x48: {  	_ =	shalt  }
0x49: {  	_ =	shalt  }
0x4a: {  	_ =	shalt  }
0x4b: {  	_ =	shalt  }
0x4c: {  	_ =	shalt  }
0x4d: {  	_ =	shalt  }
0x4e: {  	_ =	shalt  }
0x4f: {  	_ =	shalt  }
0x50: {  	_ =	shalt  }
0x51: {  	_ =	shalt  }
0x52: {  	_ =	shalt  }
0x53: {  	_ =	shalt  }
0x54: {  	_ =	shalt  }
0x55: {  	_ =	shalt  }
0x56: {  	_ =	shalt  }
0x57: {  	_ =	shalt  }
0x58: {  	_ =	shalt  }
0x59: {  	_ =	shalt  }
0x5a: {  	_ =	shalt  }
0x5b: {  	_ =	shalt  }
0x5c: {  	_ =	shalt  }
0x5d: {  	_ =	shalt  }
0x5e: {  	_ =	shalt  }
0x5f: {  	_ =	shalt  }
0x60: {  	_ =	shalt  }
0x61: {  	_ =	shalt  }
0x62: {  	_ =	shalt  }
0x63: {  	_ =	shalt  }
0x64: {  	_ =	shalt  }
0x65: {  	_ =	shalt  }
0x66: {  	_ =	shalt  }
0x67: {  	_ =	shalt  }
0x68: {  	_ =	shalt  }
0x69: {  	_ =	shalt  }
0x6a: {  	_ =	shalt  }
0x6b: {  	_ =	shalt  }
0x6c: {  	_ =	shalt  }
0x6d: {  	_ =	shalt  }
0x6e: {  	_ =	shalt  }
0x6f: {  	_ =	shalt  }
0x70: {  	_ =	shalt  }
0x71: {  	_ =	shalt  }
0x72: {  	_ =	shalt  }
0x73: {  	_ =	shalt  }
0x74: {  	_ =	shalt  }
0x75: {  	_ =	shalt  }
0x76: {  	_ =	shalt  }
0x77: {  	_ =	shalt  }
0x78: {  	_ =	shalt  }
0x79: {  	_ =	shalt  }
0x7a: {  	_ =	shalt  }
0x7b: {  	_ =	shalt  }
0x7c: {  	_ =	shalt  }
0x7d: {  	_ =	shalt  }
0x7e: {  	_ =	shalt  }
0x7f: {  	_ =	shalt  }
0x80: {  	_ =	shalt  }
0x81: {  	_ =	shalt  }
0x82: {  	_ =	shalt  }
0x83: {  	_ =	shalt  }
0x84: {  	_ =	shalt  }
0x85: {  	_ =	shalt  }
0x86: {  	_ =	shalt  }
0x87: {  	_ =	shalt  }
.Lfunc_end0:
.L_simem_size_0:
called_computation_lowered:
.L_overlay_start_0:
0x88: {  	s2 =	sld [smem:$0x3FD9]  }
0x89: {  	s3 =	sld [smem:$0x3FFE];
	_ =	sdelay $0x1  }
0x8a: {  	s1 =	srdreg.scid  }
0x8b: {  	s0 =	sand.u32 $0x1, s1  }
0x8c: {  	s17 =	sshll.u32 s0, $0xA;
	s2 =	sadd.s32 s3, s2  }
0x8d: {  	s2 =	sadd.s32 s2, s17  }
0x8e: {  	[smem:$0x3FB8] =	sst s2  }
0x8f: {  	_ = 	snop  }
0x90: {  	s2 =	sld [smem:$0x3FC7]  }
0x91: {  	s18 =	sld [smem:$0x3FC5]  }
0x92: {  	s4 =	sld [smem:$0x3FD0];
	(tm) =	ssettm $0x1  }
0x93: {  	s5 =	sld [smem:$0x3FFB];
	_ =	sdelay $0x3  }
0x94: {  	_ =	strace s5  }
0x95: {  	s5 =	sld [smem:$0x3FFC];
	_ =	sdelay $0x3  }
0x96: {  	_ =	strace s5  }
0x97: {  	s5 =	sld [smem:$0x3FFD];
	_ =	sdelay $0x3  }
0x98: {  	_ =	strace s5  }
0x99: {  	_ =	strace $0x8FFFFFFF  }
0x9a: {  	s19 =	sld [smem:$0x3FDB];
	_ =	sdelay $0x1  }
0x9b: {  	s6 =	simm.s32 $_scs_section_size  }
0x9c: {  	s7 =	simm.s32 $_size__tile_overlayer_lowered;
	s8 =	simm.s32 $_tile_overlayer_lowered  }
0x9d: {  	s22 =	simm.s32 $0x1BFF;
	s21 =	sshll.u32 s8, $0x1;
	s5 =	sadd.s32 s6, s19  }
0x9e: {  	s9 =	simm.s32 $0x0;
	s20 =	sshll.u32 s7, $0x1;
	s7 =	sadd.s32 s21, s5  }
0x9f: {  	[timem:s9], [sflag:s22] =	dma.local [hbm:s7], s20  }
0xa0: {  	_ =	swait.ge [sflag:s22], s20  }
0xa1: {  	s6 =	ssub.s32 $0x0, s20;
	[sflag:s22] =	ssyncset.done $0x0  }
0xa2: {  	[sflag:s22] =	ssyncadd.s32 s6;
	_ =	sdelay $0x1  }
0xa3: {  	s23 =	simm.s32 $0x1B8B  }
0xa4: {  	_ =	swait.ge [sflag:s23], $0x1  }
0xa5: {  	[sflag:s23] =	ssyncset.done $0x0  }
0xa6: {  	s25 =	simm.s32 $0x1B8E;
	s24 =	sld [smem:$0x3FFE];
	[sflag:s23] =	ssyncadd.s32 $0xFFFFFFFF  }
0xa7: {  	s26 =	simm.s32 $execute0_lowered;
	[smem:$0x3FD2] =	sst s25  }
0xa8: {  	s7 =	sshll.u32 s26, $0x1;
	_ =	strace $0x80000046;
	[dreg:$0x1] =	wrdreg $0xFFFFFFFF  }
0xa9: {  	s28 =	simm.s32 $_size_execute0_lowered;
	s5 =	sadd.s32 s5, s7;
	[dreg:$0x0] =	wrdreg $0x0  }
0xaa: {  	s7 =	sshll.u32 s28, $0x1;
	[dreg:$0x2] =	wrdreg s5  }
0xab: {  	[dreg:$0x3] =	wrdreg s7  }
0xac: {  	[dreg:$0x4] =	wrdreg $0xC0  }
0xad: {  	_ =	task [dreg:s9], $0x5FFFF  }
0xae: {  	[dreg:$0x1] =	wrdreg $0xFFFFFFFF  }
0xaf: {  	[dreg:$0x0] =	wrdreg $0x60  }
0xb0: {  	[dreg:$0x2] =	wrdreg s4  }
0xb1: {  	[dreg:$0x3] =	wrdreg s24  }
0xb2: {  	[dreg:$0x4] =	wrdreg s2  }
0xb3: {  	[dreg:$0x5] =	wrdreg s18  }
0xb4: {  	[dreg:$0x6] =	wrdreg $0x9  }
0xb5: {  	_ =	task.clear_ibuf [dreg:s9], $0x7FFFF;
	_ =	strace $0x90000046  }
0xb6: {  	s29 =	simm.s32 $0x9;
	_ =	strace $0x80000048  }
0xb7: {  	_ =	swait.ge [sflag:s29], $0x1  }
0xb8: {  	[sflag:s29] =	ssyncadd.s32 $0xFFFFFFFF  }
0xb9: {  	_ =	strace $0x90000048  }
0xba: {  	_ =	sfence  }
0xbb: {  	s30 =	sld [smem:$0x0];
	_ =	sdelay $0x2  }
0xbc: {  	s31 =	sshll.u32 s1, $0xD;
	s1 =	sshrl.u32 s1, $0x2  }
0xbd: {  	s3 =	sand.u32 $0x4000, s31;
	s1 =	sadd.s32 s1, s30  }
0xbe: {  	s0 =	sor.u32 s3, s0;
	s1 =	sshll.u32 s1, $0x11  }
0xbf: {  	s0 =	sor.u32 s1, s0  }
0xc0: {  	s0 =	sadd.s32 $0x8F2B, s0  }
0xc1: {  	[sflag:s0] =	ssyncadd.remote.s32 $0x1  }
0xc2: {  	_ =	sfence.sel $0xFFFF  }
0xc3: {  	[dreg:$0x0] =	wrdreg $0xFFFFFFFF;
	(pc) =	sbr.abs _section_cstart, $3  }
0xc4: {  	[dreg:$0x1] =	wrdreg $0xFFFFFFFF  }
0xc5: {  	_ =	task.clear_ibuf [dreg:s9], $0x2FFFF;
	_ =	strace $0x9FFFFFFF  }
0xc6: {  	(tm) =	ssettm $0x7FFFFFFF  }
0xc7: {  	_ =	shalt  }
tec
execute0_lowered:
.L_overlay_start_1:
0x0: {  	(tag) =	ssettag $0x1  }
0x1: {  	s0 =	rddreg [dreg:$0x0]  }
0x2: {  	s1 =	rddreg [dreg:$0x1]  }
0x3: {  	s2 =	rddreg [dreg:$0x2]  }
0x4: {  	s3 =	rddreg [dreg:$0x3]  }
0x5: {  	s4 =	srdreg.scid;
	s6 =	stileid.u32;
	s13 =	simm.s32 $0x280  }
0x6: {  	s14 =	simm.s32 $0x10480;
	s15 =	simm.s32 $0x400;
	s18 =	simm.s32 $0x480  }
0x7: {  	s19 =	simm.s32 $0x80;
	s23 =	simm.s32 $0x8480;
	s24 =	simm.s32 $0xC480  }
0x8: {  	s25 =	simm.s32 $0x9;
	s26 =	simm.s32 $0x0;
	s5 =	sand.u32 $0x1, s4  }
0x9: {  	s4 =	simm.s32 $0x0;
	s6 =	sshll.u32 s6, $0x7;
	s29 =	sadd.s32 $0xA00, s1  }
0xa: {  	s30 =	sadd.s32 $0x800, s1;
	s8 =	sadd.s32 $0x41C00, s1;
	[smem:$0x7FF] =	sst s4  }
0xb: {  	s7 =	sshll.u32 s5, $0x6;
	_ =	strace $0x80000047;
	[dreg:$0x5] =	wrdreg s29  }
0xc: {  	v0 =	vlaneseq.u32;
	s11 =	ssub.s32 $0x2, s5;
	s9 =	sor.u32 s7, s6;
	[dreg:$0x6] =	wrdreg s30  }
0xd: {  	v1 =	vmul.u32 $0x80, v0;
	s12 =	sshrl.u32 s11, $0x1;
	s7 =	sadd.s32 $0x1C00, s1;
	s10 =	sadd.s32 s9, s1  }
0xe: {  	s31 =	ssub.s32 s11, s12;
	s0 =	sadd.s32 s0, s9;
	s12 =	simm.s32 $0xA  }
0xf: {  	v3 =	vor.u32 $0x10, v0;
	v2 =	vor.u32 $0x800, v1;
	[dreg:$0x7] =	wrdreg s0;
	s10 =	sadd.s32 $0x1400, s10;
	s11 =	smax.u32 s31, $0x1  }
.LBB2_1:
0x10: {  	s0 =	rddreg [dreg:$0x7]  }
0x11: {  	[tilespmem:s4], [sflag:$0xA] =	stream.linear.gather [hbm4b:s0+s4], $0x200, $0x38;
	[tilespmem:$0x19480] =	vst v63  }
0x12: {  	_ =	swait.ge [sflag:s12], $0x200  }
0x13: {  	[sflag:s12] =	ssyncset.done $0x0  }
0x14: {  	[sflag:s12] =	ssyncadd.s32 $0xFFFFFE00  }
0x15: {  	[tilespmem:s13], [sflag:$0xA] =	stream.linear.gather [hbm4b:s10+s4], $0x200, $0x38;
	[tilespmem:$0x19480] =	vst v63  }
0x16: {  	_ =	swait.ge [sflag:s12], $0x200  }
0x17: {  	[sflag:s12] =	ssyncset.done $0x0  }
0x18: {  	s21 =	rddreg [dreg:$0x5];
	[sflag:s12] =	ssyncadd.s32 $0xFFFFFE00  }
0x19: {  	[tilespmem:s14], [sflag:$0xA] =	stream.linear.gather [hbm4b:s21+s4], $0x1000, $0x38;
	[tilespmem:$0x19480] =	vst v63  }
0x1a: {  	_ =	swait.ge [sflag:s12], $0x1000  }
0x1b: {  	[sflag:s12] =	ssyncset.done $0x0  }
0x1c: {  	s22 =	simm.s32 $0x0;
	[sflag:s12] =	ssyncadd.s32 $0xFFFFF000  }
0x1d: {  	v4 =	vld [tilespmem:s22+$0x0];
	_ =	sdelay $0x4  }
0x1e: {  	(v2sf) =	vpush v4, $0x0  }
0x1f: {  	s28 =	simm.s32 $0x1  }
0x20: {  	v4 =	vld [tilespmem:s28+$0x0];
	_ =	sdelay $0x4  }
0x21: {  	(v2sf) =	vpush v4, $0x0;
	_ =	sdelay $0x2  }
0x22: {  	s29 =	simm.s32 $0x2  }
0x23: {  	v5 =	vld [tilespmem:s29+$0x0];
	_ =	sdelay $0x3  }
0x24: {  	s1 =	spop (v2sf)  }
0x25: {  	(v2sf) =	vpush v5, $0x0;
	s30 =	sand.u32 $0x7F, s1  }
0x26: {  	s16 =	sshra.s32 s1, $0x1F;
	p0 =	slt.s32 s1, $0x1;
	p1 =	sne.s32 s30, $0x0  }
0x27: {  	s17 =	simm.s32 $0x1;
	s16 =	sshrl.u32 s16, $0x19;
	p0 =	por !p0, !p1  }
0x28: {  	s31 =	simm.s32 $0x3;
	s1 =	sadd.s32 s16, s1;
	p0 =	por !p0, !p0  }
0x29: {  	s0 =	simm.s32 $0xFFFFFFFF;
	v4 =	vld [tilespmem:s31+$0x0];
	s1 =	sshrl.u32 s1, $0x7;
	s17 =	simm.s32 @!p0 $0x0  }
0x2a: {  	s16 =	simm.s32 $0x10;
	s17 =	ssub.s32 s1, s17;
	s1 =	simm.s32 $0x0  }
.LBB2_2:
0x2b: {  	s28 =	sshra.s32 s16, $0x2;
	s29 =	spop (v2sf);
	s30 =	sshll.u32 s17, $0x7  }
0x2c: {  	s31 =	smov.u32 s1;
	s16 =	sadd.s32 $0x4, s16;
	s17 =	sshra.s32 s29, $0x1F  }
0x2d: {  	p0 =	slt.s32 s29, $0x1;
	p1 =	slt.s32 s30, $0xF4180;
	s5 =	sand.u32 $0x7F, s29  }
0x2e: {  	(v2sf) =	vpush v4, $0x0;
	s17 =	sshrl.u32 s17, $0x19;
	s30 =	simm.s32 @!p1 $0xF4180;
	p1 =	sne.s32 s5, $0x0  }
0x2f: {  	s5 =	simm.s32 $0x1;
	p0 =	por !p0, !p1;
	p1 =	sne.s32 s16, $0x800  }
.Ltmp0:
0x30: {  	s17 =	sadd.s32 s17, s29;
	p2 =	sne.s32 s30, s0;
	(pc) =	sbr.rel @p1 .LBB2_2-.Ltmp0, $4  }
0x31: {  	v4 =	vld [tilespmem:s28+$0x0];
	s5 =	simm.s32 @!p2 $0x0;
	p0 =	por !p0, !p0  }
0x32: {  	s1 =	sadd.s32 s5, s1;
	s5 =	sshrl.u32 s17, $0x7;
	s17 =	simm.s32 $0x1  }
0x33: {  	s17 =	simm.s32 @!p0 $0x0;
	p0 =	seq.s32 s30, s0  }
0x34: {  	s0 =	smov.u32 s30;
	s17 =	ssub.s32 s5, s17;
	[smem:s31] =	sst @!p0 s30  }
0x35: {  	_ = 	snop  }
0x36: {  	(v2sf) =	vpush v4, $0x0;
	_ =	sdelay $0x2  }
0x37: {  	s5 =	spop (v2sf);
	s16 =	sshll.u32 s17, $0x7  }
0x38: {  	s21 =	sshra.s32 s5, $0x1F;
	p0 =	slt.s32 s5, $0x1;
	p1 =	slt.s32 s16, $0xF4180  }
0x39: {  	s28 =	sand.u32 $0x7F, s5;
	s17 =	sshrl.u32 s21, $0x19;
	s16 =	simm.s32 @!p1 $0xF4180  }
0x3a: {  	p6 =	sne.s32 s28, $0x0;
	s28 =	simm.s32 $0x1;
	p2 =	sne.s32 s16, s0  }
0x3b: {  	s5 =	sadd.s32 s17, s5;
	p0 =	por !p0, !p6;
	s28 =	simm.s32 @!p2 $0x0  }
0x3c: {  	p0 =	por !p0, !p0;
	s17 =	sadd.s32 s28, s1;
	s28 =	simm.s32 $0x1  }
0x3d: {  	s5 =	sshrl.u32 s5, $0x7;
	s28 =	simm.s32 @!p0 $0x0;
	p0 =	seq.s32 s16, s0  }
0x3e: {  	s22 =	ssub.s32 s5, s28;
	[smem:s1] =	sst @!p0 s16;
	s29 =	spop (v2sf)  }
0x3f: {  	s0 =	sshll.u32 s22, $0x7;
	s30 =	sshra.s32 s29, $0x1F;
	s28 =	sand.u32 $0x7F, s29  }
0x40: {  	p3 =	slt.s32 s29, $0x1;
	p1 =	slt.s32 s0, $0xF4180;
	p4 =	sne.s32 s28, $0x0  }
0x41: {  	s5 =	sshrl.u32 s30, $0x19;
	s0 =	simm.s32 @!p1 $0xF4180;
	p0 =	por !p3, !p4  }
0x42: {  	s1 =	sadd.s32 s5, s29;
	s5 =	simm.s32 $0x1;
	p0 =	por !p0, !p0  }
0x43: {  	s1 =	sshrl.u32 s1, $0x7;
	s5 =	simm.s32 @!p0 $0x0;
	s28 =	spop (v2sf)  }
0x44: {  	p0 =	sne.s32 s0, s16;
	s1 =	ssub.s32 s1, s5;
	s31 =	sand.u32 $0x7F, s28  }
0x45: {  	s29 =	sshra.s32 s28, $0x1F;
	p5 =	slt.s32 s28, $0x1;
	p6 =	sne.s32 s31, $0x0  }
0x46: {  	s5 =	simm.s32 $0x1;
	s29 =	sshrl.u32 s29, $0x19;
	p1 =	por !p5, !p6  }
0x47: {  	s28 =	sadd.s32 s29, s28;
	s29 =	simm.s32 $0x1;
	p1 =	por !p1, !p1  }
0x48: {  	s5 =	simm.s32 @!p0 $0x0;
	s28 =	sshrl.u32 s28, $0x7;
	s29 =	simm.s32 @!p1 $0x0  }
0x49: {  	s1 =	sshll.u32 s1, $0x7;
	p0 =	seq.s32 s0, s16;
	s28 =	ssub.s32 s28, s29  }
0x4a: {  	s5 =	sadd.s32 s5, s17;
	p1 =	slt.s32 s1, $0xF4180;
	s16 =	sshll.u32 s28, $0x7  }
0x4b: {  	[smem:s17] =	sst @!p0 s0;
	s1 =	simm.s32 @!p1 $0xF4180;
	p0 =	slt.s32 s16, $0xF4180  }
0x4c: {  	s17 =	simm.s32 $0x1;
	p1 =	sne.s32 s1, s0;
	s16 =	simm.s32 @!p0 $0xF4180  }
0x4d: {  	s28 =	simm.s32 $0x1;
	s17 =	simm.s32 @!p1 $0x0;
	p0 =	sne.s32 s16, s1  }
0x4e: {  	p1 =	seq.s32 s1, s0;
	s17 =	sadd.s32 s17, s5;
	s28 =	simm.s32 @!p0 $0x0  }
0x4f: {  	[smem:s5] =	sst @!p1 s1;
	p0 =	seq.s32 s16, s1;
	s28 =	sadd.s32 s28, s17  }
0x50: {  	[smem:s17] =	sst @!p0 s16;
	p0 =	slt.s32 s28, $0x1  }
0x51: {  	s0 =	sld @!p0 [smem:$0x0];
	_ =	sdelay $0x1  }
0x52: {  	s5 =	simm.s32 @!p0 $0x400  }
0x53: {  	p1 =	seq.s32 @!p0 s28, $0x1;
	s16 =	simm.s32 @!p0 $0x7A1400;
	s0 =	sand.u32 @!p0 $0xFFFFF80, s0  }
0x54: {  	s17 =	simm.s32 @!p0 $0x11480;
	p1 =	por p0, p1;
	s0 =	sadd.s32 @!p0 s2, s0  }
0x55: {  	[tilespmem:s17], [sflag:$0x1] =	stream.strided.gather @!p0 [hbm4b:s0+s5], $0x1000, s16, s5, $0x38;
	[tilespmem:$0x19480] =	vst v63  }
0x56: {  	p0 =	slt.u32 @!p1 s28, $0x3  }
0x57: {  	s1 =	sld @!p1 [smem:$0x1];
	p0 =	por p1, p0  }
.Ltmp1:
0x58: {  	_ = 	snop;
	(pc) =	sbr.rel @p0 .LBB2_5-.Ltmp1, $4  }
0x59: {  	_ = 	snop  }
0x5a: {  	s0 =	sand.u32 @!p1 $0xFFFFF80, s1;
	s1 =	simm.s32 @!p1 $0x400  }
0x5b: {  	s5 =	simm.s32 @!p1 $0x7A1400;
	s16 =	simm.s32 @!p1 $0x12480;
	s0 =	sadd.s32 @!p1 s2, s0  }
0x5c: {  	[tilespmem:s16], [sflag:$0x2] =	stream.strided.gather @!p1 [hbm4b:s0+s1], $0x1000, s5, s1, $0x38;
	[tilespmem:$0x19480] =	vst v63  }
0x5d: {  	s0 =	sld [smem:$0x2]  }
0x5e: {  	p0 =	seq.s32 s28, $0x3  }
0x5f: {  	s5 =	simm.s32 $0x7A1400;
	p2 =	slt.u32 @!p0 s28, $0x5  }
0x60: {  	s1 =	sld @!p0 [smem:$0x3];
	p3 =	por p2, p0;
	s0 =	sand.u32 $0xFFFFF80, s0  }
0x61: {  	s6 =	simm.s32 $0x13480;
	p4 =	seq.s32 @!p3 s28, $0x5;
	s0 =	sadd.s32 s2, s0  }
0x62: {  	[tilespmem:s6], [sflag:$0x3] =	stream.strided.gather [hbm4b:s0+s15], $0x1000, s5, s15, $0x38;
	[tilespmem:$0x19480] =	vst v63  }
0x63: {  	s16 =	simm.s32 @!p0 $0x14480;
	p1 =	por @!p0 p4, p2;
	s0 =	sand.u32 @!p0 $0xFFFFF80, s1  }
0x64: {  	s1 =	simm.s32 @!p0 $0x400;
	s5 =	simm.s32 @!p0 $0x7A1400;
	s0 =	sadd.s32 @!p0 s2, s0  }
0x65: {  	[tilespmem:s16], [sflag:$0x4] =	stream.strided.gather @!p0 [hbm4b:s0+s1], $0x1000, s5, s1, $0x38;
	[tilespmem:$0x19480] =	vst v63  }
0x66: {  	p1 =	por p1, p0;
	s0 =	sld @!p3 [smem:$0x4]  }
0x67: {  	p5 =	slt.u32 @!p1 s28, $0x7  }
0x68: {  	s17 =	sld @!p1 [smem:$0x5];
	p4 =	por @!p3 p5, p4;
	s1 =	simm.s32 @!p3 $0x400  }
0x69: {  	s5 =	simm.s32 @!p3 $0x7A1400;
	p2 =	por @!p0 p4, p2;
	s0 =	sand.u32 @!p3 $0xFFFFF80, s0  }
0x6a: {  	s16 =	simm.s32 @!p3 $0x15480;
	p0 =	por p2, p0;
	s0 =	sadd.s32 @!p3 s2, s0  }
0x6b: {  	[tilespmem:s16], [sflag:$0x5] =	stream.strided.gather @!p3 [hbm4b:s0+s1], $0x1000, s5, s1, $0x38;
	[tilespmem:$0x19480] =	vst v63  }
0x6c: {  	s0 =	sand.u32 @!p1 $0xFFFFF80, s17;
	s1 =	sld @!p0 [smem:$0x6];
	s5 =	simm.s32 @!p1 $0x400  }
0x6d: {  	s16 =	simm.s32 @!p1 $0x7A1400;
	s17 =	simm.s32 @!p1 $0x16480;
	s0 =	sadd.s32 @!p1 s2, s0  }
0x6e: {  	[tilespmem:s17], [sflag:$0x6] =	stream.strided.gather @!p1 [hbm4b:s0+s5], $0x1000, s16, s5, $0x38;
	[tilespmem:$0x19480] =	vst v63  }
0x6f: {  	s5 =	simm.s32 @!p0 $0x7A1400;
	s0 =	sand.u32 @!p0 $0xFFFFF80, s1  }
0x70: {  	s16 =	simm.s32 @!p0 $0x17480;
	s1 =	simm.s32 @!p0 $0x400;
	s0 =	sadd.s32 @!p0 s2, s0  }
0x71: {  	[tilespmem:s16], [sflag:$0x7] =	stream.strided.gather @!p0 [hbm4b:s0+s1], $0x1000, s5, s1, $0x38;
	[tilespmem:$0x19480] =	vst v63  }
.LBB2_5:
0x72: {  	s29 =	simm.s32 $0x0  }
0x73: {  	v4 =	vld [tilespmem:s29+$0x0];
	_ =	sdelay $0x4  }
0x74: {  	(v2sf) =	vpush v4, $0x0;
	_ =	sdelay $0xe  }
0x75: {  	s0 =	spop (v2sf)  }
0x76: {  	s1 =	sand.u32 $0x7F, s0  }
0x77: {  	s5 =	sshra.s32 s0, $0x1F;
	p0 =	slt.s32 s0, $0x1;
	p1 =	sne.s32 s1, $0x0  }
0x78: {  	s21 =	sshrl.u32 s5, $0x19;
	p0 =	por !p0, !p1  }
0x79: {  	s5 =	simm.s32 $0x1;
	s1 =	sadd.s32 s21, s0;
	p0 =	por !p0, !p0  }
0x7a: {  	s1 =	sshrl.u32 s1, $0x7;
	s5 =	simm.s32 @!p0 $0x0  }
0x7b: {  	s1 =	ssub.s32 s1, s5  }
0x7c: {  	s31 =	sshll.u32 s1, $0x7  }
0x7d: {  	p0 =	slt.s32 s31, $0xF4180  }
0x7e: {  	s31 =	simm.s32 @!p0 $0xF4180  }
0x7f: {  	s1 =	simm.s32 $0x1;
	p0 =	sne.s32 s31, $0xFFFFFFFF  }
0x80: {  	s1 =	simm.s32 @!p0 $0x0  }
0x81: {  	s30 =	sadd.s32 $0xFFFFFFFF, s1  }
0x82: {  	s1 =	sshra.s32 s30, $0x1F  }
0x83: {  	s1 =	sshrl.u32 s1, $0x1D  }
0x84: {  	p1 =	seq.s32 s31, $0xFFFFFFFF;
	s1 =	sadd.s32 s1, s30  }
0x85: {  	s5 =	sadd.s32 @!p1 $0x7, s30;
	s1 =	sand.u32 $0xFFFFFFF8, s1  }
0x86: {  	s16 =	sadd.s32 $0xFFF0BE00, s0;
	p0 =	sge.s32 @!p1 s5, s28;
	s1 =	ssub.s32 s30, s1  }
0x87: {  	p2 =	sgt.s32 s16, $0x0;
	p0 =	por p0, p1;
	s17 =	sadd.s32 @!p1 $0x1, s1  }
0x88: {  	s16 =	simm.s32 @!p2 $0x0;
	s6 =	sshra.s32 @!p0 s5, $0x1F;
	_ =	swait.ge @!p1 [sflag:s17], $0x1000  }
0x89: {  	s16 =	smin.u32 s16, $0x3F;
	s6 =	sshrl.u32 @!p0 s6, $0x1D;
	[sflag:s17] =	ssyncset.done @!p1 $0x0  }
0x8a: {  	s20 =	ssub.s32 s0, s31;
	s6 =	sadd.s32 @!p0 s6, s5;
	[sflag:s17] =	ssyncadd.s32 @!p1 $0xFFFFF000  }
0x8b: {  	s6 =	sand.u32 @!p0 $0xFFFFFFF8, s6;
	p1 =	slt.s32 s20, $0x7F;
	s17 =	sld @!p0 [smem:s5+$0x0]  }
0x8c: {  	v4 =	vor.u32 s16, v2;
	s20 =	simm.s32 @!p1 $0x7F;
	s5 =	ssub.s32 @!p0 s5, s6  }
0x8d: {  	s21 =	simm.s32 @!p0 $0x7A1400;
	s9 =	simm.s32 @!p0 $0x400;
	s6 =	sshll.u32 @!p0 s5, $0xE;
	v5 =	vadd.s32 s20, v2  }
0x8e: {  	s1 =	sshll.u32 s1, $0xE;
	v6 =	vadd.s32 s20, v1;
	s6 =	sshra.s32 @!p0 s6, $0x2;
	s17 =	sand.u32 @!p0 $0xFFFFF80, s17  }
0x8f: {  	v7 =	vor.u32 s16, v1;
	s5 =	sadd.s32 @!p0 $0x1, s5;
	s6 =	sadd.s32 @!p0 $0x11480, s6;
	s17 =	sadd.s32 @!p0 s2, s17  }
0x90: {  	[tilespmem:s6], [sflag:s5] =	stream.strided.gather @!p0 [hbm4b:s17+s9], $0x1000, s21, s9, $0x38;
	[tilespmem:$0x19480] =	vst v63  }
0x91: {  	s1 =	sshra.s32 s1, $0x2;
	v8 =	vld.idx.msk [tilespmem:v4+s14+$0x0], $0xffff  }
0x92: {  	v9 =	vld.idx.msk [tilespmem:v5+s1+$0x11480], $0xffff  }
0x93: {  	v4 =	vld.idx.msk [tilespmem:v6+s1+$0x11480], $0xffff  }
0x94: {  	s22 =	simm.s32 $0x0;
	v5 =	vld.idx.msk [tilespmem:v7+s14+$0x0], $0xffff  }
0x95: {  	v6 =	vor.u32 s22, v0  }
0x96: {  	p1 =	sgt.s32 s0, $0xF41FF;
	v7 =	vor.u32 s22, v3  }
0x97: {  	s0 =	simm.s32 $0x1;
	v8 =	vpsel p1, v8, v9  }
.LBB2_6:
0x98: {  	s29 =	sadd.s32 $0x1, s29;
	s1 =	smov.u32 s0;
	s0 =	sadd.s32 $0x1, s0  }
0x99: {  	v4 =	vpsel p1, v5, v4;
	s17 =	smov.u32 s31;
	p0 =	sne.s32 s0, $0x200  }
0x9a: {  	[tilespmem:v6+s18+$0x0] =	vst.idx.msk $0xffff, v4  }
0x9b: {  	[tilespmem:v7+s18+$0x0] =	vst.idx.msk $0xffff, v8  }
0x9c: {  	v4 =	vld [tilespmem:s29+$0x0];
	_ =	sdelay $0x4  }
0x9d: {  	(v2sf) =	vpush v4, $0x0;
	_ =	sdelay $0xe  }
0x9e: {  	s16 =	spop (v2sf)  }
0x9f: {  	s5 =	sshra.s32 s16, $0x1F;
	s6 =	sand.u32 $0x7F, s16;
	s9 =	sadd.s32 $0xFFF0BE00, s16  }
0xa0: {  	p1 =	slt.s32 s16, $0x1;
	s5 =	sshrl.u32 s5, $0x19;
	p2 =	sne.s32 s6, $0x0  }
0xa1: {  	s5 =	sadd.s32 s5, s16;
	p1 =	por !p1, !p2;
	p2 =	sgt.s32 s9, $0x0  }
0xa2: {  	s6 =	simm.s32 $0x1;
	p1 =	por !p1, !p1;
	s9 =	simm.s32 @!p2 $0x0  }
0xa3: {  	s5 =	sshrl.u32 s5, $0x7;
	s6 =	simm.s32 @!p1 $0x0;
	s9 =	smin.u32 s9, $0x3F  }
0xa4: {  	s5 =	ssub.s32 s5, s6  }
0xa5: {  	s31 =	sshll.u32 s5, $0x7  }
0xa6: {  	p1 =	slt.s32 s31, $0xF4180  }
0xa7: {  	s31 =	simm.s32 @!p1 $0xF4180  }
0xa8: {  	s6 =	simm.s32 $0x1;
	p1 =	sne.s32 s31, s17;
	s5 =	ssub.s32 s16, s31  }
0xa9: {  	s6 =	simm.s32 @!p1 $0x0;
	p1 =	slt.s32 s5, $0x7F  }
0xaa: {  	s30 =	sadd.s32 s6, s30;
	s5 =	simm.s32 @!p1 $0x7F  }
0xab: {  	s6 =	sshra.s32 s30, $0x1F  }
0xac: {  	s6 =	sshrl.u32 s6, $0x1D  }
0xad: {  	p2 =	seq.s32 s31, s17;
	s6 =	sadd.s32 s6, s30  }
0xae: {  	s17 =	sadd.s32 @!p2 $0x7, s30;
	s6 =	sand.u32 $0xFFFFFFF8, s6  }
0xaf: {  	p1 =	sge.s32 @!p2 s17, s28;
	s6 =	ssub.s32 s30, s6  }
0xb0: {  	p1 =	por p1, p2;
	s20 =	sadd.s32 @!p2 $0x1, s6;
	s6 =	sshll.u32 s6, $0xE  }
0xb1: {  	s21 =	sshra.s32 @!p1 s17, $0x1F;
	_ =	swait.ge @!p2 [sflag:s20], $0x1000  }
0xb2: {  	s21 =	sshrl.u32 @!p1 s21, $0x1D;
	[sflag:s20] =	ssyncset.done @!p2 $0x0  }
0xb3: {  	[sflag:s20] =	ssyncadd.s32 @!p2 $0xFFFFF000;
	s20 =	sadd.s32 @!p1 s21, s17  }
0xb4: {  	s21 =	sld @!p1 [smem:s17+$0x0];
	s20 =	sand.u32 @!p1 $0xFFFFFFF8, s20  }
0xb5: {  	v4 =	vor.u32 s9, v2;
	s17 =	ssub.s32 @!p1 s17, s20  }
0xb6: {  	v5 =	vadd.s32 s5, v2;
	s20 =	sshll.u32 @!p1 s17, $0xE;
	s17 =	sadd.s32 @!p1 $0x1, s17  }
0xb7: {  	v7 =	vor.u32 s9, v1;
	v6 =	vadd.s32 s5, v1;
	s22 =	simm.s32 @!p1 $0x7A1400;
	s21 =	sand.u32 @!p1 $0xFFFFF80, s21;
	s20 =	sshra.s32 @!p1 s20, $0x2  }
0xb8: {  	s5 =	sadd.s32 @!p1 $0x11480, s20;
	s9 =	sadd.s32 @!p1 s2, s21;
	s20 =	simm.s32 @!p1 $0x400  }
0xb9: {  	[tilespmem:s5], [sflag:s17] =	stream.strided.gather @!p1 [hbm4b:s9+s20], $0x1000, s22, s20, $0x38;
	[tilespmem:$0x19480] =	vst v63  }
0xba: {  	s5 =	sshra.s32 s6, $0x2;
	v8 =	vld.idx.msk [tilespmem:v4+s14+$0x0], $0xffff  }
0xbb: {  	v9 =	vld.idx.msk [tilespmem:v5+s5+$0x11480], $0xffff  }
0xbc: {  	v4 =	vld.idx.msk [tilespmem:v6+s5+$0x11480], $0xffff  }
.Ltmp2:
0xbd: {  	s1 =	sshll.u32 s1, $0x7;
	v5 =	vld.idx.msk [tilespmem:v7+s14+$0x0], $0xffff;
	(pc) =	sbr.rel @p0 .LBB2_6-.Ltmp2, $4  }
0xbe: {  	v6 =	vor.u32 s1, v0  }
0xbf: {  	v7 =	vor.u32 s1, v3  }
0xc0: {  	p1 =	sgt.s32 s16, $0xF41FF  }
0xc1: {  	v8 =	vpsel p1, v8, v9  }
0xc2: {  	_ =	sdelay $0x2  }
0xc3: {  	v4 =	vpsel p1, v5, v4  }
0xc4: {  	[tilespmem:v6+s18+$0x0] =	vst.idx.msk $0xffff, v4  }
0xc5: {  	[tilespmem:v7+s18+$0x0] =	vst.idx.msk $0xffff, v8  }
0xc6: {  	[hbm4b:s7+s19] =	stream.indirect.scatter [tilespmem:s18], [sflag:$0x9], $0x80, s13, s19, $0xb8;
	[tilespmem:$0x19480] =	vst v63  }
0xc7: {  	s0 =	simm.s32 $0x300;
	s1 =	simm.s32 $0x4480  }
0xc8: {  	[hbm4b:s7+s19] =	stream.indirect.scatter [tilespmem:s1], [sflag:$0x9], $0x80, s0, s19, $0xb8;
	[tilespmem:$0x19480] =	vst v63  }
0xc9: {  	s17 =	simm.s32 $0x380  }
0xca: {  	[hbm4b:s7+s19] =	stream.indirect.scatter [tilespmem:s23], [sflag:$0x9], $0x80, s17, s19, $0xb8;
	[tilespmem:$0x19480] =	vst v63  }
0xcb: {  	_ = 	snop  }
0xcc: {  	[hbm4b:s7+s19] =	stream.indirect.scatter [tilespmem:s24], [sflag:$0x9], $0x80, s15, s19, $0xb8;
	[tilespmem:$0x19480] =	vst v63  }
0xcd: {  	_ =	swait.ge [sflag:s25], $0x4000  }
0xce: {  	[sflag:s25] =	ssyncset.done $0x0  }
0xcf: {  	[sflag:s25] =	ssyncadd.s32 $0xFFFFC000  }
0xd0: {  	_ =	swait.ge [sflag:s25], $0x4000  }
0xd1: {  	[sflag:s25] =	ssyncset.done $0x0  }
0xd2: {  	[sflag:s25] =	ssyncadd.s32 $0xFFFFC000  }
0xd3: {  	_ =	swait.ge [sflag:s25], $0x4000  }
0xd4: {  	[sflag:s25] =	ssyncset.done $0x0  }
0xd5: {  	[sflag:s25] =	ssyncadd.s32 $0xFFFFC000  }
0xd6: {  	_ =	swait.ge [sflag:s25], $0x4000  }
0xd7: {  	[sflag:s25] =	ssyncset.done $0x0  }
0xd8: {  	s0 =	simm.s32 $0x0;
	s20 =	rddreg [dreg:$0x6];
	[sflag:s25] =	ssyncadd.s32 $0xFFFFC000  }
0xd9: {  	[tilespmem:s14], [sflag:$0xA] =	stream.linear.gather [hbm4b:s20+s0], $0x1000, $0x38;
	[tilespmem:$0x19480] =	vst v63  }
0xda: {  	_ =	swait.ge [sflag:s12], $0x1000  }
0xdb: {  	[sflag:s12] =	ssyncset.done $0x0  }
0xdc: {  	s21 =	simm.s32 $0x0;
	[sflag:s12] =	ssyncadd.s32 $0xFFFFF000  }
0xdd: {  	v4 =	vld [tilespmem:s21+$0x0];
	_ =	sdelay $0x4  }
0xde: {  	(v2sf) =	vpush v4, $0x0;
	_ =	sdelay $0x1  }
0xdf: {  	s22 =	simm.s32 $0x1  }
0xe0: {  	v4 =	vld [tilespmem:s22+$0x0];
	_ =	sdelay $0x4  }
0xe1: {  	(v2sf) =	vpush v4, $0x0;
	_ =	sdelay $0x2  }
0xe2: {  	s28 =	simm.s32 $0x2  }
0xe3: {  	v5 =	vld [tilespmem:s28+$0x0];
	_ =	sdelay $0x2  }
0xe4: {  	s5 =	spop (v2sf)  }
0xe5: {  	s29 =	sand.u32 $0x7F, s5  }
0xe6: {  	(v2sf) =	vpush v5, $0x0;
	s6 =	sshra.s32 s5, $0x1F;
	p0 =	slt.s32 s5, $0x1;
	p6 =	sne.s32 s29, $0x0  }
0xe7: {  	s31 =	simm.s32 $0x3;
	s30 =	sshrl.u32 s6, $0x19;
	p0 =	por !p0, !p6  }
0xe8: {  	s1 =	sadd.s32 s30, s5;
	s5 =	simm.s32 $0x1;
	p0 =	por !p0, !p0  }
0xe9: {  	v4 =	vld [tilespmem:s31+$0x0];
	s9 =	sshrl.u32 s1, $0x7;
	s5 =	simm.s32 @!p0 $0x0  }
0xea: {  	s16 =	simm.s32 $0x10;
	s1 =	simm.s32 $0xFFFFFFFF;
	s17 =	ssub.s32 s9, s5  }
.LBB2_8:
0xeb: {  	s5 =	sshra.s32 s16, $0x2  }
0xec: {  	s6 =	spop (v2sf);
	s9 =	sshll.u32 s17, $0x7;
	s20 =	smov.u32 s0  }
0xed: {  	s16 =	sadd.s32 $0x4, s16;
	s17 =	sshra.s32 s6, $0x1F;
	p0 =	slt.s32 s6, $0x1  }
0xee: {  	(v2sf) =	vpush v4, $0x0;
	p1 =	slt.s32 s9, $0xF4180;
	s21 =	sand.u32 $0x7F, s6;
	s17 =	sshrl.u32 s17, $0x19  }
0xef: {  	s9 =	simm.s32 @!p1 $0xF4180;
	p1 =	sne.s32 s21, $0x0;
	s6 =	sadd.s32 s17, s6  }
0xf0: {  	p2 =	sne.s32 s9, s1;
	p0 =	por !p0, !p1;
	p1 =	sne.s32 s16, $0x800  }
.Ltmp3:
0xf1: {  	v4 =	vld [tilespmem:s5+$0x0];
	s5 =	simm.s32 $0x1;
	(pc) =	sbr.rel @p1 .LBB2_8-.Ltmp3, $4  }
0xf2: {  	p0 =	por !p0, !p0;
	s5 =	simm.s32 @!p2 $0x0  }
0xf3: {  	s0 =	sadd.s32 s5, s0;
	s5 =	sshrl.u32 s6, $0x7;
	s6 =	simm.s32 $0x1  }
0xf4: {  	s6 =	simm.s32 @!p0 $0x0;
	p0 =	seq.s32 s9, s1  }
0xf5: {  	s1 =	smov.u32 s9;
	s17 =	ssub.s32 s5, s6;
	[smem:s20] =	sst @!p0 s9  }
0xf6: {  	(v2sf) =	vpush v4, $0x0;
	_ =	sdelay $0x2  }
0xf7: {  	s5 =	spop (v2sf);
	s6 =	sshll.u32 s17, $0x7  }
0xf8: {  	s9 =	sshra.s32 s5, $0x1F;
	p0 =	slt.s32 s5, $0x1;
	p1 =	slt.s32 s6, $0xF4180  }
0xf9: {  	s16 =	sand.u32 $0x7F, s5;
	s9 =	sshrl.u32 s9, $0x19;
	s6 =	simm.s32 @!p1 $0xF4180  }
0xfa: {  	p6 =	sne.s32 s16, $0x0;
	s16 =	simm.s32 $0x1;
	p2 =	sne.s32 s6, s1  }
0xfb: {  	s5 =	sadd.s32 s9, s5;
	p0 =	por !p0, !p6;
	s16 =	simm.s32 @!p2 $0x0  }
0xfc: {  	p0 =	por !p0, !p0;
	s9 =	sadd.s32 s16, s0;
	s16 =	simm.s32 $0x1  }
0xfd: {  	s5 =	sshrl.u32 s5, $0x7;
	s16 =	simm.s32 @!p0 $0x0;
	p0 =	seq.s32 s6, s1  }
0xfe: {  	s17 =	ssub.s32 s5, s16;
	[smem:s0] =	sst @!p0 s6;
	s20 =	spop (v2sf)  }
0xff: {  	s1 =	sshll.u32 s17, $0x7;
	s21 =	sshra.s32 s20, $0x1F;
	s22 =	sand.u32 $0x7F, s20  }
0x100: {  	p3 =	slt.s32 s20, $0x1;
	p1 =	slt.s32 s1, $0xF4180;
	p4 =	sne.s32 s22, $0x0  }
0x101: {  	s5 =	sshrl.u32 s21, $0x19;
	s1 =	simm.s32 @!p1 $0xF4180;
	p0 =	por !p3, !p4  }
0x102: {  	s0 =	sadd.s32 s5, s20;
	s5 =	simm.s32 $0x1;
	p0 =	por !p0, !p0  }
0x103: {  	s0 =	sshrl.u32 s0, $0x7;
	s5 =	simm.s32 @!p0 $0x0;
	s29 =	spop (v2sf)  }
0x104: {  	p0 =	sne.s32 s1, s6;
	s0 =	ssub.s32 s0, s5;
	s30 =	sand.u32 $0x7F, s29  }
0x105: {  	s31 =	sshra.s32 s29, $0x1F;
	p5 =	slt.s32 s29, $0x1;
	p6 =	sne.s32 s30, $0x0  }
0x106: {  	s5 =	simm.s32 $0x1;
	s17 =	sshrl.u32 s31, $0x19;
	p1 =	por !p5, !p6  }
0x107: {  	s16 =	sadd.s32 s17, s29;
	s17 =	simm.s32 $0x1;
	p1 =	por !p1, !p1  }
0x108: {  	s5 =	simm.s32 @!p0 $0x0;
	s16 =	sshrl.u32 s16, $0x7;
	s17 =	simm.s32 @!p1 $0x0  }
0x109: {  	s0 =	sshll.u32 s0, $0x7;
	p0 =	seq.s32 s1, s6;
	s16 =	ssub.s32 s16, s17  }
0x10a: {  	s5 =	sadd.s32 s5, s9;
	p1 =	slt.s32 s0, $0xF4180;
	s6 =	sshll.u32 s16, $0x7  }
0x10b: {  	[smem:s9] =	sst @!p0 s1;
	s0 =	simm.s32 @!p1 $0xF4180;
	p0 =	slt.s32 s6, $0xF4180  }
0x10c: {  	s9 =	simm.s32 $0x1;
	p1 =	sne.s32 s0, s1;
	s6 =	simm.s32 @!p0 $0xF4180  }
0x10d: {  	s16 =	simm.s32 $0x1;
	s9 =	simm.s32 @!p1 $0x0;
	p0 =	sne.s32 s6, s0  }
0x10e: {  	p1 =	seq.s32 s0, s1;
	s9 =	sadd.s32 s9, s5;
	s16 =	simm.s32 @!p0 $0x0  }
0x10f: {  	[smem:s5] =	sst @!p1 s0;
	p0 =	seq.s32 s6, s0;
	s28 =	sadd.s32 s16, s9  }
0x110: {  	[smem:s9] =	sst @!p0 s6;
	p0 =	slt.s32 s28, $0x1  }
0x111: {  	s0 =	sld @!p0 [smem:$0x0];
	_ =	sdelay $0x1  }
0x112: {  	s5 =	simm.s32 @!p0 $0x400  }
0x113: {  	p1 =	seq.s32 @!p0 s28, $0x1;
	s6 =	simm.s32 @!p0 $0x7A1400;
	s0 =	sand.u32 @!p0 $0xFFFFF80, s0  }
0x114: {  	s9 =	simm.s32 @!p0 $0x11480;
	p1 =	por p0, p1;
	s0 =	sadd.s32 @!p0 s3, s0  }
0x115: {  	[tilespmem:s9], [sflag:$0x1] =	stream.strided.gather @!p0 [hbm4b:s0+s5], $0x1000, s6, s5, $0x38;
	[tilespmem:$0x19480] =	vst v63  }
0x116: {  	p0 =	slt.u32 @!p1 s28, $0x3  }
0x117: {  	s1 =	sld @!p1 [smem:$0x1];
	p0 =	por p1, p0  }
.Ltmp4:
0x118: {  	_ = 	snop;
	(pc) =	sbr.rel @p0 .LBB2_11-.Ltmp4, $4  }
0x119: {  	_ = 	snop  }
0x11a: {  	s0 =	sand.u32 @!p1 $0xFFFFF80, s1;
	s1 =	simm.s32 @!p1 $0x400  }
0x11b: {  	s5 =	simm.s32 @!p1 $0x7A1400;
	s6 =	simm.s32 @!p1 $0x12480;
	s0 =	sadd.s32 @!p1 s3, s0  }
0x11c: {  	[tilespmem:s6], [sflag:$0x2] =	stream.strided.gather @!p1 [hbm4b:s0+s1], $0x1000, s5, s1, $0x38;
	[tilespmem:$0x19480] =	vst v63  }
0x11d: {  	s0 =	sld [smem:$0x2]  }
0x11e: {  	p0 =	seq.s32 s28, $0x3  }
0x11f: {  	s5 =	simm.s32 $0x7A1400;
	p2 =	slt.u32 @!p0 s28, $0x5  }
0x120: {  	s1 =	sld @!p0 [smem:$0x3];
	p3 =	por p2, p0;
	s0 =	sand.u32 $0xFFFFF80, s0  }
0x121: {  	s6 =	simm.s32 $0x13480;
	p4 =	seq.s32 @!p3 s28, $0x5;
	s0 =	sadd.s32 s3, s0  }
0x122: {  	[tilespmem:s6], [sflag:$0x3] =	stream.strided.gather [hbm4b:s0+s15], $0x1000, s5, s15, $0x38;
	[tilespmem:$0x19480] =	vst v63  }
0x123: {  	p1 =	por @!p0 p4, p2;
	s0 =	sand.u32 @!p0 $0xFFFFF80, s1;
	s1 =	simm.s32 @!p0 $0x400  }
0x124: {  	s5 =	simm.s32 @!p0 $0x7A1400;
	s6 =	simm.s32 @!p0 $0x14480;
	s0 =	sadd.s32 @!p0 s3, s0  }
0x125: {  	[tilespmem:s6], [sflag:$0x4] =	stream.strided.gather @!p0 [hbm4b:s0+s1], $0x1000, s5, s1, $0x38;
	[tilespmem:$0x19480] =	vst v63  }
0x126: {  	p1 =	por p1, p0;
	s0 =	sld @!p3 [smem:$0x4]  }
0x127: {  	p5 =	slt.u32 @!p1 s28, $0x7  }
0x128: {  	s9 =	sld @!p1 [smem:$0x5];
	p4 =	por @!p3 p5, p4;
	s1 =	simm.s32 @!p3 $0x400  }
0x129: {  	s5 =	simm.s32 @!p3 $0x7A1400;
	p2 =	por @!p0 p4, p2;
	s0 =	sand.u32 @!p3 $0xFFFFF80, s0  }
0x12a: {  	s6 =	simm.s32 @!p3 $0x15480;
	p0 =	por p2, p0;
	s0 =	sadd.s32 @!p3 s3, s0  }
0x12b: {  	[tilespmem:s6], [sflag:$0x5] =	stream.strided.gather @!p3 [hbm4b:s0+s1], $0x1000, s5, s1, $0x38;
	[tilespmem:$0x19480] =	vst v63  }
0x12c: {  	s0 =	sand.u32 @!p1 $0xFFFFF80, s9;
	s1 =	sld @!p0 [smem:$0x6];
	s5 =	simm.s32 @!p1 $0x400  }
0x12d: {  	s6 =	simm.s32 @!p1 $0x7A1400;
	s9 =	simm.s32 @!p1 $0x16480;
	s0 =	sadd.s32 @!p1 s3, s0  }
0x12e: {  	[tilespmem:s9], [sflag:$0x6] =	stream.strided.gather @!p1 [hbm4b:s0+s5], $0x1000, s6, s5, $0x38;
	[tilespmem:$0x19480] =	vst v63  }
0x12f: {  	s5 =	simm.s32 @!p0 $0x7A1400;
	s0 =	sand.u32 @!p0 $0xFFFFF80, s1  }
0x130: {  	s6 =	simm.s32 @!p0 $0x17480;
	s1 =	simm.s32 @!p0 $0x400;
	s0 =	sadd.s32 @!p0 s3, s0  }
0x131: {  	[tilespmem:s6], [sflag:$0x7] =	stream.strided.gather @!p0 [hbm4b:s0+s1], $0x1000, s5, s1, $0x38;
	[tilespmem:$0x19480] =	vst v63  }
.LBB2_11:
0x132: {  	s29 =	simm.s32 $0x0  }
0x133: {  	v4 =	vld [tilespmem:s29+$0x0];
	_ =	sdelay $0x4  }
0x134: {  	(v2sf) =	vpush v4, $0x0;
	_ =	sdelay $0xe  }
0x135: {  	s0 =	spop (v2sf)  }
0x136: {  	s1 =	sand.u32 $0x7F, s0  }
0x137: {  	s5 =	sshra.s32 s0, $0x1F;
	p0 =	slt.s32 s0, $0x1;
	p1 =	sne.s32 s1, $0x0  }
0x138: {  	s21 =	sshrl.u32 s5, $0x19;
	p0 =	por !p0, !p1  }
0x139: {  	s5 =	simm.s32 $0x1;
	s1 =	sadd.s32 s21, s0;
	p0 =	por !p0, !p0  }
0x13a: {  	s1 =	sshrl.u32 s1, $0x7;
	s5 =	simm.s32 @!p0 $0x0  }
0x13b: {  	s1 =	ssub.s32 s1, s5  }
0x13c: {  	s31 =	sshll.u32 s1, $0x7  }
0x13d: {  	p0 =	slt.s32 s31, $0xF4180  }
0x13e: {  	s31 =	simm.s32 @!p0 $0xF4180  }
0x13f: {  	s1 =	simm.s32 $0x1;
	p0 =	sne.s32 s31, $0xFFFFFFFF  }
0x140: {  	s1 =	simm.s32 @!p0 $0x0  }
0x141: {  	s30 =	sadd.s32 $0xFFFFFFFF, s1  }
0x142: {  	s1 =	sshra.s32 s30, $0x1F  }
0x143: {  	s1 =	sshrl.u32 s1, $0x1D  }
0x144: {  	p1 =	seq.s32 s31, $0xFFFFFFFF;
	s1 =	sadd.s32 s1, s30  }
0x145: {  	s5 =	sadd.s32 @!p1 $0x7, s30;
	s1 =	sand.u32 $0xFFFFFFF8, s1  }
0x146: {  	s6 =	sadd.s32 $0xFFF0BE00, s0;
	p0 =	sge.s32 @!p1 s5, s28;
	s1 =	ssub.s32 s30, s1  }
0x147: {  	p2 =	sgt.s32 s6, $0x0;
	p0 =	por p0, p1;
	s9 =	sadd.s32 @!p1 $0x1, s1  }
0x148: {  	s6 =	simm.s32 @!p2 $0x0;
	s16 =	sshra.s32 @!p0 s5, $0x1F;
	_ =	swait.ge @!p1 [sflag:s9], $0x1000  }
0x149: {  	s6 =	smin.u32 s6, $0x3F;
	s16 =	sshrl.u32 @!p0 s16, $0x1D;
	[sflag:s9] =	ssyncset.done @!p1 $0x0  }
0x14a: {  	s17 =	ssub.s32 s0, s31;
	[sflag:s9] =	ssyncadd.s32 @!p1 $0xFFFFF000;
	s9 =	sadd.s32 @!p0 s16, s5  }
0x14b: {  	p1 =	slt.s32 s17, $0x7F;
	s16 =	sld @!p0 [smem:s5+$0x0];
	s9 =	sand.u32 @!p0 $0xFFFFFFF8, s9  }
0x14c: {  	v4 =	vor.u32 s6, v2;
	s17 =	simm.s32 @!p1 $0x7F;
	s5 =	ssub.s32 @!p0 s5, s9  }
0x14d: {  	s20 =	simm.s32 @!p0 $0x7A1400;
	s21 =	simm.s32 @!p0 $0x400;
	v5 =	vadd.s32 s17, v2;
	s9 =	sshll.u32 @!p0 s5, $0xE  }
0x14e: {  	s1 =	sshll.u32 s1, $0xE;
	v6 =	vadd.s32 s17, v1;
	s16 =	sand.u32 @!p0 $0xFFFFF80, s16;
	s9 =	sshra.s32 @!p0 s9, $0x2  }
0x14f: {  	v7 =	vor.u32 s6, v1;
	s5 =	sadd.s32 @!p0 $0x1, s5;
	s9 =	sadd.s32 @!p0 $0x11480, s9;
	s16 =	sadd.s32 @!p0 s3, s16  }
0x150: {  	[tilespmem:s9], [sflag:s5] =	stream.strided.gather @!p0 [hbm4b:s16+s21], $0x1000, s20, s21, $0x38;
	[tilespmem:$0x19480] =	vst v63  }
0x151: {  	s1 =	sshra.s32 s1, $0x2;
	v8 =	vld.idx.msk [tilespmem:v4+s14+$0x0], $0xffff  }
0x152: {  	v9 =	vld.idx.msk [tilespmem:v5+s1+$0x11480], $0xffff  }
0x153: {  	v4 =	vld.idx.msk [tilespmem:v6+s1+$0x11480], $0xffff  }
0x154: {  	s22 =	simm.s32 $0x0;
	v5 =	vld.idx.msk [tilespmem:v7+s14+$0x0], $0xffff  }
0x155: {  	v6 =	vor.u32 s22, v0  }
0x156: {  	p1 =	sgt.s32 s0, $0xF41FF;
	v7 =	vor.u32 s22, v3  }
0x157: {  	s0 =	simm.s32 $0x1;
	v8 =	vpsel p1, v8, v9  }
.LBB2_12:
0x158: {  	s29 =	sadd.s32 $0x1, s29;
	s1 =	smov.u32 s0;
	s0 =	sadd.s32 $0x1, s0  }
0x159: {  	v4 =	vpsel p1, v5, v4;
	s17 =	smov.u32 s31;
	p0 =	sne.s32 s0, $0x200  }
0x15a: {  	[tilespmem:v6+s18+$0x0] =	vst.idx.msk $0xffff, v4  }
0x15b: {  	[tilespmem:v7+s18+$0x0] =	vst.idx.msk $0xffff, v8  }
0x15c: {  	v4 =	vld [tilespmem:s29+$0x0];
	_ =	sdelay $0x4  }
0x15d: {  	(v2sf) =	vpush v4, $0x0;
	_ =	sdelay $0xe  }
0x15e: {  	s16 =	spop (v2sf)  }
0x15f: {  	s5 =	sshra.s32 s16, $0x1F;
	s6 =	sand.u32 $0x7F, s16;
	s9 =	sadd.s32 $0xFFF0BE00, s16  }
0x160: {  	p1 =	slt.s32 s16, $0x1;
	s5 =	sshrl.u32 s5, $0x19;
	p2 =	sne.s32 s6, $0x0  }
0x161: {  	s5 =	sadd.s32 s5, s16;
	p1 =	por !p1, !p2;
	p2 =	sgt.s32 s9, $0x0  }
0x162: {  	s6 =	simm.s32 $0x1;
	p1 =	por !p1, !p1;
	s9 =	simm.s32 @!p2 $0x0  }
0x163: {  	s5 =	sshrl.u32 s5, $0x7;
	s6 =	simm.s32 @!p1 $0x0;
	s9 =	smin.u32 s9, $0x3F  }
0x164: {  	s5 =	ssub.s32 s5, s6  }
0x165: {  	s31 =	sshll.u32 s5, $0x7  }
0x166: {  	p1 =	slt.s32 s31, $0xF4180  }
0x167: {  	s31 =	simm.s32 @!p1 $0xF4180  }
0x168: {  	s6 =	simm.s32 $0x1;
	p1 =	sne.s32 s31, s17;
	s5 =	ssub.s32 s16, s31  }
0x169: {  	s6 =	simm.s32 @!p1 $0x0;
	p1 =	slt.s32 s5, $0x7F  }
0x16a: {  	s30 =	sadd.s32 s6, s30;
	s5 =	simm.s32 @!p1 $0x7F  }
0x16b: {  	s6 =	sshra.s32 s30, $0x1F  }
0x16c: {  	s6 =	sshrl.u32 s6, $0x1D  }
0x16d: {  	p2 =	seq.s32 s31, s17;
	s6 =	sadd.s32 s6, s30  }
0x16e: {  	s17 =	sadd.s32 @!p2 $0x7, s30;
	s6 =	sand.u32 $0xFFFFFFF8, s6  }
0x16f: {  	p1 =	sge.s32 @!p2 s17, s28;
	s6 =	ssub.s32 s30, s6  }
0x170: {  	p1 =	por p1, p2;
	s20 =	sadd.s32 @!p2 $0x1, s6;
	s6 =	sshll.u32 s6, $0xE  }
0x171: {  	s21 =	sshra.s32 @!p1 s17, $0x1F;
	_ =	swait.ge @!p2 [sflag:s20], $0x1000  }
0x172: {  	s21 =	sshrl.u32 @!p1 s21, $0x1D;
	[sflag:s20] =	ssyncset.done @!p2 $0x0  }
0x173: {  	[sflag:s20] =	ssyncadd.s32 @!p2 $0xFFFFF000;
	s20 =	sadd.s32 @!p1 s21, s17  }
0x174: {  	s21 =	sld @!p1 [smem:s17+$0x0];
	s20 =	sand.u32 @!p1 $0xFFFFFFF8, s20  }
0x175: {  	v4 =	vor.u32 s9, v2;
	s17 =	ssub.s32 @!p1 s17, s20  }
0x176: {  	v5 =	vadd.s32 s5, v2;
	s20 =	sshll.u32 @!p1 s17, $0xE;
	s17 =	sadd.s32 @!p1 $0x1, s17  }
0x177: {  	v7 =	vor.u32 s9, v1;
	v6 =	vadd.s32 s5, v1;
	s22 =	simm.s32 @!p1 $0x7A1400;
	s21 =	sand.u32 @!p1 $0xFFFFF80, s21;
	s20 =	sshra.s32 @!p1 s20, $0x2  }
0x178: {  	s5 =	sadd.s32 @!p1 $0x11480, s20;
	s9 =	sadd.s32 @!p1 s3, s21;
	s20 =	simm.s32 @!p1 $0x400  }
0x179: {  	[tilespmem:s5], [sflag:s17] =	stream.strided.gather @!p1 [hbm4b:s9+s20], $0x1000, s22, s20, $0x38;
	[tilespmem:$0x19480] =	vst v63  }
0x17a: {  	s5 =	sshra.s32 s6, $0x2;
	v8 =	vld.idx.msk [tilespmem:v4+s14+$0x0], $0xffff  }
0x17b: {  	v9 =	vld.idx.msk [tilespmem:v5+s5+$0x11480], $0xffff  }
0x17c: {  	v4 =	vld.idx.msk [tilespmem:v6+s5+$0x11480], $0xffff  }
.Ltmp5:
0x17d: {  	s1 =	sshll.u32 s1, $0x7;
	v5 =	vld.idx.msk [tilespmem:v7+s14+$0x0], $0xffff;
	(pc) =	sbr.rel @p0 .LBB2_12-.Ltmp5, $4  }
0x17e: {  	v6 =	vor.u32 s1, v0  }
0x17f: {  	v7 =	vor.u32 s1, v3  }
0x180: {  	p1 =	sgt.s32 s16, $0xF41FF  }
0x181: {  	v8 =	vpsel p1, v8, v9  }
0x182: {  	_ =	sdelay $0x2  }
0x183: {  	v4 =	vpsel p1, v5, v4  }
0x184: {  	[tilespmem:v6+s18+$0x0] =	vst.idx.msk $0xffff, v4  }
0x185: {  	[tilespmem:v7+s18+$0x0] =	vst.idx.msk $0xffff, v8  }
0x186: {  	[hbm4b:s8+s19] =	stream.indirect.scatter [tilespmem:s18], [sflag:$0x9], $0x80, s13, s19, $0xb8;
	[tilespmem:$0x19480] =	vst v63  }
0x187: {  	s0 =	simm.s32 $0x300;
	s1 =	simm.s32 $0x4480  }
0x188: {  	[hbm4b:s8+s19] =	stream.indirect.scatter [tilespmem:s1], [sflag:$0x9], $0x80, s0, s19, $0xb8;
	[tilespmem:$0x19480] =	vst v63  }
0x189: {  	s31 =	simm.s32 $0x380  }
0x18a: {  	[hbm4b:s8+s19] =	stream.indirect.scatter [tilespmem:s23], [sflag:$0x9], $0x80, s31, s19, $0xb8;
	[tilespmem:$0x19480] =	vst v63  }
0x18b: {  	_ = 	snop  }
0x18c: {  	[hbm4b:s8+s19] =	stream.indirect.scatter [tilespmem:s24], [sflag:$0x9], $0x80, s15, s19, $0xb8;
	[tilespmem:$0x19480] =	vst v63  }
0x18d: {  	_ =	swait.ge [sflag:s25], $0x4000  }
0x18e: {  	[sflag:s25] =	ssyncset.done $0x0  }
0x18f: {  	[sflag:s25] =	ssyncadd.s32 $0xFFFFC000  }
0x190: {  	_ =	swait.ge [sflag:s25], $0x4000  }
0x191: {  	[sflag:s25] =	ssyncset.done $0x0  }
0x192: {  	s26 =	sadd.s32 $0x1, s26;
	[sflag:s25] =	ssyncadd.s32 $0xFFFFC000  }
0x193: {  	p0 =	sne.s32 s26, s11;
	_ =	swait.ge [sflag:s25], $0x4000  }
.Ltmp6:
0x194: {  	[sflag:s25] =	ssyncset.done $0x0;
	(pc) =	sbr.rel @p0 .LBB2_1-.Ltmp6, $4  }
0x195: {  	[sflag:s25] =	ssyncadd.s32 $0xFFFFC000  }
0x196: {  	_ =	swait.ge [sflag:s25], $0x4000  }
0x197: {  	[sflag:s25] =	ssyncset.done $0x0  }
0x198: {  	[sflag:s25] =	ssyncadd.s32 $0xFFFFC000  }
0x199: {  	_ =	sfence.sel $0x180000  }
0x19a: {  	[bflag:$0x0] =	sbarrier.arrive $0xFFFF  }
0x19b: {  	_ =	strace $0x90000047  }
0x19c: {  	s0 =	stileid.u32;
	[bflag:$0x2] =	sbarrier.arrive $0xFFFF  }
0x19d: {  	p0 =	sne.s32 s0, $0x0;
	s0 =	rddreg [dreg:$0x4]  }
0x19e: {  	s0 =	sadd.s32 @!p0 $0x100000, s0  }
0x19f: {  	[sflag:s0] =	ssyncadd.tile.s32 @!p0 $0x1;
	_ =	shalt  }
.Lfunc_end2:
_tile_overlayer_lowered:
.L_overlay_start_2:
0x1a0: {  	(tag) =	ssettag $0x2  }
0x1a1: {  	s0 =	rddreg [dreg:$0x0];
	s2 =	stileid.u32  }
0x1a2: {  	s1 =	rddreg [dreg:$0x1];
	p0 =	sne.s32 s2, $0x0  }
0x1a3: {  	s3 =	rddreg [dreg:$0x2];
	[bflag:$0x3] =	sbarrier.arrive $0xFFFF;
	s2 =	simm.s32 @!p0 $0x1C0A  }
0x1a4: {  	[timem:s3], [sflag:s2] =	dma.local @!p0 [hbm:s0], s1  }
0x1a5: {  	s0 =	simm.s32 @!p0 $0xA  }
0x1a6: {  	_ =	swait.ge @!p0 [sflag:s0], s1  }
0x1a7: {  	s1 =	ssub.s32 @!p0 $0x0, s1;
	[sflag:s0] =	ssyncset.done @!p0 $0x0  }
0x1a8: {  	[sflag:s0] =	ssyncadd.s32 @!p0 s1  }
0x1a9: {  	[bflag:$0x3] =	sbarrier.arrive $0xFFFF  }
0x1aa: {  	_ =	shalt  }

// kernel: kernel.8.cloned.1.call-start
scs
__scs_entry_jumppad:
0x0: {  	(pc) =	sbr.rel $0x88, $3  }
0x1: {  	(tag) =	ssettag $0x0;
	lr =	simm.s32 $0x1  }
0x2: {  	[smem:$0x3F91] =	sst lr;
	_ =	strace $0xD0000000  }
0x3: {  	_ = 	snop  }
0x4: {  	_ = 	snop  }
0x5: {  	_ = 	snop  }
0x6: {  	_ = 	snop  }
0x7: {  	_ = 	snop  }
__scs_overlays_trampoline_lowered:
0x8: {  	[smem:$0x3FA0] =	sst s0  }
0x9: {  	[smem:$0x3FA1] =	sst s1  }
0xa: {  	[smem:$0x3FA2] =	sst s2  }
0xb: {  	[smem:$0x3FA3] =	sst s3  }
0xc: {  	[smem:$0x3FA4] =	sst s4  }
0xd: {  	[smem:$0x3FA5] =	sst s5  }
0xe: {  	[smem:$0x3FA6] =	sst s6  }
0xf: {  	[smem:$0x3FA7] =	sst s7  }
0x10: {  	[smem:$0x3FA8] =	sst s8  }
0x11: {  	[smem:$0x3FA9] =	sst s9;
	s0 =	simm.s32 @!p0 $0x0  }
0x12: {  	s1 =	sld [smem:$0x3F8F];
	s0 =	simm.s32 @p0 $0x1  }
0x13: {  	[smem:$0x3FAA] =	sst s0;
	s0 =	simm.s32 @!p1 $0x0  }
0x14: {  	s2 =	sld [smem:$0x3F8E];
	s0 =	simm.s32 @p1 $0x1  }
0x15: {  	[smem:$0x3FAB] =	sst s0;
	s0 =	simm.s32 @!p2 $0x0  }
0x16: {  	s3 =	sld [smem:$0x3FDB];
	s0 =	simm.s32 @p2 $0x1  }
0x17: {  	s4 =	simm.s32 $0x1BF5;
	[smem:$0x3FAD] =	sst s0  }
0x18: {  	s0 =	sld [smem:$0x3F90];
	_ =	swait.ge [sflag:s4], $0x0  }
0x19: {  	s7 =	sld [smem:$0x3F91]  }
0x1a: {  	s8 =	sadd.s32 $0xFFFFE003, lr  }
0x1b: {  	s9 =	sadd.s32 $0xFFFFFEF7, lr;
	s5 =	simm.s32 $0xFFFFFFFF;
	p2 =	slt.u32 s8, $0xFFFFF086  }
0x1c: {  	p1 =	slt.u32 s9, $0xF7A;
	s5 =	simm.s32 @!p2 $0x0  }
0x1d: {  	s5 =	simm.s32 @p1 $0x1;
	p0 =	seq.s32 s7, s2  }
0x1e: {  	s7 =	smul.u32 @!p0 $0xF7A, s2;
	p2 =	seq.s32 @!p0 s5, $0x0  }
0x1f: {  	s9 =	smul.u32 $0xF7A, s1;
	s8 =	simm.s32 @!p0 $0x1BF5;
	p2 =	por !p2, p0  }
0x20: {  	[sflag:s8] =	ssyncset.s32 @!p0 $0xFFFFF086;
	s6 =	sadd.s32 @!p0 s3, s7;
	s7 =	simm.s32 @!p0 $0x108  }
0x21: {  	s3 =	sadd.s32 s3, s9;
	s6 =	sadd.s32 @!p0 $0x88, s6;
	s7 =	simm.s32 @p2 $0x1082  }
0x22: {  	[simem:s7], [sflag:s8] =	dma.local @!p0 [hbm:s6], $0xF7A  }
0x23: {  	s9 =	sor.u32 $0xD0000000, s2;
	s6 =	simm.s32 $0x108;
	_ =	swait.ge @!p0 [sflag:s8], $0x0  }
0x24: {  	s3 =	sadd.s32 $0x88, s3;
	s6 =	simm.s32 @!p1 $0x1082;
	[sflag:s4] =	ssyncset.s32 $0xFFFFF086  }
0x25: {  	[simem:s6], [sflag:s4] =	dma.local [hbm:s3], $0xF7A  }
0x26: {  	[smem:$0x3F91] =	sst s1;
	(tag) =	ssettag s2;
	_ =	strace s9  }
0x27: {  	s1 =	sld [smem:$0x3FA1]  }
0x28: {  	s2 =	sld [smem:$0x3FA2]  }
0x29: {  	s4 =	sld [smem:$0x3FA4]  }
0x2a: {  	p0 =	seq.s32 s5, $0x0;
	s5 =	sld [smem:$0x3FA5]  }
0x2b: {  	s6 =	sld [smem:$0x3FA6]  }
0x2c: {  	s7 =	sld [smem:$0x3FA7]  }
0x2d: {  	s3 =	simm.s32 $0x108;
	s8 =	sld [smem:$0x3FA8]  }
0x2e: {  	s3 =	simm.s32 @!p0 $0x1082;
	s9 =	sld [smem:$0x3FA9]  }
0x2f: {  	lr =	sadd.s32 s0, s3;
	s0 =	sld [smem:$0x3FA0]  }
0x30: {  	s3 =	sld [smem:$0x3FA3]  }
0x31: {  	[smem:$0x3FAC] =	sst s10  }
0x32: {  	s10 =	sld [smem:$0x3FAA];
	_ =	sdelay $0x3  }
0x33: {  	p0 =	seq.s32 s10, $0x1;
	s10 =	sld [smem:$0x3FAC];
	_ =	sdelay $0x3  }
0x34: {  	[smem:$0x3FAC] =	sst s10  }
0x35: {  	s10 =	sld [smem:$0x3FAB];
	_ =	sdelay $0x3  }
0x36: {  	p1 =	seq.s32 s10, $0x1;
	s10 =	sld [smem:$0x3FAC];
	_ =	sdelay $0x3  }
0x37: {  	[smem:$0x3FAC] =	sst s10  }
0x38: {  	s10 =	sld [smem:$0x3FAD]  }
0x39: {  	_ = 	snop;
	(pc) =	sbr.ind lr, $3  }
0x3a: {  	_ = 	snop  }
0x3b: {  	_ = 	snop  }
0x3c: {  	p2 =	seq.s32 s10, $0x1;
	s10 =	sld [smem:$0x3FAC]  }
0x3d: {  	_ =	shalt  }
0x3e: {  	_ =	shalt  }
0x3f: {  	_ =	shalt  }
0x40: {  	_ =	shalt  }
0x41: {  	_ =	shalt  }
0x42: {  	_ =	shalt  }
0x43: {  	_ =	shalt  }
0x44: {  	_ =	shalt  }
0x45: {  	_ =	shalt  }
0x46: {  	_ =	shalt  }
0x47: {  	_ =	shalt  }
0x48: {  	_ =	shalt  }
0x49: {  	_ =	shalt  }
0x4a: {  	_ =	shalt  }
0x4b: {  	_ =	shalt  }
0x4c: {  	_ =	shalt  }
0x4d: {  	_ =	shalt  }
0x4e: {  	_ =	shalt  }
0x4f: {  	_ =	shalt  }
0x50: {  	_ =	shalt  }
0x51: {  	_ =	shalt  }
0x52: {  	_ =	shalt  }
0x53: {  	_ =	shalt  }
0x54: {  	_ =	shalt  }
0x55: {  	_ =	shalt  }
0x56: {  	_ =	shalt  }
0x57: {  	_ =	shalt  }
0x58: {  	_ =	shalt  }
0x59: {  	_ =	shalt  }
0x5a: {  	_ =	shalt  }
0x5b: {  	_ =	shalt  }
0x5c: {  	_ =	shalt  }
0x5d: {  	_ =	shalt  }
0x5e: {  	_ =	shalt  }
0x5f: {  	_ =	shalt  }
0x60: {  	_ =	shalt  }
0x61: {  	_ =	shalt  }
0x62: {  	_ =	shalt  }
0x63: {  	_ =	shalt  }
0x64: {  	_ =	shalt  }
0x65: {  	_ =	shalt  }
0x66: {  	_ =	shalt  }
0x67: {  	_ =	shalt  }
0x68: {  	_ =	shalt  }
0x69: {  	_ =	shalt  }
0x6a: {  	_ =	shalt  }
0x6b: {  	_ =	shalt  }
0x6c: {  	_ =	shalt  }
0x6d: {  	_ =	shalt  }
0x6e: {  	_ =	shalt  }
0x6f: {  	_ =	shalt  }
0x70: {  	_ =	shalt  }
0x71: {  	_ =	shalt  }
0x72: {  	_ =	shalt  }
0x73: {  	_ =	shalt  }
0x74: {  	_ =	shalt  }
0x75: {  	_ =	shalt  }
0x76: {  	_ =	shalt  }
0x77: {  	_ =	shalt  }
0x78: {  	_ =	shalt  }
0x79: {  	_ =	shalt  }
0x7a: {  	_ =	shalt  }
0x7b: {  	_ =	shalt  }
0x7c: {  	_ =	shalt  }
0x7d: {  	_ =	shalt  }
0x7e: {  	_ =	shalt  }
0x7f: {  	_ =	shalt  }
0x80: {  	_ =	shalt  }
0x81: {  	_ =	shalt  }
0x82: {  	_ =	shalt  }
0x83: {  	_ =	shalt  }
0x84: {  	_ =	shalt  }
0x85: {  	_ =	shalt  }
0x86: {  	_ =	shalt  }
0x87: {  	_ =	shalt  }
.Lfunc_end0:
.L_simem_size_0:
called_computation.1_lowered:
.L_overlay_start_0:
0x88: {  	s2 =	sld [smem:$0x3FD9]  }
0x89: {  	s3 =	sld [smem:$0x3FFE];
	_ =	sdelay $0x1  }
0x8a: {  	s1 =	srdreg.scid  }
0x8b: {  	s0 =	sand.u32 $0x1, s1  }
0x8c: {  	s17 =	sshll.u32 s0, $0xA;
	s2 =	sadd.s32 s3, s2  }
0x8d: {  	s2 =	sadd.s32 s2, s17  }
0x8e: {  	[smem:$0x3FB8] =	sst s2  }
0x8f: {  	_ = 	snop  }
0x90: {  	s18 =	sld [smem:$0x3FC6]  }
0x91: {  	s4 =	sld [smem:$0x3FC4];
	(tm) =	ssettm $0x1  }
0x92: {  	s19 =	sld [smem:$0x3FFB];
	_ =	sdelay $0x3  }
0x93: {  	_ =	strace s19  }
0x94: {  	s2 =	sld [smem:$0x3FFC];
	_ =	sdelay $0x3  }
0x95: {  	_ =	strace s2  }
0x96: {  	s2 =	sld [smem:$0x3FFD];
	_ =	sdelay $0x3  }
0x97: {  	_ =	strace s2  }
0x98: {  	_ =	strace $0x8FFFFFFF  }
0x99: {  	s20 =	sld [smem:$0x3FDB];
	_ =	sdelay $0x1  }
0x9a: {  	s5 =	simm.s32 $_scs_section_size  }
0x9b: {  	s6 =	simm.s32 $_size__tile_overlayer_lowered;
	s7 =	simm.s32 $_tile_overlayer_lowered  }
0x9c: {  	s8 =	simm.s32 $0x1BFF;
	s21 =	sshll.u32 s7, $0x1;
	s5 =	sadd.s32 s5, s20  }
0x9d: {  	s22 =	simm.s32 $0x0;
	s6 =	sshll.u32 s6, $0x1;
	s7 =	sadd.s32 s21, s5  }
0x9e: {  	[timem:s22], [sflag:s8] =	dma.local [hbm:s7], s6  }
0x9f: {  	_ =	swait.ge [sflag:s8], s6  }
0xa0: {  	s6 =	ssub.s32 $0x0, s6;
	[sflag:s8] =	ssyncset.done $0x0  }
0xa1: {  	[sflag:s8] =	ssyncadd.s32 s6;
	_ =	sdelay $0x1  }
0xa2: {  	s23 =	simm.s32 $0x1B8B  }
0xa3: {  	_ =	swait.ge [sflag:s23], $0x1  }
0xa4: {  	[sflag:s23] =	ssyncset.done $0x0  }
0xa5: {  	[sflag:s23] =	ssyncadd.s32 $0xFFFFFFFF  }
0xa6: {  	s6 =	sld [smem:$0x0]  }
0xa7: {  	s7 =	sand.u32 $0xFFFFFFFE, s1  }
0xa8: {  	p0 =	sne.s32 s1, s7  }
0xa9: {  	s7 =	sshll.u32 @p0 s7, $0xE  }
0xaa: {  	s7 =	sadd.s32 @p0 $0x11B8D, s7;
	s8 =	sshll.u32 @p0 s6, $0x11  }
0xab: {  	s7 =	sor.u32 @p0 s8, s7  }
0xac: {  	[sflag:s7] =	ssyncadd.remote.s32 @p0 $0x1;
	_ =	sdelay $0x1  }
0xad: {  	s7 =	simm.s32 @p0 $0x1B8D  }
0xae: {  	_ =	swait.eq @p0 [sflag:s7], $0x1  }
0xaf: {  	[sflag:s7] =	ssyncadd.s32 @p0 $0xFFFFFFFF  }
0xb0: {  	s8 =	sshll.u32 @!p0 s1, $0xE  }
0xb1: {  	s8 =	sor.u32 @!p0 $0x4000, s8;
	s7 =	simm.s32 @!p0 $0x1B8D  }
0xb2: {  	s6 =	sshll.u32 @!p0 s6, $0x11;
	s8 =	sadd.s32 @!p0 $0x11B8D, s8;
	_ =	swait.eq @!p0 [sflag:s7], $0x1  }
0xb3: {  	s6 =	sor.u32 @!p0 s6, s8;
	[sflag:s7] =	ssyncadd.s32 @!p0 $0xFFFFFFFF  }
0xb4: {  	s25 =	simm.s32 $0x1B8E;
	s24 =	sld [smem:$0x3FFE];
	[sflag:s6] =	ssyncadd.remote.s32 @!p0 $0x1  }
0xb5: {  	s26 =	simm.s32 $execute0_lowered;
	[smem:$0x3FD2] =	sst s25  }
0xb6: {  	s7 =	sshll.u32 s26, $0x1;
	_ =	strace $0x80000049;
	[dreg:$0x1] =	wrdreg $0xFFFFFFFF  }
0xb7: {  	s28 =	simm.s32 $_size_execute0_lowered;
	s5 =	sadd.s32 s5, s7;
	[dreg:$0x0] =	wrdreg $0x0  }
0xb8: {  	s7 =	sshll.u32 s28, $0x1;
	[dreg:$0x2] =	wrdreg s5  }
0xb9: {  	[dreg:$0x3] =	wrdreg s7  }
0xba: {  	[dreg:$0x4] =	wrdreg $0xC0  }
0xbb: {  	_ =	task [dreg:s22], $0x5FFFF  }
0xbc: {  	[dreg:$0x1] =	wrdreg $0xFFFFFFFF  }
0xbd: {  	[dreg:$0x0] =	wrdreg $0x60  }
0xbe: {  	[dreg:$0x2] =	wrdreg s24  }
0xbf: {  	[dreg:$0x3] =	wrdreg s18  }
0xc0: {  	[dreg:$0x4] =	wrdreg s4  }
0xc1: {  	[dreg:$0x5] =	wrdreg $0xA  }
0xc2: {  	_ =	task.clear_ibuf [dreg:s22], $0x6FFFF;
	_ =	strace $0x90000049  }
0xc3: {  	s29 =	simm.s32 $0xA;
	_ =	strace $0x8000004B  }
0xc4: {  	_ =	swait.ge [sflag:s29], $0x1  }
0xc5: {  	[sflag:s29] =	ssyncadd.s32 $0xFFFFFFFF  }
0xc6: {  	_ =	strace $0x9000004B  }
0xc7: {  	_ =	sfence  }
0xc8: {  	s30 =	sld [smem:$0x0];
	_ =	sdelay $0x2  }
0xc9: {  	s31 =	sshll.u32 s1, $0xD;
	s1 =	sshrl.u32 s1, $0x2  }
0xca: {  	s4 =	sand.u32 $0x4000, s31;
	s1 =	sadd.s32 s1, s30  }
0xcb: {  	s0 =	sor.u32 s4, s0;
	s1 =	sshll.u32 s1, $0x11  }
0xcc: {  	s0 =	sor.u32 s1, s0  }
0xcd: {  	s0 =	sadd.s32 $0x8F2B, s0  }
0xce: {  	[sflag:s0] =	ssyncadd.remote.s32 $0x1  }
0xcf: {  	_ =	sfence.sel $0xFFFF  }
0xd0: {  	[dreg:$0x0] =	wrdreg $0xFFFFFFFF;
	(pc) =	sbr.abs _section_cstart, $3  }
0xd1: {  	[dreg:$0x1] =	wrdreg $0xFFFFFFFF  }
0xd2: {  	_ =	task.clear_ibuf [dreg:s22], $0x2FFFF;
	_ =	strace $0x9FFFFFFF  }
0xd3: {  	(tm) =	ssettm $0x7FFFFFFF  }
tec
execute0_lowered:
.L_overlay_start_1:
0x0: {  	(tag) =	ssettag $0x1  }
0x1: {  	s0 =	rddreg [dreg:$0x0]  }
0x2: {  	s2 =	rddreg [dreg:$0x1]  }
0x3: {  	s3 =	rddreg [dreg:$0x2]  }
0x4: {  	s1 =	srdreg.scid;
	s5 =	stileid.u32;
	s4 =	simm.s32 $0x0  }
0x5: {  	s12 =	simm.s32 $0xA;
	s13 =	simm.s32 $0x280;
	s14 =	simm.s32 $0x10480  }
0x6: {  	s15 =	simm.s32 $0x400;
	s18 =	simm.s32 $0x480;
	s19 =	simm.s32 $0x80  }
0x7: {  	s23 =	simm.s32 $0x8480;
	s24 =	simm.s32 $0xC480;
	s25 =	simm.s32 $0x9  }
0x8: {  	s26 =	simm.s32 $0x0;
	s1 =	sand.u32 $0x1, s1;
	s5 =	sshll.u32 s5, $0x7  }
0x9: {  	[smem:$0x7FF] =	sst s4;
	s28 =	sadd.s32 $0xE00, s0;
	s29 =	sadd.s32 $0xC00, s0  }
0xa: {  	s7 =	sadd.s32 $0x82C00, s0;
	s8 =	sadd.s32 $0xC2C00, s0;
	s6 =	sshll.u32 s1, $0x6  }
0xb: {  	v0 =	vlaneseq.u32;
	_ =	strace $0x8000004A;
	s1 =	ssub.s32 $0x2, s1;
	s5 =	sor.u32 s6, s5  }
0xc: {  	v1 =	vmul.u32 $0x80, v0;
	[dreg:$0x4] =	wrdreg s28;
	s9 =	sshrl.u32 s1, $0x1;
	s10 =	sadd.s32 s5, s0  }
0xd: {  	[dreg:$0x5] =	wrdreg s29;
	s30 =	ssub.s32 s1, s9;
	s31 =	sadd.s32 $0x81C00, s10  }
0xe: {  	v3 =	vor.u32 $0x10, v0;
	v2 =	vor.u32 $0x800, v1;
	s10 =	sadd.s32 $0x82400, s10;
	s11 =	smax.u32 s30, $0x1;
	[dreg:$0x6] =	wrdreg s31  }
.LBB2_1:
0xf: {  	s0 =	rddreg [dreg:$0x6]  }
0x10: {  	[tilespmem:s4], [sflag:$0xA] =	stream.linear.gather [hbm4b:s0+s4], $0x200, $0x38;
	[tilespmem:$0x19480] =	vst v63  }
0x11: {  	_ =	swait.ge [sflag:s12], $0x200  }
0x12: {  	[sflag:s12] =	ssyncset.done $0x0  }
0x13: {  	[sflag:s12] =	ssyncadd.s32 $0xFFFFFE00  }
0x14: {  	[tilespmem:s13], [sflag:$0xA] =	stream.linear.gather [hbm4b:s10+s4], $0x200, $0x38;
	[tilespmem:$0x19480] =	vst v63  }
0x15: {  	_ =	swait.ge [sflag:s12], $0x200  }
0x16: {  	[sflag:s12] =	ssyncset.done $0x0  }
0x17: {  	s21 =	rddreg [dreg:$0x4];
	[sflag:s12] =	ssyncadd.s32 $0xFFFFFE00  }
0x18: {  	[tilespmem:s14], [sflag:$0xA] =	stream.linear.gather [hbm4b:s21+s4], $0x1000, $0x38;
	[tilespmem:$0x19480] =	vst v63  }
0x19: {  	_ =	swait.ge [sflag:s12], $0x1000  }
0x1a: {  	[sflag:s12] =	ssyncset.done $0x0  }
0x1b: {  	s22 =	simm.s32 $0x0;
	[sflag:s12] =	ssyncadd.s32 $0xFFFFF000  }
0x1c: {  	v4 =	vld [tilespmem:s22+$0x0];
	_ =	sdelay $0x4  }
0x1d: {  	(v2sf) =	vpush v4, $0x0  }
0x1e: {  	s28 =	simm.s32 $0x1  }
0x1f: {  	v4 =	vld [tilespmem:s28+$0x0];
	_ =	sdelay $0x4  }
0x20: {  	(v2sf) =	vpush v4, $0x0;
	_ =	sdelay $0x2  }
0x21: {  	s29 =	simm.s32 $0x2  }
0x22: {  	v5 =	vld [tilespmem:s29+$0x0];
	_ =	sdelay $0x3  }
0x23: {  	s1 =	spop (v2sf)  }
0x24: {  	(v2sf) =	vpush v5, $0x0;
	s30 =	sand.u32 $0x7F, s1  }
0x25: {  	s16 =	sshra.s32 s1, $0x1F;
	p0 =	slt.s32 s1, $0x1;
	p1 =	sne.s32 s30, $0x0  }
0x26: {  	s17 =	simm.s32 $0x1;
	s16 =	sshrl.u32 s16, $0x19;
	p0 =	por !p0, !p1  }
0x27: {  	s31 =	simm.s32 $0x3;
	s1 =	sadd.s32 s16, s1;
	p0 =	por !p0, !p0  }
0x28: {  	s0 =	simm.s32 $0xFFFFFFFF;
	v4 =	vld [tilespmem:s31+$0x0];
	s1 =	sshrl.u32 s1, $0x7;
	s17 =	simm.s32 @!p0 $0x0  }
0x29: {  	s16 =	simm.s32 $0x10;
	s17 =	ssub.s32 s1, s17;
	s1 =	simm.s32 $0x0  }
.LBB2_2:
0x2a: {  	s28 =	sshra.s32 s16, $0x2;
	s29 =	spop (v2sf);
	s30 =	sshll.u32 s17, $0x7  }
0x2b: {  	s31 =	smov.u32 s1;
	s16 =	sadd.s32 $0x4, s16;
	s17 =	sshra.s32 s29, $0x1F  }
0x2c: {  	p0 =	slt.s32 s29, $0x1;
	p1 =	slt.s32 s30, $0xF4180;
	s5 =	sand.u32 $0x7F, s29  }
0x2d: {  	(v2sf) =	vpush v4, $0x0;
	s17 =	sshrl.u32 s17, $0x19;
	s30 =	simm.s32 @!p1 $0xF4180;
	p1 =	sne.s32 s5, $0x0  }
0x2e: {  	s5 =	simm.s32 $0x1;
	p0 =	por !p0, !p1;
	p1 =	sne.s32 s16, $0x800  }
.Ltmp0:
0x2f: {  	s17 =	sadd.s32 s17, s29;
	p2 =	sne.s32 s30, s0;
	(pc) =	sbr.rel @p1 .LBB2_2-.Ltmp0, $4  }
0x30: {  	v4 =	vld [tilespmem:s28+$0x0];
	s5 =	simm.s32 @!p2 $0x0;
	p0 =	por !p0, !p0  }
0x31: {  	s1 =	sadd.s32 s5, s1;
	s5 =	sshrl.u32 s17, $0x7;
	s17 =	simm.s32 $0x1  }
0x32: {  	s17 =	simm.s32 @!p0 $0x0;
	p0 =	seq.s32 s30, s0  }
0x33: {  	s0 =	smov.u32 s30;
	s17 =	ssub.s32 s5, s17;
	[smem:s31] =	sst @!p0 s30  }
0x34: {  	_ = 	snop  }
0x35: {  	(v2sf) =	vpush v4, $0x0;
	_ =	sdelay $0x2  }
0x36: {  	s5 =	spop (v2sf);
	s16 =	sshll.u32 s17, $0x7  }
0x37: {  	s21 =	sshra.s32 s5, $0x1F;
	p0 =	slt.s32 s5, $0x1;
	p1 =	slt.s32 s16, $0xF4180  }
0x38: {  	s28 =	sand.u32 $0x7F, s5;
	s17 =	sshrl.u32 s21, $0x19;
	s16 =	simm.s32 @!p1 $0xF4180  }
0x39: {  	p6 =	sne.s32 s28, $0x0;
	s28 =	simm.s32 $0x1;
	p2 =	sne.s32 s16, s0  }
0x3a: {  	s5 =	sadd.s32 s17, s5;
	p0 =	por !p0, !p6;
	s28 =	simm.s32 @!p2 $0x0  }
0x3b: {  	p0 =	por !p0, !p0;
	s17 =	sadd.s32 s28, s1;
	s28 =	simm.s32 $0x1  }
0x3c: {  	s5 =	sshrl.u32 s5, $0x7;
	s28 =	simm.s32 @!p0 $0x0;
	p0 =	seq.s32 s16, s0  }
0x3d: {  	s22 =	ssub.s32 s5, s28;
	[smem:s1] =	sst @!p0 s16;
	s29 =	spop (v2sf)  }
0x3e: {  	s0 =	sshll.u32 s22, $0x7;
	s30 =	sshra.s32 s29, $0x1F;
	s28 =	sand.u32 $0x7F, s29  }
0x3f: {  	p3 =	slt.s32 s29, $0x1;
	p1 =	slt.s32 s0, $0xF4180;
	p4 =	sne.s32 s28, $0x0  }
0x40: {  	s5 =	sshrl.u32 s30, $0x19;
	s0 =	simm.s32 @!p1 $0xF4180;
	p0 =	por !p3, !p4  }
0x41: {  	s1 =	sadd.s32 s5, s29;
	s5 =	simm.s32 $0x1;
	p0 =	por !p0, !p0  }
0x42: {  	s1 =	sshrl.u32 s1, $0x7;
	s5 =	simm.s32 @!p0 $0x0;
	s28 =	spop (v2sf)  }
0x43: {  	p0 =	sne.s32 s0, s16;
	s1 =	ssub.s32 s1, s5;
	s31 =	sand.u32 $0x7F, s28  }
0x44: {  	s29 =	sshra.s32 s28, $0x1F;
	p5 =	slt.s32 s28, $0x1;
	p6 =	sne.s32 s31, $0x0  }
0x45: {  	s5 =	simm.s32 $0x1;
	s29 =	sshrl.u32 s29, $0x19;
	p1 =	por !p5, !p6  }
0x46: {  	s28 =	sadd.s32 s29, s28;
	s29 =	simm.s32 $0x1;
	p1 =	por !p1, !p1  }
0x47: {  	s5 =	simm.s32 @!p0 $0x0;
	s28 =	sshrl.u32 s28, $0x7;
	s29 =	simm.s32 @!p1 $0x0  }
0x48: {  	s1 =	sshll.u32 s1, $0x7;
	p0 =	seq.s32 s0, s16;
	s28 =	ssub.s32 s28, s29  }
0x49: {  	s5 =	sadd.s32 s5, s17;
	p1 =	slt.s32 s1, $0xF4180;
	s16 =	sshll.u32 s28, $0x7  }
0x4a: {  	[smem:s17] =	sst @!p0 s0;
	s1 =	simm.s32 @!p1 $0xF4180;
	p0 =	slt.s32 s16, $0xF4180  }
0x4b: {  	s17 =	simm.s32 $0x1;
	p1 =	sne.s32 s1, s0;
	s16 =	simm.s32 @!p0 $0xF4180  }
0x4c: {  	s28 =	simm.s32 $0x1;
	s17 =	simm.s32 @!p1 $0x0;
	p0 =	sne.s32 s16, s1  }
0x4d: {  	p1 =	seq.s32 s1, s0;
	s17 =	sadd.s32 s17, s5;
	s28 =	simm.s32 @!p0 $0x0  }
0x4e: {  	[smem:s5] =	sst @!p1 s1;
	p0 =	seq.s32 s16, s1;
	s28 =	sadd.s32 s28, s17  }
0x4f: {  	[smem:s17] =	sst @!p0 s16;
	p0 =	slt.s32 s28, $0x1  }
0x50: {  	s0 =	sld @!p0 [smem:$0x0];
	_ =	sdelay $0x1  }
0x51: {  	s5 =	simm.s32 @!p0 $0x400  }
0x52: {  	p1 =	seq.s32 @!p0 s28, $0x1;
	s16 =	simm.s32 @!p0 $0x7A1400;
	s0 =	sand.u32 @!p0 $0xFFFFF80, s0  }
0x53: {  	s17 =	simm.s32 @!p0 $0x11480;
	p1 =	por p0, p1;
	s0 =	sadd.s32 @!p0 s2, s0  }
0x54: {  	[tilespmem:s17], [sflag:$0x1] =	stream.strided.gather @!p0 [hbm4b:s0+s5], $0x1000, s16, s5, $0x38;
	[tilespmem:$0x19480] =	vst v63  }
0x55: {  	p0 =	slt.u32 @!p1 s28, $0x3  }
0x56: {  	s1 =	sld @!p1 [smem:$0x1];
	p0 =	por p1, p0  }
.Ltmp1:
0x57: {  	_ = 	snop;
	(pc) =	sbr.rel @p0 .LBB2_5-.Ltmp1, $4  }
0x58: {  	_ = 	snop  }
0x59: {  	s0 =	sand.u32 @!p1 $0xFFFFF80, s1;
	s1 =	simm.s32 @!p1 $0x400  }
0x5a: {  	s5 =	simm.s32 @!p1 $0x7A1400;
	s16 =	simm.s32 @!p1 $0x12480;
	s0 =	sadd.s32 @!p1 s2, s0  }
0x5b: {  	[tilespmem:s16], [sflag:$0x2] =	stream.strided.gather @!p1 [hbm4b:s0+s1], $0x1000, s5, s1, $0x38;
	[tilespmem:$0x19480] =	vst v63  }
0x5c: {  	s0 =	sld [smem:$0x2]  }
0x5d: {  	p0 =	seq.s32 s28, $0x3  }
0x5e: {  	s5 =	simm.s32 $0x7A1400;
	p2 =	slt.u32 @!p0 s28, $0x5  }
0x5f: {  	s1 =	sld @!p0 [smem:$0x3];
	p3 =	por p2, p0;
	s0 =	sand.u32 $0xFFFFF80, s0  }
0x60: {  	s6 =	simm.s32 $0x13480;
	p4 =	seq.s32 @!p3 s28, $0x5;
	s0 =	sadd.s32 s2, s0  }
0x61: {  	[tilespmem:s6], [sflag:$0x3] =	stream.strided.gather [hbm4b:s0+s15], $0x1000, s5, s15, $0x38;
	[tilespmem:$0x19480] =	vst v63  }
0x62: {  	s16 =	simm.s32 @!p0 $0x14480;
	p1 =	por @!p0 p4, p2;
	s0 =	sand.u32 @!p0 $0xFFFFF80, s1  }
0x63: {  	s1 =	simm.s32 @!p0 $0x400;
	s5 =	simm.s32 @!p0 $0x7A1400;
	s0 =	sadd.s32 @!p0 s2, s0  }
0x64: {  	[tilespmem:s16], [sflag:$0x4] =	stream.strided.gather @!p0 [hbm4b:s0+s1], $0x1000, s5, s1, $0x38;
	[tilespmem:$0x19480] =	vst v63  }
0x65: {  	p1 =	por p1, p0;
	s0 =	sld @!p3 [smem:$0x4]  }
0x66: {  	p5 =	slt.u32 @!p1 s28, $0x7  }
0x67: {  	s17 =	sld @!p1 [smem:$0x5];
	p4 =	por @!p3 p5, p4;
	s1 =	simm.s32 @!p3 $0x400  }
0x68: {  	s5 =	simm.s32 @!p3 $0x7A1400;
	p2 =	por @!p0 p4, p2;
	s0 =	sand.u32 @!p3 $0xFFFFF80, s0  }
0x69: {  	s16 =	simm.s32 @!p3 $0x15480;
	p0 =	por p2, p0;
	s0 =	sadd.s32 @!p3 s2, s0  }
0x6a: {  	[tilespmem:s16], [sflag:$0x5] =	stream.strided.gather @!p3 [hbm4b:s0+s1], $0x1000, s5, s1, $0x38;
	[tilespmem:$0x19480] =	vst v63  }
0x6b: {  	s0 =	sand.u32 @!p1 $0xFFFFF80, s17;
	s1 =	sld @!p0 [smem:$0x6];
	s5 =	simm.s32 @!p1 $0x400  }
0x6c: {  	s16 =	simm.s32 @!p1 $0x7A1400;
	s17 =	simm.s32 @!p1 $0x16480;
	s0 =	sadd.s32 @!p1 s2, s0  }
0x6d: {  	[tilespmem:s17], [sflag:$0x6] =	stream.strided.gather @!p1 [hbm4b:s0+s5], $0x1000, s16, s5, $0x38;
	[tilespmem:$0x19480] =	vst v63  }
0x6e: {  	s5 =	simm.s32 @!p0 $0x7A1400;
	s0 =	sand.u32 @!p0 $0xFFFFF80, s1  }
0x6f: {  	s16 =	simm.s32 @!p0 $0x17480;
	s1 =	simm.s32 @!p0 $0x400;
	s0 =	sadd.s32 @!p0 s2, s0  }
0x70: {  	[tilespmem:s16], [sflag:$0x7] =	stream.strided.gather @!p0 [hbm4b:s0+s1], $0x1000, s5, s1, $0x38;
	[tilespmem:$0x19480] =	vst v63  }
.LBB2_5:
0x71: {  	s29 =	simm.s32 $0x0  }
0x72: {  	v4 =	vld [tilespmem:s29+$0x0];
	_ =	sdelay $0x4  }
0x73: {  	(v2sf) =	vpush v4, $0x0;
	_ =	sdelay $0xe  }
0x74: {  	s0 =	spop (v2sf)  }
0x75: {  	s1 =	sand.u32 $0x7F, s0  }
0x76: {  	s5 =	sshra.s32 s0, $0x1F;
	p0 =	slt.s32 s0, $0x1;
	p1 =	sne.s32 s1, $0x0  }
0x77: {  	s21 =	sshrl.u32 s5, $0x19;
	p0 =	por !p0, !p1  }
0x78: {  	s5 =	simm.s32 $0x1;
	s1 =	sadd.s32 s21, s0;
	p0 =	por !p0, !p0  }
0x79: {  	s1 =	sshrl.u32 s1, $0x7;
	s5 =	simm.s32 @!p0 $0x0  }
0x7a: {  	s1 =	ssub.s32 s1, s5  }
0x7b: {  	s31 =	sshll.u32 s1, $0x7  }
0x7c: {  	p0 =	slt.s32 s31, $0xF4180  }
0x7d: {  	s31 =	simm.s32 @!p0 $0xF4180  }
0x7e: {  	s1 =	simm.s32 $0x1;
	p0 =	sne.s32 s31, $0xFFFFFFFF  }
0x7f: {  	s1 =	simm.s32 @!p0 $0x0  }
0x80: {  	s30 =	sadd.s32 $0xFFFFFFFF, s1  }
0x81: {  	s1 =	sshra.s32 s30, $0x1F  }
0x82: {  	s1 =	sshrl.u32 s1, $0x1D  }
0x83: {  	p1 =	seq.s32 s31, $0xFFFFFFFF;
	s1 =	sadd.s32 s1, s30  }
0x84: {  	s5 =	sadd.s32 @!p1 $0x7, s30;
	s1 =	sand.u32 $0xFFFFFFF8, s1  }
0x85: {  	s16 =	sadd.s32 $0xFFF0BE00, s0;
	p0 =	sge.s32 @!p1 s5, s28;
	s1 =	ssub.s32 s30, s1  }
0x86: {  	p2 =	sgt.s32 s16, $0x0;
	p0 =	por p0, p1;
	s17 =	sadd.s32 @!p1 $0x1, s1  }
0x87: {  	s16 =	simm.s32 @!p2 $0x0;
	s6 =	sshra.s32 @!p0 s5, $0x1F;
	_ =	swait.ge @!p1 [sflag:s17], $0x1000  }
0x88: {  	s16 =	smin.u32 s16, $0x3F;
	s6 =	sshrl.u32 @!p0 s6, $0x1D;
	[sflag:s17] =	ssyncset.done @!p1 $0x0  }
0x89: {  	s20 =	ssub.s32 s0, s31;
	s6 =	sadd.s32 @!p0 s6, s5;
	[sflag:s17] =	ssyncadd.s32 @!p1 $0xFFFFF000  }
0x8a: {  	s6 =	sand.u32 @!p0 $0xFFFFFFF8, s6;
	p1 =	slt.s32 s20, $0x7F;
	s17 =	sld @!p0 [smem:s5+$0x0]  }
0x8b: {  	v4 =	vor.u32 s16, v2;
	s20 =	simm.s32 @!p1 $0x7F;
	s5 =	ssub.s32 @!p0 s5, s6  }
0x8c: {  	s21 =	simm.s32 @!p0 $0x7A1400;
	s9 =	simm.s32 @!p0 $0x400;
	s6 =	sshll.u32 @!p0 s5, $0xE;
	v5 =	vadd.s32 s20, v2  }
0x8d: {  	s1 =	sshll.u32 s1, $0xE;
	v6 =	vadd.s32 s20, v1;
	s6 =	sshra.s32 @!p0 s6, $0x2;
	s17 =	sand.u32 @!p0 $0xFFFFF80, s17  }
0x8e: {  	v7 =	vor.u32 s16, v1;
	s5 =	sadd.s32 @!p0 $0x1, s5;
	s6 =	sadd.s32 @!p0 $0x11480, s6;
	s17 =	sadd.s32 @!p0 s2, s17  }
0x8f: {  	[tilespmem:s6], [sflag:s5] =	stream.strided.gather @!p0 [hbm4b:s17+s9], $0x1000, s21, s9, $0x38;
	[tilespmem:$0x19480] =	vst v63  }
0x90: {  	s1 =	sshra.s32 s1, $0x2;
	v8 =	vld.idx.msk [tilespmem:v4+s14+$0x0], $0xffff  }
0x91: {  	v9 =	vld.idx.msk [tilespmem:v5+s1+$0x11480], $0xffff  }
0x92: {  	v4 =	vld.idx.msk [tilespmem:v6+s1+$0x11480], $0xffff  }
0x93: {  	s22 =	simm.s32 $0x0;
	v5 =	vld.idx.msk [tilespmem:v7+s14+$0x0], $0xffff  }
0x94: {  	v6 =	vor.u32 s22, v0  }
0x95: {  	p1 =	sgt.s32 s0, $0xF41FF;
	v7 =	vor.u32 s22, v3  }
0x96: {  	s0 =	simm.s32 $0x1;
	v8 =	vpsel p1, v8, v9  }
.LBB2_6:
0x97: {  	s29 =	sadd.s32 $0x1, s29;
	s1 =	smov.u32 s0;
	s0 =	sadd.s32 $0x1, s0  }
0x98: {  	v4 =	vpsel p1, v5, v4;
	s17 =	smov.u32 s31;
	p0 =	sne.s32 s0, $0x200  }
0x99: {  	[tilespmem:v6+s18+$0x0] =	vst.idx.msk $0xffff, v4  }
0x9a: {  	[tilespmem:v7+s18+$0x0] =	vst.idx.msk $0xffff, v8  }
0x9b: {  	v4 =	vld [tilespmem:s29+$0x0];
	_ =	sdelay $0x4  }
0x9c: {  	(v2sf) =	vpush v4, $0x0;
	_ =	sdelay $0xe  }
0x9d: {  	s16 =	spop (v2sf)  }
0x9e: {  	s5 =	sshra.s32 s16, $0x1F;
	s6 =	sand.u32 $0x7F, s16;
	s9 =	sadd.s32 $0xFFF0BE00, s16  }
0x9f: {  	p1 =	slt.s32 s16, $0x1;
	s5 =	sshrl.u32 s5, $0x19;
	p2 =	sne.s32 s6, $0x0  }
0xa0: {  	s5 =	sadd.s32 s5, s16;
	p1 =	por !p1, !p2;
	p2 =	sgt.s32 s9, $0x0  }
0xa1: {  	s6 =	simm.s32 $0x1;
	p1 =	por !p1, !p1;
	s9 =	simm.s32 @!p2 $0x0  }
0xa2: {  	s5 =	sshrl.u32 s5, $0x7;
	s6 =	simm.s32 @!p1 $0x0;
	s9 =	smin.u32 s9, $0x3F  }
0xa3: {  	s5 =	ssub.s32 s5, s6  }
0xa4: {  	s31 =	sshll.u32 s5, $0x7  }
0xa5: {  	p1 =	slt.s32 s31, $0xF4180  }
0xa6: {  	s31 =	simm.s32 @!p1 $0xF4180  }
0xa7: {  	s6 =	simm.s32 $0x1;
	p1 =	sne.s32 s31, s17;
	s5 =	ssub.s32 s16, s31  }
0xa8: {  	s6 =	simm.s32 @!p1 $0x0;
	p1 =	slt.s32 s5, $0x7F  }
0xa9: {  	s30 =	sadd.s32 s6, s30;
	s5 =	simm.s32 @!p1 $0x7F  }
0xaa: {  	s6 =	sshra.s32 s30, $0x1F  }
0xab: {  	s6 =	sshrl.u32 s6, $0x1D  }
0xac: {  	p2 =	seq.s32 s31, s17;
	s6 =	sadd.s32 s6, s30  }
0xad: {  	s17 =	sadd.s32 @!p2 $0x7, s30;
	s6 =	sand.u32 $0xFFFFFFF8, s6  }
0xae: {  	p1 =	sge.s32 @!p2 s17, s28;
	s6 =	ssub.s32 s30, s6  }
0xaf: {  	p1 =	por p1, p2;
	s20 =	sadd.s32 @!p2 $0x1, s6;
	s6 =	sshll.u32 s6, $0xE  }
0xb0: {  	s21 =	sshra.s32 @!p1 s17, $0x1F;
	_ =	swait.ge @!p2 [sflag:s20], $0x1000  }
0xb1: {  	s21 =	sshrl.u32 @!p1 s21, $0x1D;
	[sflag:s20] =	ssyncset.done @!p2 $0x0  }
0xb2: {  	[sflag:s20] =	ssyncadd.s32 @!p2 $0xFFFFF000;
	s20 =	sadd.s32 @!p1 s21, s17  }
0xb3: {  	s21 =	sld @!p1 [smem:s17+$0x0];
	s20 =	sand.u32 @!p1 $0xFFFFFFF8, s20  }
0xb4: {  	v4 =	vor.u32 s9, v2;
	s17 =	ssub.s32 @!p1 s17, s20  }
0xb5: {  	v5 =	vadd.s32 s5, v2;
	s20 =	sshll.u32 @!p1 s17, $0xE;
	s17 =	sadd.s32 @!p1 $0x1, s17  }
0xb6: {  	v7 =	vor.u32 s9, v1;
	v6 =	vadd.s32 s5, v1;
	s22 =	simm.s32 @!p1 $0x7A1400;
	s21 =	sand.u32 @!p1 $0xFFFFF80, s21;
	s20 =	sshra.s32 @!p1 s20, $0x2  }
0xb7: {  	s5 =	sadd.s32 @!p1 $0x11480, s20;
	s9 =	sadd.s32 @!p1 s2, s21;
	s20 =	simm.s32 @!p1 $0x400  }
0xb8: {  	[tilespmem:s5], [sflag:s17] =	stream.strided.gather @!p1 [hbm4b:s9+s20], $0x1000, s22, s20, $0x38;
	[tilespmem:$0x19480] =	vst v63  }
0xb9: {  	s5 =	sshra.s32 s6, $0x2;
	v8 =	vld.idx.msk [tilespmem:v4+s14+$0x0], $0xffff  }
0xba: {  	v9 =	vld.idx.msk [tilespmem:v5+s5+$0x11480], $0xffff  }
0xbb: {  	v4 =	vld.idx.msk [tilespmem:v6+s5+$0x11480], $0xffff  }
.Ltmp2:
0xbc: {  	s1 =	sshll.u32 s1, $0x7;
	v5 =	vld.idx.msk [tilespmem:v7+s14+$0x0], $0xffff;
	(pc) =	sbr.rel @p0 .LBB2_6-.Ltmp2, $4  }
0xbd: {  	v6 =	vor.u32 s1, v0  }
0xbe: {  	v7 =	vor.u32 s1, v3  }
0xbf: {  	p1 =	sgt.s32 s16, $0xF41FF  }
0xc0: {  	v8 =	vpsel p1, v8, v9  }
0xc1: {  	_ =	sdelay $0x2  }
0xc2: {  	v4 =	vpsel p1, v5, v4  }
0xc3: {  	[tilespmem:v6+s18+$0x0] =	vst.idx.msk $0xffff, v4  }
0xc4: {  	[tilespmem:v7+s18+$0x0] =	vst.idx.msk $0xffff, v8  }
0xc5: {  	[hbm4b:s7+s19] =	stream.indirect.scatter [tilespmem:s18], [sflag:$0x9], $0x80, s13, s19, $0xb8;
	[tilespmem:$0x19480] =	vst v63  }
0xc6: {  	s0 =	simm.s32 $0x300;
	s1 =	simm.s32 $0x4480  }
0xc7: {  	[hbm4b:s7+s19] =	stream.indirect.scatter [tilespmem:s1], [sflag:$0x9], $0x80, s0, s19, $0xb8;
	[tilespmem:$0x19480] =	vst v63  }
0xc8: {  	s17 =	simm.s32 $0x380  }
0xc9: {  	[hbm4b:s7+s19] =	stream.indirect.scatter [tilespmem:s23], [sflag:$0x9], $0x80, s17, s19, $0xb8;
	[tilespmem:$0x19480] =	vst v63  }
0xca: {  	_ = 	snop  }
0xcb: {  	[hbm4b:s7+s19] =	stream.indirect.scatter [tilespmem:s24], [sflag:$0x9], $0x80, s15, s19, $0xb8;
	[tilespmem:$0x19480] =	vst v63  }
0xcc: {  	_ =	swait.ge [sflag:s25], $0x4000  }
0xcd: {  	[sflag:s25] =	ssyncset.done $0x0  }
0xce: {  	[sflag:s25] =	ssyncadd.s32 $0xFFFFC000  }
0xcf: {  	_ =	swait.ge [sflag:s25], $0x4000  }
0xd0: {  	[sflag:s25] =	ssyncset.done $0x0  }
0xd1: {  	[sflag:s25] =	ssyncadd.s32 $0xFFFFC000  }
0xd2: {  	_ =	swait.ge [sflag:s25], $0x4000  }
0xd3: {  	[sflag:s25] =	ssyncset.done $0x0  }
0xd4: {  	[sflag:s25] =	ssyncadd.s32 $0xFFFFC000  }
0xd5: {  	_ =	swait.ge [sflag:s25], $0x4000  }
0xd6: {  	[sflag:s25] =	ssyncset.done $0x0  }
0xd7: {  	s0 =	simm.s32 $0x0;
	s20 =	rddreg [dreg:$0x5];
	[sflag:s25] =	ssyncadd.s32 $0xFFFFC000  }
0xd8: {  	[tilespmem:s14], [sflag:$0xA] =	stream.linear.gather [hbm4b:s20+s0], $0x1000, $0x38;
	[tilespmem:$0x19480] =	vst v63  }
0xd9: {  	_ =	swait.ge [sflag:s12], $0x1000  }
0xda: {  	[sflag:s12] =	ssyncset.done $0x0  }
0xdb: {  	s21 =	simm.s32 $0x0;
	[sflag:s12] =	ssyncadd.s32 $0xFFFFF000  }
0xdc: {  	v4 =	vld [tilespmem:s21+$0x0];
	_ =	sdelay $0x4  }
0xdd: {  	(v2sf) =	vpush v4, $0x0;
	_ =	sdelay $0x1  }
0xde: {  	s22 =	simm.s32 $0x1  }
0xdf: {  	v4 =	vld [tilespmem:s22+$0x0];
	_ =	sdelay $0x4  }
0xe0: {  	(v2sf) =	vpush v4, $0x0;
	_ =	sdelay $0x2  }
0xe1: {  	s28 =	simm.s32 $0x2  }
0xe2: {  	v5 =	vld [tilespmem:s28+$0x0];
	_ =	sdelay $0x2  }
0xe3: {  	s5 =	spop (v2sf)  }
0xe4: {  	s29 =	sand.u32 $0x7F, s5  }
0xe5: {  	(v2sf) =	vpush v5, $0x0;
	s6 =	sshra.s32 s5, $0x1F;
	p0 =	slt.s32 s5, $0x1;
	p6 =	sne.s32 s29, $0x0  }
0xe6: {  	s31 =	simm.s32 $0x3;
	s30 =	sshrl.u32 s6, $0x19;
	p0 =	por !p0, !p6  }
0xe7: {  	s1 =	sadd.s32 s30, s5;
	s5 =	simm.s32 $0x1;
	p0 =	por !p0, !p0  }
0xe8: {  	v4 =	vld [tilespmem:s31+$0x0];
	s9 =	sshrl.u32 s1, $0x7;
	s5 =	simm.s32 @!p0 $0x0  }
0xe9: {  	s16 =	simm.s32 $0x10;
	s1 =	simm.s32 $0xFFFFFFFF;
	s17 =	ssub.s32 s9, s5  }
.LBB2_8:
0xea: {  	s5 =	sshra.s32 s16, $0x2  }
0xeb: {  	s6 =	spop (v2sf);
	s9 =	sshll.u32 s17, $0x7;
	s20 =	smov.u32 s0  }
0xec: {  	s16 =	sadd.s32 $0x4, s16;
	s17 =	sshra.s32 s6, $0x1F;
	p0 =	slt.s32 s6, $0x1  }
0xed: {  	(v2sf) =	vpush v4, $0x0;
	p1 =	slt.s32 s9, $0xF4180;
	s21 =	sand.u32 $0x7F, s6;
	s17 =	sshrl.u32 s17, $0x19  }
0xee: {  	s9 =	simm.s32 @!p1 $0xF4180;
	p1 =	sne.s32 s21, $0x0;
	s6 =	sadd.s32 s17, s6  }
0xef: {  	p2 =	sne.s32 s9, s1;
	p0 =	por !p0, !p1;
	p1 =	sne.s32 s16, $0x800  }
.Ltmp3:
0xf0: {  	v4 =	vld [tilespmem:s5+$0x0];
	s5 =	simm.s32 $0x1;
	(pc) =	sbr.rel @p1 .LBB2_8-.Ltmp3, $4  }
0xf1: {  	p0 =	por !p0, !p0;
	s5 =	simm.s32 @!p2 $0x0  }
0xf2: {  	s0 =	sadd.s32 s5, s0;
	s5 =	sshrl.u32 s6, $0x7;
	s6 =	simm.s32 $0x1  }
0xf3: {  	s6 =	simm.s32 @!p0 $0x0;
	p0 =	seq.s32 s9, s1  }
0xf4: {  	s1 =	smov.u32 s9;
	s17 =	ssub.s32 s5, s6;
	[smem:s20] =	sst @!p0 s9  }
0xf5: {  	(v2sf) =	vpush v4, $0x0;
	_ =	sdelay $0x2  }
0xf6: {  	s5 =	spop (v2sf);
	s6 =	sshll.u32 s17, $0x7  }
0xf7: {  	s9 =	sshra.s32 s5, $0x1F;
	p0 =	slt.s32 s5, $0x1;
	p1 =	slt.s32 s6, $0xF4180  }
0xf8: {  	s16 =	sand.u32 $0x7F, s5;
	s9 =	sshrl.u32 s9, $0x19;
	s6 =	simm.s32 @!p1 $0xF4180  }
0xf9: {  	p6 =	sne.s32 s16, $0x0;
	s16 =	simm.s32 $0x1;
	p2 =	sne.s32 s6, s1  }
0xfa: {  	s5 =	sadd.s32 s9, s5;
	p0 =	por !p0, !p6;
	s16 =	simm.s32 @!p2 $0x0  }
0xfb: {  	p0 =	por !p0, !p0;
	s9 =	sadd.s32 s16, s0;
	s16 =	simm.s32 $0x1  }
0xfc: {  	s5 =	sshrl.u32 s5, $0x7;
	s16 =	simm.s32 @!p0 $0x0;
	p0 =	seq.s32 s6, s1  }
0xfd: {  	s17 =	ssub.s32 s5, s16;
	[smem:s0] =	sst @!p0 s6;
	s20 =	spop (v2sf)  }
0xfe: {  	s1 =	sshll.u32 s17, $0x7;
	s21 =	sshra.s32 s20, $0x1F;
	s22 =	sand.u32 $0x7F, s20  }
0xff: {  	p3 =	slt.s32 s20, $0x1;
	p1 =	slt.s32 s1, $0xF4180;
	p4 =	sne.s32 s22, $0x0  }
0x100: {  	s5 =	sshrl.u32 s21, $0x19;
	s1 =	simm.s32 @!p1 $0xF4180;
	p0 =	por !p3, !p4  }
0x101: {  	s0 =	sadd.s32 s5, s20;
	s5 =	simm.s32 $0x1;
	p0 =	por !p0, !p0  }
0x102: {  	s0 =	sshrl.u32 s0, $0x7;
	s5 =	simm.s32 @!p0 $0x0;
	s29 =	spop (v2sf)  }
0x103: {  	p0 =	sne.s32 s1, s6;
	s0 =	ssub.s32 s0, s5;
	s30 =	sand.u32 $0x7F, s29  }
0x104: {  	s31 =	sshra.s32 s29, $0x1F;
	p5 =	slt.s32 s29, $0x1;
	p6 =	sne.s32 s30, $0x0  }
0x105: {  	s5 =	simm.s32 $0x1;
	s17 =	sshrl.u32 s31, $0x19;
	p1 =	por !p5, !p6  }
0x106: {  	s16 =	sadd.s32 s17, s29;
	s17 =	simm.s32 $0x1;
	p1 =	por !p1, !p1  }
0x107: {  	s5 =	simm.s32 @!p0 $0x0;
	s16 =	sshrl.u32 s16, $0x7;
	s17 =	simm.s32 @!p1 $0x0  }
0x108: {  	s0 =	sshll.u32 s0, $0x7;
	p0 =	seq.s32 s1, s6;
	s16 =	ssub.s32 s16, s17  }
0x109: {  	s5 =	sadd.s32 s5, s9;
	p1 =	slt.s32 s0, $0xF4180;
	s6 =	sshll.u32 s16, $0x7  }
0x10a: {  	[smem:s9] =	sst @!p0 s1;
	s0 =	simm.s32 @!p1 $0xF4180;
	p0 =	slt.s32 s6, $0xF4180  }
0x10b: {  	s9 =	simm.s32 $0x1;
	p1 =	sne.s32 s0, s1;
	s6 =	simm.s32 @!p0 $0xF4180  }
0x10c: {  	s16 =	simm.s32 $0x1;
	s9 =	simm.s32 @!p1 $0x0;
	p0 =	sne.s32 s6, s0  }
0x10d: {  	p1 =	seq.s32 s0, s1;
	s9 =	sadd.s32 s9, s5;
	s16 =	simm.s32 @!p0 $0x0  }
0x10e: {  	[smem:s5] =	sst @!p1 s0;
	p0 =	seq.s32 s6, s0;
	s28 =	sadd.s32 s16, s9  }
0x10f: {  	[smem:s9] =	sst @!p0 s6;
	p0 =	slt.s32 s28, $0x1  }
0x110: {  	s0 =	sld @!p0 [smem:$0x0];
	_ =	sdelay $0x1  }
0x111: {  	s5 =	simm.s32 @!p0 $0x400  }
0x112: {  	p1 =	seq.s32 @!p0 s28, $0x1;
	s6 =	simm.s32 @!p0 $0x7A1400;
	s0 =	sand.u32 @!p0 $0xFFFFF80, s0  }
0x113: {  	s9 =	simm.s32 @!p0 $0x11480;
	p1 =	por p0, p1;
	s0 =	sadd.s32 @!p0 s3, s0  }
0x114: {  	[tilespmem:s9], [sflag:$0x1] =	stream.strided.gather @!p0 [hbm4b:s0+s5], $0x1000, s6, s5, $0x38;
	[tilespmem:$0x19480] =	vst v63  }
0x115: {  	p0 =	slt.u32 @!p1 s28, $0x3  }
0x116: {  	s1 =	sld @!p1 [smem:$0x1];
	p0 =	por p1, p0  }
.Ltmp4:
0x117: {  	_ = 	snop;
	(pc) =	sbr.rel @p0 .LBB2_11-.Ltmp4, $4  }
0x118: {  	_ = 	snop  }
0x119: {  	s0 =	sand.u32 @!p1 $0xFFFFF80, s1;
	s1 =	simm.s32 @!p1 $0x400  }
0x11a: {  	s5 =	simm.s32 @!p1 $0x7A1400;
	s6 =	simm.s32 @!p1 $0x12480;
	s0 =	sadd.s32 @!p1 s3, s0  }
0x11b: {  	[tilespmem:s6], [sflag:$0x2] =	stream.strided.gather @!p1 [hbm4b:s0+s1], $0x1000, s5, s1, $0x38;
	[tilespmem:$0x19480] =	vst v63  }
0x11c: {  	s0 =	sld [smem:$0x2]  }
0x11d: {  	p0 =	seq.s32 s28, $0x3  }
0x11e: {  	s5 =	simm.s32 $0x7A1400;
	p2 =	slt.u32 @!p0 s28, $0x5  }
0x11f: {  	s1 =	sld @!p0 [smem:$0x3];
	p3 =	por p2, p0;
	s0 =	sand.u32 $0xFFFFF80, s0  }
0x120: {  	s6 =	simm.s32 $0x13480;
	p4 =	seq.s32 @!p3 s28, $0x5;
	s0 =	sadd.s32 s3, s0  }
0x121: {  	[tilespmem:s6], [sflag:$0x3] =	stream.strided.gather [hbm4b:s0+s15], $0x1000, s5, s15, $0x38;
	[tilespmem:$0x19480] =	vst v63  }
0x122: {  	p1 =	por @!p0 p4, p2;
	s0 =	sand.u32 @!p0 $0xFFFFF80, s1;
	s1 =	simm.s32 @!p0 $0x400  }
0x123: {  	s5 =	simm.s32 @!p0 $0x7A1400;
	s6 =	simm.s32 @!p0 $0x14480;
	s0 =	sadd.s32 @!p0 s3, s0  }
0x124: {  	[tilespmem:s6], [sflag:$0x4] =	stream.strided.gather @!p0 [hbm4b:s0+s1], $0x1000, s5, s1, $0x38;
	[tilespmem:$0x19480] =	vst v63  }
0x125: {  	p1 =	por p1, p0;
	s0 =	sld @!p3 [smem:$0x4]  }
0x126: {  	p5 =	slt.u32 @!p1 s28, $0x7  }
0x127: {  	s9 =	sld @!p1 [smem:$0x5];
	p4 =	por @!p3 p5, p4;
	s1 =	simm.s32 @!p3 $0x400  }
0x128: {  	s5 =	simm.s32 @!p3 $0x7A1400;
	p2 =	por @!p0 p4, p2;
	s0 =	sand.u32 @!p3 $0xFFFFF80, s0  }
0x129: {  	s6 =	simm.s32 @!p3 $0x15480;
	p0 =	por p2, p0;
	s0 =	sadd.s32 @!p3 s3, s0  }
0x12a: {  	[tilespmem:s6], [sflag:$0x5] =	stream.strided.gather @!p3 [hbm4b:s0+s1], $0x1000, s5, s1, $0x38;
	[tilespmem:$0x19480] =	vst v63  }
0x12b: {  	s0 =	sand.u32 @!p1 $0xFFFFF80, s9;
	s1 =	sld @!p0 [smem:$0x6];
	s5 =	simm.s32 @!p1 $0x400  }
0x12c: {  	s6 =	simm.s32 @!p1 $0x7A1400;
	s9 =	simm.s32 @!p1 $0x16480;
	s0 =	sadd.s32 @!p1 s3, s0  }
0x12d: {  	[tilespmem:s9], [sflag:$0x6] =	stream.strided.gather @!p1 [hbm4b:s0+s5], $0x1000, s6, s5, $0x38;
	[tilespmem:$0x19480] =	vst v63  }
0x12e: {  	s5 =	simm.s32 @!p0 $0x7A1400;
	s0 =	sand.u32 @!p0 $0xFFFFF80, s1  }
0x12f: {  	s6 =	simm.s32 @!p0 $0x17480;
	s1 =	simm.s32 @!p0 $0x400;
	s0 =	sadd.s32 @!p0 s3, s0  }
0x130: {  	[tilespmem:s6], [sflag:$0x7] =	stream.strided.gather @!p0 [hbm4b:s0+s1], $0x1000, s5, s1, $0x38;
	[tilespmem:$0x19480] =	vst v63  }
.LBB2_11:
0x131: {  	s29 =	simm.s32 $0x0  }
0x132: {  	v4 =	vld [tilespmem:s29+$0x0];
	_ =	sdelay $0x4  }
0x133: {  	(v2sf) =	vpush v4, $0x0;
	_ =	sdelay $0xe  }
0x134: {  	s0 =	spop (v2sf)  }
0x135: {  	s1 =	sand.u32 $0x7F, s0  }
0x136: {  	s5 =	sshra.s32 s0, $0x1F;
	p0 =	slt.s32 s0, $0x1;
	p1 =	sne.s32 s1, $0x0  }
0x137: {  	s21 =	sshrl.u32 s5, $0x19;
	p0 =	por !p0, !p1  }
0x138: {  	s5 =	simm.s32 $0x1;
	s1 =	sadd.s32 s21, s0;
	p0 =	por !p0, !p0  }
0x139: {  	s1 =	sshrl.u32 s1, $0x7;
	s5 =	simm.s32 @!p0 $0x0  }
0x13a: {  	s1 =	ssub.s32 s1, s5  }
0x13b: {  	s31 =	sshll.u32 s1, $0x7  }
0x13c: {  	p0 =	slt.s32 s31, $0xF4180  }
0x13d: {  	s31 =	simm.s32 @!p0 $0xF4180  }
0x13e: {  	s1 =	simm.s32 $0x1;
	p0 =	sne.s32 s31, $0xFFFFFFFF  }
0x13f: {  	s1 =	simm.s32 @!p0 $0x0  }
0x140: {  	s30 =	sadd.s32 $0xFFFFFFFF, s1  }
0x141: {  	s1 =	sshra.s32 s30, $0x1F  }
0x142: {  	s1 =	sshrl.u32 s1, $0x1D  }
0x143: {  	p1 =	seq.s32 s31, $0xFFFFFFFF;
	s1 =	sadd.s32 s1, s30  }
0x144: {  	s5 =	sadd.s32 @!p1 $0x7, s30;
	s1 =	sand.u32 $0xFFFFFFF8, s1  }
0x145: {  	s6 =	sadd.s32 $0xFFF0BE00, s0;
	p0 =	sge.s32 @!p1 s5, s28;
	s1 =	ssub.s32 s30, s1  }
0x146: {  	p2 =	sgt.s32 s6, $0x0;
	p0 =	por p0, p1;
	s9 =	sadd.s32 @!p1 $0x1, s1  }
0x147: {  	s6 =	simm.s32 @!p2 $0x0;
	s16 =	sshra.s32 @!p0 s5, $0x1F;
	_ =	swait.ge @!p1 [sflag:s9], $0x1000  }
0x148: {  	s6 =	smin.u32 s6, $0x3F;
	s16 =	sshrl.u32 @!p0 s16, $0x1D;
	[sflag:s9] =	ssyncset.done @!p1 $0x0  }
0x149: {  	s17 =	ssub.s32 s0, s31;
	[sflag:s9] =	ssyncadd.s32 @!p1 $0xFFFFF000;
	s9 =	sadd.s32 @!p0 s16, s5  }
0x14a: {  	p1 =	slt.s32 s17, $0x7F;
	s16 =	sld @!p0 [smem:s5+$0x0];
	s9 =	sand.u32 @!p0 $0xFFFFFFF8, s9  }
0x14b: {  	v4 =	vor.u32 s6, v2;
	s17 =	simm.s32 @!p1 $0x7F;
	s5 =	ssub.s32 @!p0 s5, s9  }
0x14c: {  	s20 =	simm.s32 @!p0 $0x7A1400;
	s21 =	simm.s32 @!p0 $0x400;
	v5 =	vadd.s32 s17, v2;
	s9 =	sshll.u32 @!p0 s5, $0xE  }
0x14d: {  	s1 =	sshll.u32 s1, $0xE;
	v6 =	vadd.s32 s17, v1;
	s16 =	sand.u32 @!p0 $0xFFFFF80, s16;
	s9 =	sshra.s32 @!p0 s9, $0x2  }
0x14e: {  	v7 =	vor.u32 s6, v1;
	s5 =	sadd.s32 @!p0 $0x1, s5;
	s9 =	sadd.s32 @!p0 $0x11480, s9;
	s16 =	sadd.s32 @!p0 s3, s16  }
0x14f: {  	[tilespmem:s9], [sflag:s5] =	stream.strided.gather @!p0 [hbm4b:s16+s21], $0x1000, s20, s21, $0x38;
	[tilespmem:$0x19480] =	vst v63  }
0x150: {  	s1 =	sshra.s32 s1, $0x2;
	v8 =	vld.idx.msk [tilespmem:v4+s14+$0x0], $0xffff  }
0x151: {  	v9 =	vld.idx.msk [tilespmem:v5+s1+$0x11480], $0xffff  }
0x152: {  	v4 =	vld.idx.msk [tilespmem:v6+s1+$0x11480], $0xffff  }
0x153: {  	s22 =	simm.s32 $0x0;
	v5 =	vld.idx.msk [tilespmem:v7+s14+$0x0], $0xffff  }
0x154: {  	v6 =	vor.u32 s22, v0  }
0x155: {  	p1 =	sgt.s32 s0, $0xF41FF;
	v7 =	vor.u32 s22, v3  }
0x156: {  	s0 =	simm.s32 $0x1;
	v8 =	vpsel p1, v8, v9  }
.LBB2_12:
0x157: {  	s29 =	sadd.s32 $0x1, s29;
	s1 =	smov.u32 s0;
	s0 =	sadd.s32 $0x1, s0  }
0x158: {  	v4 =	vpsel p1, v5, v4;
	s17 =	smov.u32 s31;
	p0 =	sne.s32 s0, $0x200  }
0x159: {  	[tilespmem:v6+s18+$0x0] =	vst.idx.msk $0xffff, v4  }
0x15a: {  	[tilespmem:v7+s18+$0x0] =	vst.idx.msk $0xffff, v8  }
0x15b: {  	v4 =	vld [tilespmem:s29+$0x0];
	_ =	sdelay $0x4  }
0x15c: {  	(v2sf) =	vpush v4, $0x0;
	_ =	sdelay $0xe  }
0x15d: {  	s16 =	spop (v2sf)  }
0x15e: {  	s5 =	sshra.s32 s16, $0x1F;
	s6 =	sand.u32 $0x7F, s16;
	s9 =	sadd.s32 $0xFFF0BE00, s16  }
0x15f: {  	p1 =	slt.s32 s16, $0x1;
	s5 =	sshrl.u32 s5, $0x19;
	p2 =	sne.s32 s6, $0x0  }
0x160: {  	s5 =	sadd.s32 s5, s16;
	p1 =	por !p1, !p2;
	p2 =	sgt.s32 s9, $0x0  }
0x161: {  	s6 =	simm.s32 $0x1;
	p1 =	por !p1, !p1;
	s9 =	simm.s32 @!p2 $0x0  }
0x162: {  	s5 =	sshrl.u32 s5, $0x7;
	s6 =	simm.s32 @!p1 $0x0;
	s9 =	smin.u32 s9, $0x3F  }
0x163: {  	s5 =	ssub.s32 s5, s6  }
0x164: {  	s31 =	sshll.u32 s5, $0x7  }
0x165: {  	p1 =	slt.s32 s31, $0xF4180  }
0x166: {  	s31 =	simm.s32 @!p1 $0xF4180  }
0x167: {  	s6 =	simm.s32 $0x1;
	p1 =	sne.s32 s31, s17;
	s5 =	ssub.s32 s16, s31  }
0x168: {  	s6 =	simm.s32 @!p1 $0x0;
	p1 =	slt.s32 s5, $0x7F  }
0x169: {  	s30 =	sadd.s32 s6, s30;
	s5 =	simm.s32 @!p1 $0x7F  }
0x16a: {  	s6 =	sshra.s32 s30, $0x1F  }
0x16b: {  	s6 =	sshrl.u32 s6, $0x1D  }
0x16c: {  	p2 =	seq.s32 s31, s17;
	s6 =	sadd.s32 s6, s30  }
0x16d: {  	s17 =	sadd.s32 @!p2 $0x7, s30;
	s6 =	sand.u32 $0xFFFFFFF8, s6  }
0x16e: {  	p1 =	sge.s32 @!p2 s17, s28;
	s6 =	ssub.s32 s30, s6  }
0x16f: {  	p1 =	por p1, p2;
	s20 =	sadd.s32 @!p2 $0x1, s6;
	s6 =	sshll.u32 s6, $0xE  }
0x170: {  	s21 =	sshra.s32 @!p1 s17, $0x1F;
	_ =	swait.ge @!p2 [sflag:s20], $0x1000  }
0x171: {  	s21 =	sshrl.u32 @!p1 s21, $0x1D;
	[sflag:s20] =	ssyncset.done @!p2 $0x0  }
0x172: {  	[sflag:s20] =	ssyncadd.s32 @!p2 $0xFFFFF000;
	s20 =	sadd.s32 @!p1 s21, s17  }
0x173: {  	s21 =	sld @!p1 [smem:s17+$0x0];
	s20 =	sand.u32 @!p1 $0xFFFFFFF8, s20  }
0x174: {  	v4 =	vor.u32 s9, v2;
	s17 =	ssub.s32 @!p1 s17, s20  }
0x175: {  	v5 =	vadd.s32 s5, v2;
	s20 =	sshll.u32 @!p1 s17, $0xE;
	s17 =	sadd.s32 @!p1 $0x1, s17  }
0x176: {  	v7 =	vor.u32 s9, v1;
	v6 =	vadd.s32 s5, v1;
	s22 =	simm.s32 @!p1 $0x7A1400;
	s21 =	sand.u32 @!p1 $0xFFFFF80, s21;
	s20 =	sshra.s32 @!p1 s20, $0x2  }
0x177: {  	s5 =	sadd.s32 @!p1 $0x11480, s20;
	s9 =	sadd.s32 @!p1 s3, s21;
	s20 =	simm.s32 @!p1 $0x400  }
0x178: {  	[tilespmem:s5], [sflag:s17] =	stream.strided.gather @!p1 [hbm4b:s9+s20], $0x1000, s22, s20, $0x38;
	[tilespmem:$0x19480] =	vst v63  }
0x179: {  	s5 =	sshra.s32 s6, $0x2;
	v8 =	vld.idx.msk [tilespmem:v4+s14+$0x0], $0xffff  }
0x17a: {  	v9 =	vld.idx.msk [tilespmem:v5+s5+$0x11480], $0xffff  }
0x17b: {  	v4 =	vld.idx.msk [tilespmem:v6+s5+$0x11480], $0xffff  }
.Ltmp5:
0x17c: {  	s1 =	sshll.u32 s1, $0x7;
	v5 =	vld.idx.msk [tilespmem:v7+s14+$0x0], $0xffff;
	(pc) =	sbr.rel @p0 .LBB2_12-.Ltmp5, $4  }
0x17d: {  	v6 =	vor.u32 s1, v0  }
0x17e: {  	v7 =	vor.u32 s1, v3  }
0x17f: {  	p1 =	sgt.s32 s16, $0xF41FF  }
0x180: {  	v8 =	vpsel p1, v8, v9  }
0x181: {  	_ =	sdelay $0x2  }
0x182: {  	v4 =	vpsel p1, v5, v4  }
0x183: {  	[tilespmem:v6+s18+$0x0] =	vst.idx.msk $0xffff, v4  }
0x184: {  	[tilespmem:v7+s18+$0x0] =	vst.idx.msk $0xffff, v8  }
0x185: {  	[hbm4b:s8+s19] =	stream.indirect.scatter [tilespmem:s18], [sflag:$0x9], $0x80, s13, s19, $0xb8;
	[tilespmem:$0x19480] =	vst v63  }
0x186: {  	s0 =	simm.s32 $0x300;
	s1 =	simm.s32 $0x4480  }
0x187: {  	[hbm4b:s8+s19] =	stream.indirect.scatter [tilespmem:s1], [sflag:$0x9], $0x80, s0, s19, $0xb8;
	[tilespmem:$0x19480] =	vst v63  }
0x188: {  	s31 =	simm.s32 $0x380  }
0x189: {  	[hbm4b:s8+s19] =	stream.indirect.scatter [tilespmem:s23], [sflag:$0x9], $0x80, s31, s19, $0xb8;
	[tilespmem:$0x19480] =	vst v63  }
0x18a: {  	_ = 	snop  }
0x18b: {  	[hbm4b:s8+s19] =	stream.indirect.scatter [tilespmem:s24], [sflag:$0x9], $0x80, s15, s19, $0xb8;
	[tilespmem:$0x19480] =	vst v63  }
0x18c: {  	_ =	swait.ge [sflag:s25], $0x4000  }
0x18d: {  	[sflag:s25] =	ssyncset.done $0x0  }
0x18e: {  	[sflag:s25] =	ssyncadd.s32 $0xFFFFC000  }
0x18f: {  	_ =	swait.ge [sflag:s25], $0x4000  }
0x190: {  	[sflag:s25] =	ssyncset.done $0x0  }
0x191: {  	s26 =	sadd.s32 $0x1, s26;
	[sflag:s25] =	ssyncadd.s32 $0xFFFFC000  }
0x192: {  	p0 =	sne.s32 s26, s11;
	_ =	swait.ge [sflag:s25], $0x4000  }
.Ltmp6:
0x193: {  	[sflag:s25] =	ssyncset.done $0x0;
	(pc) =	sbr.rel @p0 .LBB2_1-.Ltmp6, $4  }
0x194: {  	[sflag:s25] =	ssyncadd.s32 $0xFFFFC000  }
0x195: {  	_ =	swait.ge [sflag:s25], $0x4000  }
0x196: {  	[sflag:s25] =	ssyncset.done $0x0  }
0x197: {  	[sflag:s25] =	ssyncadd.s32 $0xFFFFC000  }
0x198: {  	_ =	sfence.sel $0x180000  }
0x199: {  	[bflag:$0x0] =	sbarrier.arrive $0xFFFF  }
0x19a: {  	_ =	strace $0x9000004A  }
0x19b: {  	s0 =	stileid.u32;
	[bflag:$0x2] =	sbarrier.arrive $0xFFFF  }
0x19c: {  	p0 =	sne.s32 s0, $0x0;
	s0 =	rddreg [dreg:$0x3]  }
0x19d: {  	s0 =	sadd.s32 @!p0 $0x100000, s0  }
0x19e: {  	[sflag:s0] =	ssyncadd.tile.s32 @!p0 $0x1;
	_ =	shalt  }
.Lfunc_end2:
_tile_overlayer_lowered:
.L_overlay_start_2:
0x19f: {  	(tag) =	ssettag $0x2  }
0x1a0: {  	s0 =	rddreg [dreg:$0x0];
	s2 =	stileid.u32  }
0x1a1: {  	s1 =	rddreg [dreg:$0x1];
	p0 =	sne.s32 s2, $0x0  }
0x1a2: {  	s3 =	rddreg [dreg:$0x2];
	[bflag:$0x3] =	sbarrier.arrive $0xFFFF;
	s2 =	simm.s32 @!p0 $0x1C0A  }
0x1a3: {  	[timem:s3], [sflag:s2] =	dma.local @!p0 [hbm:s0], s1  }
0x1a4: {  	s0 =	simm.s32 @!p0 $0xA  }
0x1a5: {  	_ =	swait.ge @!p0 [sflag:s0], s1  }
0x1a6: {  	s1 =	ssub.s32 @!p0 $0x0, s1;
	[sflag:s0] =	ssyncset.done @!p0 $0x0  }
0x1a7: {  	[sflag:s0] =	ssyncadd.s32 @!p0 s1  }
0x1a8: {  	[bflag:$0x3] =	sbarrier.arrive $0xFFFF  }
0x1a9: {  	_ =	shalt  }

</sc_bundles>
